<compile_context>
chip_gen: v7x
topology: tpu7x:2x2x1
jax: 0.10.2.dev20260603
libtpu: 0.0.44.dev20260713+nightly
codegen_flags: <defaults>
</compile_context>

<pallas_src>
import jax
import jax.numpy as jnp
from jax import lax
from jax.experimental import pallas as pl
from jax.experimental.pallas import tpu as pltpu
from jax.experimental.pallas import tpu_sc as plsc

N = 10000
D = 256
RL = 8
E = 160000
E2 = 2 * E
NW = 32
PER_W = E2 // NW
C = 80
NCHUNK = PER_W // C
GROUPS = C // 16


def _prep_body(x_ref, r_ref, xn_ref, ab_ref):
    x = x_ref[...]
    r = r_ref[...]
    s = jnp.sum(x * x, axis=1, keepdims=True)
    inv = 1.0 / jnp.maximum(jnp.sqrt(s), 1e-12)
    xn = x * inv
    q = s * inv * inv
    p = lax.dot_general(xn, r, (((1,), (1,)), ((), ())),
                        preferred_element_type=jnp.float32)
    r2 = jnp.sum(r * r, axis=1)[None, :]
    a = q + 0.5 * r2 + 2.0 * p
    b = q + 0.5 * r2 - 2.0 * p
    xn_ref[...] = xn.astype(jnp.bfloat16)
    blk = x.shape[0]
    ab_ref[...] = jnp.concatenate(
        [a, b, jnp.zeros((blk, 128 - 2 * RL), jnp.float32)], axis=1)


def _prep(x, r_pad):
    blk = 2000
    xn16, ab = pl.pallas_call(
        _prep_body,
        grid=(N // blk,),
        in_specs=[
            pl.BlockSpec((blk, D), lambda i: (i, 0)),
            pl.BlockSpec((RL, D), lambda i: (0, 0)),
        ],
        out_specs=[
            pl.BlockSpec((blk, D), lambda i: (i, 0)),
            pl.BlockSpec((blk, 128), lambda i: (i, 0)),
        ],
        out_shape=[
            jax.ShapeDtypeStruct((N, D), jnp.bfloat16),
            jax.ShapeDtypeStruct((N, 128), jnp.float32),
        ],
    )(x, r_pad)
    abf = jnp.reshape(ab[:, :2 * RL], (N * 2 * RL,))
    return xn16, abf


def _lane_perm(v, idx):
    dn = lax.GatherDimensionNumbers(
        offset_dims=(), collapsed_slice_dims=(0,), start_index_map=(0,))
    return lax.gather(v, idx[:, None], dn, slice_sizes=(1,),
                      mode=lax.GatherScatterMode.PROMISE_IN_BOUNDS)


def _sc_body(xn_ref, abf_ref, heads_ref, tails_ref, labels_ref, out_ref,
             hidx, tidx, lidx, aidx, bidx, hrows, trows, av, bv, outv,
             sem_i0, sem_i1, sem_r0, sem_r1, sem_o0, sem_o1):
    wid = lax.axis_index("s") * 2 + lax.axis_index("c")
    base = wid * PER_W
    sem_i = (sem_i0, sem_i1)
    sem_r = (sem_r0, sem_r1)
    sem_o = (sem_o0, sem_o1)

    def fire_idx(ci, b):
        off = base + ci * C
        pltpu.async_copy(heads_ref.at[pl.ds(off, C)], hidx.at[b], sem_i[b])
        pltpu.async_copy(tails_ref.at[pl.ds(off, C)], tidx.at[b], sem_i[b])
        pltpu.async_copy(labels_ref.at[pl.ds(off, C)], lidx.at[b], sem_i[b])

    def wait_idx(b):
        pltpu.make_async_copy(heads_ref.at[pl.ds(0, C)], hidx.at[b], sem_i[b]).wait()
        pltpu.make_async_copy(tails_ref.at[pl.ds(0, C)], tidx.at[b], sem_i[b]).wait()
        pltpu.make_async_copy(labels_ref.at[pl.ds(0, C)], lidx.at[b], sem_i[b]).wait()

    def fire_rows(b):
        for g in range(GROUPS):
            sl = pl.ds(g * 16, 16)
            hv16 = hidx.at[b][sl]
            tv16 = tidx.at[b][sl]
            lv16 = lidx.at[b][sl]
            aidx.at[b][sl] = hv16 * (2 * RL) + lv16
            bidx.at[b][sl] = tv16 * (2 * RL) + (RL + lv16)
        pltpu.async_copy(xn_ref.at[hidx.at[b]], hrows.at[b], sem_r[b])
        pltpu.async_copy(xn_ref.at[tidx.at[b]], trows.at[b], sem_r[b])
        pltpu.async_copy(abf_ref.at[aidx.at[b]], av.at[b], sem_r[b])
        pltpu.async_copy(abf_ref.at[bidx.at[b]], bv.at[b], sem_r[b])

    def wait_rows(b):
        pltpu.make_async_copy(xn_ref.at[hidx.at[b]], hrows.at[b], sem_r[b]).wait()
        pltpu.make_async_copy(xn_ref.at[tidx.at[b]], trows.at[b], sem_r[b]).wait()
        pltpu.make_async_copy(abf_ref.at[aidx.at[b]], av.at[b], sem_r[b]).wait()
        pltpu.make_async_copy(abf_ref.at[bidx.at[b]], bv.at[b], sem_r[b]).wait()

    def compute(ci, b):
        hrb = hrows.at[b]
        trb = trows.at[b]
        avb = av.at[b]
        bvb = bv.at[b]
        ov = outv.at[b]

        @pl.when(ci >= 2)
        def _():
            pltpu.make_async_copy(ov, out_ref.at[pl.ds(0, C)], sem_o[b]).wait()

        def group(g, carry2):
            lane = lax.broadcasted_iota(jnp.int32, (16,), 0)

            def edge(j, res):
                e = g * 16 + j
                acc32 = jnp.zeros((32,), jnp.bfloat16)
                for k in range(D // 64):
                    h0, h1 = plsc.unpack(
                        hrb[e, pl.ds(k * 64, 64)],
                        format=plsc.PackFormat.INTERLEAVED,
                        preferred_element_type=jnp.bfloat16)
                    t0, t1 = plsc.unpack(
                        trb[e, pl.ds(k * 64, 64)],
                        format=plsc.PackFormat.INTERLEAVED,
                        preferred_element_type=jnp.bfloat16)
                    acc32 = acc32 + h0 * t0 + h1 * t1
                ai = plsc.bitcast(acc32, jnp.int32)
                lo = plsc.bitcast(ai << 16, jnp.float32)
                hi = plsc.bitcast(ai & jnp.int32(-65536), jnp.float32)
                acc = lo + hi
                for sh in (1, 2, 4, 8):
                    acc = acc + _lane_perm(acc, lane ^ sh)
                return jnp.where(lane == j, acc, res)

            dots = lax.fori_loop(0, 16, edge, jnp.zeros((16,), jnp.float32))
            sl = pl.ds(g * 16, 16)
            ov[sl] = avb[sl] + bvb[sl] - 2.0 * dots
            return carry2

        lax.fori_loop(0, GROUPS, group, 0)
        pltpu.async_copy(ov, out_ref.at[pl.ds(base + ci * C, C)], sem_o[b])

    fire_idx(0, 0)
    fire_idx(1, 1)
    wait_idx(0)
    fire_rows(0)

    def pair(i, carry):
        for b in range(2):
            c = 2 * i + b
            wait_idx(1 - b)
            fire_rows(1 - b)
            wait_rows(b)

            @pl.when(c + 2 < NCHUNK)
            def _():
                fire_idx(c + 2, b)

            compute(c, b)
        return carry

    lax.fori_loop(0, (NCHUNK - 1) // 2, pair, 0)
    wait_rows(0)
    compute(NCHUNK - 1, 0)
    pltpu.make_async_copy(outv.at[0], out_ref.at[pl.ds(0, C)], sem_o[0]).wait()
    pltpu.make_async_copy(outv.at[1], out_ref.at[pl.ds(0, C)], sem_o[1]).wait()


_sc_dots = pl.kernel(
    _sc_body,
    out_type=jax.ShapeDtypeStruct((E2,), jnp.float32),
    mesh=plsc.VectorSubcoreMesh(core_axis_name="c", subcore_axis_name="s"),
    scratch_types=[
        pltpu.VMEM((2, C), jnp.int32),
        pltpu.VMEM((2, C), jnp.int32),
        pltpu.VMEM((2, C), jnp.int32),
        pltpu.VMEM((2, C), jnp.int32),
        pltpu.VMEM((2, C), jnp.int32),
        pltpu.VMEM((2, C, D), jnp.float8_e4m3fn),
        pltpu.VMEM((2, C, D), jnp.float8_e4m3fn),
        pltpu.VMEM((2, C), jnp.float32),
        pltpu.VMEM((2, C), jnp.float32),
        pltpu.VMEM((2, C), jnp.float32),
        pltpu.SemaphoreType.DMA,
        pltpu.SemaphoreType.DMA,
        pltpu.SemaphoreType.DMA,
        pltpu.SemaphoreType.DMA,
        pltpu.SemaphoreType.DMA,
        pltpu.SemaphoreType.DMA,
    ],
    compiler_params=pltpu.CompilerParams(use_tc_tiling_on_sc=False,
                                         needs_layout_passes=False),
)


def _reduce_body(s2_ref, out_ref):
    v = s2_ref[...]
    y = jnp.sqrt(jnp.maximum(v, 0.0))
    t = jnp.log1p(jnp.exp(-y))
    rowid = lax.broadcasted_iota(jnp.int32, v.shape, 0)
    posy = jnp.where(rowid < E // 128, y, 0.0)
    total = (jnp.sum(t) + jnp.sum(posy)) * (1.0 / E2)
    out_ref[...] = jnp.reshape(total, (1, 1))


def kernel(x, pos_edge_label_index, pos_edge_label,
           neg_edge_label_index, neg_edge_label, rel_weight):
    r_pad = jnp.pad(rel_weight, ((0, RL - rel_weight.shape[0]), (0, 0)))
    xn16, abf = _prep(x, r_pad)
    xn8 = xn16.astype(jnp.float8_e4m3fn)
    heads = jnp.concatenate([pos_edge_label_index[0], neg_edge_label_index[0]])
    tails = jnp.concatenate([pos_edge_label_index[1], neg_edge_label_index[1]])
    labels = jnp.concatenate([pos_edge_label, neg_edge_label])
    s2 = _sc_dots(xn8, abf, heads, tails, labels)
    loss = pl.pallas_call(
        _reduce_body,
        out_shape=jax.ShapeDtypeStruct((1, 1), jnp.float32),
    )(s2.reshape(E2 // 128, 128))
    return loss[0, 0]

# --- scband reference (transcript-rebuilt; emitter-appended) ---
"""Pipeline reference for scband-model-59622736003341 (READ-ONLY COPY).

The authoritative reference and input builder live on the scoring server;
editing this copy changes nothing except your own understanding.
"""

import math
import jax, jax.numpy as jnp
import numpy as np


def _l2_normalize(v, eps=1e-12):
    n = jnp.sqrt(jnp.sum(v * v, axis=-1, keepdims=True))
    return v / jnp.maximum(n, eps)


def setup_inputs(seed: int = 0) -> dict:
    key = jax.random.key(seed)
    k1, k2, k3, k4, k5, k6 = jax.random.split(key, 6)
    N, D, E = 10000, 256, 160000
    x = jax.random.normal(k1, (N, D), dtype=jnp.float32)
    pos_edge_label_index = jax.random.randint(k2, (2, E), 0, N, dtype=jnp.int32)
    pos_edge_label = jax.random.randint(k3, (E,), 0, 5, dtype=jnp.int32)
    neg_edge_label_index = jax.random.randint(k4, (2, E), 0, N, dtype=jnp.int32)
    neg_edge_label = jax.random.randint(k5, (E,), 0, 5, dtype=jnp.int32)
    # rel_embedding: Embedding(5, 256), uniform(-6/sqrt(256), 6/sqrt(256)) then row-wise L2 normalize
    bound = 6.0 / math.sqrt(256)
    rel_weight = jax.random.uniform(k6, (5, D), minval=-bound, maxval=bound, dtype=jnp.float32)
    rel_weight = _l2_normalize(rel_weight)
    return {
        "x": x,
        "pos_edge_label_index": pos_edge_label_index,
        "pos_edge_label": pos_edge_label,
        "neg_edge_label_index": neg_edge_label_index,
        "neg_edge_label": neg_edge_label,
        "rel_weight": rel_weight,
    }


def _calc_score(x, edge_label_index, edge_label, rel_weight):
    head_emb = jnp.take(x, edge_label_index[0], axis=0)
    tail_emb = jnp.take(x, edge_label_index[1], axis=0)
    rel_emb = jnp.take(rel_weight, edge_label, axis=0)
    head_emb = _l2_normalize(head_emb)
    tail_emb = _l2_normalize(tail_emb)
    diff = head_emb + rel_emb - tail_emb
    score = -jnp.sqrt(jnp.sum(diff * diff, axis=-1))
    return score


def reference(x, pos_edge_label_index, pos_edge_label, neg_edge_label_index, neg_edge_label, rel_weight):
    # gnn_model is None -> forward returns x_dict unchanged; embs = x_dict['capec'] = x
    pos_score = _calc_score(x, pos_edge_label_index, pos_edge_label, rel_weight)
    neg_score = _calc_score(x, neg_edge_label_index, neg_edge_label, rel_weight)
    scores = jnp.concatenate([pos_score, neg_score], axis=0)
    target = jnp.concatenate([jnp.ones_like(pos_score), jnp.zeros_like(neg_score)], axis=0)
    # binary_cross_entropy_with_logits (numerically stable, mean reduction)
    loss = jnp.mean(jnp.maximum(scores, 0.0) - scores * target + jnp.log1p(jnp.exp(-jnp.abs(scores))))
    return loss

if __name__ == "__main__":
    import jax
    _d = setup_inputs()
    print(jax.jit(kernel)(*tuple(_d.values())))

</pallas_src>

<mosaic_0001>
#map = affine_map<(d0, d1) -> (0, 0)>
#map1 = affine_map<(d0, d1) -> (0)>
module attributes {stable_mosaic.version = 14 : i64} {
  func.func @_sc_body(%arg0: i32, %arg1: i32, %arg2: memref<10000x256xf8E4M3FN, #tpu.memory_space<hbm>>, %arg3: memref<160000xf32, #tpu.memory_space<hbm>>, %arg4: memref<320000xi32, #tpu.memory_space<hbm>>, %arg5: memref<320000xi32, #tpu.memory_space<hbm>>, %arg6: memref<320000xi32, #tpu.memory_space<hbm>>, %arg7: memref<320000xf32, #tpu.memory_space<hbm>>, %arg8: memref<2x80xi32, #tpu.memory_space<vmem>>, %arg9: memref<2x80xi32, #tpu.memory_space<vmem>>, %arg10: memref<2x80xi32, #tpu.memory_space<vmem>>, %arg11: memref<2x80xi32, #tpu.memory_space<vmem>>, %arg12: memref<2x80xi32, #tpu.memory_space<vmem>>, %arg13: memref<2x80x256xf8E4M3FN, #tpu.memory_space<vmem>>, %arg14: memref<2x80x256xf8E4M3FN, #tpu.memory_space<vmem>>, %arg15: memref<2x80xf32, #tpu.memory_space<vmem>>, %arg16: memref<2x80xf32, #tpu.memory_space<vmem>>, %arg17: memref<2x80xf32, #tpu.memory_space<vmem>>, %arg18: memref<!tpu.dma_semaphore, #tpu.memory_space<semaphore_mem>>, %arg19: memref<!tpu.dma_semaphore, #tpu.memory_space<semaphore_mem>>, %arg20: memref<!tpu.dma_semaphore, #tpu.memory_space<semaphore_mem>>, %arg21: memref<!tpu.dma_semaphore, #tpu.memory_space<semaphore_mem>>, %arg22: memref<!tpu.dma_semaphore, #tpu.memory_space<semaphore_mem>>, %arg23: memref<!tpu.dma_semaphore, #tpu.memory_space<semaphore_mem>>) attributes {dimension_semantics = [#tpu.dimension_semantics<core_parallel>, #tpu.dimension_semantics<subcore_parallel>], iteration_bounds = array<i64: 2, 16>, scalar_prefetch = 0 : i64, scratch_operands = 16 : i64, tpu.core_type = #tpu.core_type<sc_vector_subcore>, window_params = [{transform_indices = #map}, {transform_indices = #map1}, {transform_indices = #map1}, {transform_indices = #map1}, {transform_indices = #map1}, {transform_indices = #map1}]} {
    %mul3A = arith.constant 2 : i32
    %mul3A_0 = arith.muli %arg1, %mul3A : i32
    %add3A = arith.addi %mul3A_0, %arg0 : i32
    %mul3A_1 = arith.constant 10000 : i32
    %mul3A_2 = arith.muli %add3A, %mul3A_1 : i32
    %add3A_3 = arith.constant 0 : i32
    %add3A_4 = arith.addi %mul3A_2, %add3A_3 : i32
    %dma_start3A = arith.constant 0 : i32
    %dma_start3A_5 = arith.constant 0 : i32
    %dma_start3A_6 = tpu.memref_slice %arg8[%dma_start3A, %dma_start3A_5] : memref<2x80xi32, #tpu.memory_space<vmem>> -> memref<1x80xi32, #tpu.memory_space<vmem>>
    %dma_start3A_7 = tpu.memref_squeeze %dma_start3A_6 : memref<1x80xi32, #tpu.memory_space<vmem>> -> memref<80xi32, #tpu.memory_space<vmem>>
    %dma_start3A_8 = tpu.memref_slice %arg4[%add3A_4] : memref<320000xi32, #tpu.memory_space<hbm>> -> memref<80xi32, #tpu.memory_space<hbm>>
    %dma_start3A_9 = arith.constant 0 : i32
    %dma_start3A_10 = tpu.memref_slice %arg8[%dma_start3A, %dma_start3A_9] : memref<2x80xi32, #tpu.memory_space<vmem>> -> memref<1x80xi32, #tpu.memory_space<vmem>>
    %dma_start3A_11 = tpu.memref_squeeze %dma_start3A_10 : memref<1x80xi32, #tpu.memory_space<vmem>> -> memref<80xi32, #tpu.memory_space<vmem>>
    %dma_start3A_12 = tpu.memref_slice %arg4[%add3A_4] : memref<320000xi32, #tpu.memory_space<hbm>> -> memref<80xi32, #tpu.memory_space<hbm>>
    tpu.enqueue_dma source(%dma_start3A_12 : memref<80xi32, #tpu.memory_space<hbm>>) target(%dma_start3A_11 : memref<80xi32, #tpu.memory_space<vmem>>) target_semaphore(%arg18 : memref<!tpu.dma_semaphore, #tpu.memory_space<semaphore_mem>>)
    %dma_start3A_13 = arith.constant 0 : i32
    %dma_start3A_14 = arith.constant 0 : i32
    %dma_start3A_15 = tpu.memref_slice %arg9[%dma_start3A_13, %dma_start3A_14] : memref<2x80xi32, #tpu.memory_space<vmem>> -> memref<1x80xi32, #tpu.memory_space<vmem>>
    %dma_start3A_16 = tpu.memref_squeeze %dma_start3A_15 : memref<1x80xi32, #tpu.memory_space<vmem>> -> memref<80xi32, #tpu.memory_space<vmem>>
    %dma_start3A_17 = tpu.memref_slice %arg5[%add3A_4] : memref<320000xi32, #tpu.memory_space<hbm>> -> memref<80xi32, #tpu.memory_space<hbm>>
    %dma_start3A_18 = arith.constant 0 : i32
    %dma_start3A_19 = tpu.memref_slice %arg9[%dma_start3A_13, %dma_start3A_18] : memref<2x80xi32, #tpu.memory_space<vmem>> -> memref<1x80xi32, #tpu.memory_space<vmem>>
    %dma_start3A_20 = tpu.memref_squeeze %dma_start3A_19 : memref<1x80xi32, #tpu.memory_space<vmem>> -> memref<80xi32, #tpu.memory_space<vmem>>
    %dma_start3A_21 = tpu.memref_slice %arg5[%add3A_4] : memref<320000xi32, #tpu.memory_space<hbm>> -> memref<80xi32, #tpu.memory_space<hbm>>
    tpu.enqueue_dma source(%dma_start3A_21 : memref<80xi32, #tpu.memory_space<hbm>>) target(%dma_start3A_20 : memref<80xi32, #tpu.memory_space<vmem>>) target_semaphore(%arg18 : memref<!tpu.dma_semaphore, #tpu.memory_space<semaphore_mem>>)
    %dma_start3A_22 = arith.constant 0 : i32
    %dma_start3A_23 = arith.constant 0 : i32
    %dma_start3A_24 = tpu.memref_slice %arg10[%dma_start3A_22, %dma_start3A_23] : memref<2x80xi32, #tpu.memory_space<vmem>> -> memref<1x80xi32, #tpu.memory_space<vmem>>
    %dma_start3A_25 = tpu.memref_squeeze %dma_start3A_24 : memref<1x80xi32, #tpu.memory_space<vmem>> -> memref<80xi32, #tpu.memory_space<vmem>>
    %dma_start3A_26 = tpu.memref_slice %arg6[%add3A_4] : memref<320000xi32, #tpu.memory_space<hbm>> -> memref<80xi32, #tpu.memory_space<hbm>>
    %dma_start3A_27 = arith.constant 0 : i32
    %dma_start3A_28 = tpu.memref_slice %arg10[%dma_start3A_22, %dma_start3A_27] : memref<2x80xi32, #tpu.memory_space<vmem>> -> memref<1x80xi32, #tpu.memory_space<vmem>>
    %dma_start3A_29 = tpu.memref_squeeze %dma_start3A_28 : memref<1x80xi32, #tpu.memory_space<vmem>> -> memref<80xi32, #tpu.memory_space<vmem>>
    %dma_start3A_30 = tpu.memref_slice %arg6[%add3A_4] : memref<320000xi32, #tpu.memory_space<hbm>> -> memref<80xi32, #tpu.memory_space<hbm>>
    tpu.enqueue_dma source(%dma_start3A_30 : memref<80xi32, #tpu.memory_space<hbm>>) target(%dma_start3A_29 : memref<80xi32, #tpu.memory_space<vmem>>) target_semaphore(%arg18 : memref<!tpu.dma_semaphore, #tpu.memory_space<semaphore_mem>>)
    %add3A_31 = arith.constant 80 : i32
    %add3A_32 = arith.addi %mul3A_2, %add3A_31 : i32
    %dma_start3A_33 = arith.constant 1 : i32
    %dma_start3A_34 = arith.constant 0 : i32
    %dma_start3A_35 = tpu.memref_slice %arg8[%dma_start3A_33, %dma_start3A_34] : memref<2x80xi32, #tpu.memory_space<vmem>> -> memref<1x80xi32, #tpu.memory_space<vmem>>
    %dma_start3A_36 = tpu.memref_squeeze %dma_start3A_35 : memref<1x80xi32, #tpu.memory_space<vmem>> -> memref<80xi32, #tpu.memory_space<vmem>>
    %dma_start3A_37 = tpu.memref_slice %arg4[%add3A_32] : memref<320000xi32, #tpu.memory_space<hbm>> -> memref<80xi32, #tpu.memory_space<hbm>>
    %dma_start3A_38 = arith.constant 0 : i32
    %dma_start3A_39 = tpu.memref_slice %arg8[%dma_start3A_33, %dma_start3A_38] : memref<2x80xi32, #tpu.memory_space<vmem>> -> memref<1x80xi32, #tpu.memory_space<vmem>>
    %dma_start3A_40 = tpu.memref_squeeze %dma_start3A_39 : memref<1x80xi32, #tpu.memory_space<vmem>> -> memref<80xi32, #tpu.memory_space<vmem>>
    %dma_start3A_41 = tpu.memref_slice %arg4[%add3A_32] : memref<320000xi32, #tpu.memory_space<hbm>> -> memref<80xi32, #tpu.memory_space<hbm>>
    tpu.enqueue_dma source(%dma_start3A_41 : memref<80xi32, #tpu.memory_space<hbm>>) target(%dma_start3A_40 : memref<80xi32, #tpu.memory_space<vmem>>) target_semaphore(%arg19 : memref<!tpu.dma_semaphore, #tpu.memory_space<semaphore_mem>>)
    %dma_start3A_42 = arith.constant 1 : i32
    %dma_start3A_43 = arith.constant 0 : i32
    %dma_start3A_44 = tpu.memref_slice %arg9[%dma_start3A_42, %dma_start3A_43] : memref<2x80xi32, #tpu.memory_space<vmem>> -> memref<1x80xi32, #tpu.memory_space<vmem>>
    %dma_start3A_45 = tpu.memref_squeeze %dma_start3A_44 : memref<1x80xi32, #tpu.memory_space<vmem>> -> memref<80xi32, #tpu.memory_space<vmem>>
    %dma_start3A_46 = tpu.memref_slice %arg5[%add3A_32] : memref<320000xi32, #tpu.memory_space<hbm>> -> memref<80xi32, #tpu.memory_space<hbm>>
    %dma_start3A_47 = arith.constant 0 : i32
    %dma_start3A_48 = tpu.memref_slice %arg9[%dma_start3A_42, %dma_start3A_47] : memref<2x80xi32, #tpu.memory_space<vmem>> -> memref<1x80xi32, #tpu.memory_space<vmem>>
    %dma_start3A_49 = tpu.memref_squeeze %dma_start3A_48 : memref<1x80xi32, #tpu.memory_space<vmem>> -> memref<80xi32, #tpu.memory_space<vmem>>
    %dma_start3A_50 = tpu.memref_slice %arg5[%add3A_32] : memref<320000xi32, #tpu.memory_space<hbm>> -> memref<80xi32, #tpu.memory_space<hbm>>
    tpu.enqueue_dma source(%dma_start3A_50 : memref<80xi32, #tpu.memory_space<hbm>>) target(%dma_start3A_49 : memref<80xi32, #tpu.memory_space<vmem>>) target_semaphore(%arg19 : memref<!tpu.dma_semaphore, #tpu.memory_space<semaphore_mem>>)
    %dma_start3A_51 = arith.constant 1 : i32
    %dma_start3A_52 = arith.constant 0 : i32
    %dma_start3A_53 = tpu.memref_slice %arg10[%dma_start3A_51, %dma_start3A_52] : memref<2x80xi32, #tpu.memory_space<vmem>> -> memref<1x80xi32, #tpu.memory_space<vmem>>
    %dma_start3A_54 = tpu.memref_squeeze %dma_start3A_53 : memref<1x80xi32, #tpu.memory_space<vmem>> -> memref<80xi32, #tpu.memory_space<vmem>>
    %dma_start3A_55 = tpu.memref_slice %arg6[%add3A_32] : memref<320000xi32, #tpu.memory_space<hbm>> -> memref<80xi32, #tpu.memory_space<hbm>>
    %dma_start3A_56 = arith.constant 0 : i32
    %dma_start3A_57 = tpu.memref_slice %arg10[%dma_start3A_51, %dma_start3A_56] : memref<2x80xi32, #tpu.memory_space<vmem>> -> memref<1x80xi32, #tpu.memory_space<vmem>>
    %dma_start3A_58 = tpu.memref_squeeze %dma_start3A_57 : memref<1x80xi32, #tpu.memory_space<vmem>> -> memref<80xi32, #tpu.memory_space<vmem>>
    %dma_start3A_59 = tpu.memref_slice %arg6[%add3A_32] : memref<320000xi32, #tpu.memory_space<hbm>> -> memref<80xi32, #tpu.memory_space<hbm>>
    tpu.enqueue_dma source(%dma_start3A_59 : memref<80xi32, #tpu.memory_space<hbm>>) target(%dma_start3A_58 : memref<80xi32, #tpu.memory_space<vmem>>) target_semaphore(%arg19 : memref<!tpu.dma_semaphore, #tpu.memory_space<semaphore_mem>>)
    %dma_wait3A = arith.constant 0 : i32
    %dma_wait3A_60 = arith.constant 0 : i32
    %dma_wait3A_61 = tpu.memref_slice %arg8[%dma_wait3A, %dma_wait3A_60] : memref<2x80xi32, #tpu.memory_space<vmem>> -> memref<1x80xi32, #tpu.memory_space<vmem>>
    %dma_wait3A_62 = tpu.memref_squeeze %dma_wait3A_61 : memref<1x80xi32, #tpu.memory_space<vmem>> -> memref<80xi32, #tpu.memory_space<vmem>>
    %dma_wait3A_63 = arith.constant 0 : i32
    %dma_wait3A_64 = tpu.memref_slice %arg4[%dma_wait3A_63] : memref<320000xi32, #tpu.memory_space<hbm>> -> memref<80xi32, #tpu.memory_space<hbm>>
    %dma_wait3A_65 = arith.constant 0 : i32
    %dma_wait3A_66 = tpu.memref_slice %arg8[%dma_wait3A, %dma_wait3A_65] : memref<2x80xi32, #tpu.memory_space<vmem>> -> memref<1x80xi32, #tpu.memory_space<vmem>>
    %dma_wait3A_67 = tpu.memref_squeeze %dma_wait3A_66 : memref<1x80xi32, #tpu.memory_space<vmem>> -> memref<80xi32, #tpu.memory_space<vmem>>
    %dma_wait3A_68 = arith.constant 0 : i32
    %dma_wait3A_69 = tpu.memref_slice %arg4[%dma_wait3A_68] : memref<320000xi32, #tpu.memory_space<hbm>> -> memref<80xi32, #tpu.memory_space<hbm>>
    tpu.wait_dma2 semaphore(%arg18 : memref<!tpu.dma_semaphore, #tpu.memory_space<semaphore_mem>>) src(%dma_wait3A_69 : memref<80xi32, #tpu.memory_space<hbm>>) dst(%dma_wait3A_67 : memref<80xi32, #tpu.memory_space<vmem>>)
    %dma_wait3A_70 = arith.constant 0 : i32
    %dma_wait3A_71 = arith.constant 0 : i32
    %dma_wait3A_72 = tpu.memref_slice %arg9[%dma_wait3A_70, %dma_wait3A_71] : memref<2x80xi32, #tpu.memory_space<vmem>> -> memref<1x80xi32, #tpu.memory_space<vmem>>
    %dma_wait3A_73 = tpu.memref_squeeze %dma_wait3A_72 : memref<1x80xi32, #tpu.memory_space<vmem>> -> memref<80xi32, #tpu.memory_space<vmem>>
    %dma_wait3A_74 = arith.constant 0 : i32
    %dma_wait3A_75 = tpu.memref_slice %arg5[%dma_wait3A_74] : memref<320000xi32, #tpu.memory_space<hbm>> -> memref<80xi32, #tpu.memory_space<hbm>>
    %dma_wait3A_76 = arith.constant 0 : i32
    %dma_wait3A_77 = tpu.memref_slice %arg9[%dma_wait3A_70, %dma_wait3A_76] : memref<2x80xi32, #tpu.memory_space<vmem>> -> memref<1x80xi32, #tpu.memory_space<vmem>>
    %dma_wait3A_78 = tpu.memref_squeeze %dma_wait3A_77 : memref<1x80xi32, #tpu.memory_space<vmem>> -> memref<80xi32, #tpu.memory_space<vmem>>
    %dma_wait3A_79 = arith.constant 0 : i32
    %dma_wait3A_80 = tpu.memref_slice %arg5[%dma_wait3A_79] : memref<320000xi32, #tpu.memory_space<hbm>> -> memref<80xi32, #tpu.memory_space<hbm>>
    tpu.wait_dma2 semaphore(%arg18 : memref<!tpu.dma_semaphore, #tpu.memory_space<semaphore_mem>>) src(%dma_wait3A_80 : memref<80xi32, #tpu.memory_space<hbm>>) dst(%dma_wait3A_78 : memref<80xi32, #tpu.memory_space<vmem>>)
    %dma_wait3A_81 = arith.constant 0 : i32
    %dma_wait3A_82 = arith.constant 0 : i32
    %dma_wait3A_83 = tpu.memref_slice %arg10[%dma_wait3A_81, %dma_wait3A_82] : memref<2x80xi32, #tpu.memory_space<vmem>> -> memref<1x80xi32, #tpu.memory_space<vmem>>
    %dma_wait3A_84 = tpu.memref_squeeze %dma_wait3A_83 : memref<1x80xi32, #tpu.memory_space<vmem>> -> memref<80xi32, #tpu.memory_space<vmem>>
    %dma_wait3A_85 = arith.constant 0 : i32
    %dma_wait3A_86 = tpu.memref_slice %arg6[%dma_wait3A_85] : memref<320000xi32, #tpu.memory_space<hbm>> -> memref<80xi32, #tpu.memory_space<hbm>>
    %dma_wait3A_87 = arith.constant 0 : i32
    %dma_wait3A_88 = tpu.memref_slice %arg10[%dma_wait3A_81, %dma_wait3A_87] : memref<2x80xi32, #tpu.memory_space<vmem>> -> memref<1x80xi32, #tpu.memory_space<vmem>>
    %dma_wait3A_89 = tpu.memref_squeeze %dma_wait3A_88 : memref<1x80xi32, #tpu.memory_space<vmem>> -> memref<80xi32, #tpu.memory_space<vmem>>
    %dma_wait3A_90 = arith.constant 0 : i32
    %dma_wait3A_91 = tpu.memref_slice %arg6[%dma_wait3A_90] : memref<320000xi32, #tpu.memory_space<hbm>> -> memref<80xi32, #tpu.memory_space<hbm>>
    tpu.wait_dma2 semaphore(%arg18 : memref<!tpu.dma_semaphore, #tpu.memory_space<semaphore_mem>>) src(%dma_wait3A_91 : memref<80xi32, #tpu.memory_space<hbm>>) dst(%dma_wait3A_89 : memref<80xi32, #tpu.memory_space<vmem>>)
    %get3A = arith.constant 0 : i32
    %get3A_92 = arith.constant 0 : i32
    %get3A_93 = tpu.memref_slice %arg8[%get3A, %get3A_92] : memref<2x80xi32, #tpu.memory_space<vmem>> -> memref<1x80xi32, #tpu.memory_space<vmem>>
    %get3A_94 = tpu.memref_squeeze %get3A_93 : memref<1x80xi32, #tpu.memory_space<vmem>> -> memref<80xi32, #tpu.memory_space<vmem>>
    %get3A_95 = arith.constant 0 : index
    %get3A_96 = tpu.vector_load %get3A_94[%get3A_95] {strides = array<i32>} : memref<80xi32, #tpu.memory_space<vmem>>, vector<16xi32>,
    %get3A_97 = arith.constant 0 : i32
    %get3A_98 = arith.constant 0 : i32
    %get3A_99 = tpu.memref_slice %arg9[%get3A_97, %get3A_98] : memref<2x80xi32, #tpu.memory_space<vmem>> -> memref<1x80xi32, #tpu.memory_space<vmem>>
    %get3A_100 = tpu.memref_squeeze %get3A_99 : memref<1x80xi32, #tpu.memory_space<vmem>> -> memref<80xi32, #tpu.memory_space<vmem>>
    %get3A_101 = arith.constant 0 : index
    %get3A_102 = tpu.vector_load %get3A_100[%get3A_101] {strides = array<i32>} : memref<80xi32, #tpu.memory_space<vmem>>, vector<16xi32>,
    %get3A_103 = arith.constant 0 : i32
    %get3A_104 = arith.constant 0 : i32
    %get3A_105 = tpu.memref_slice %arg10[%get3A_103, %get3A_104] : memref<2x80xi32, #tpu.memory_space<vmem>> -> memref<1x80xi32, #tpu.memory_space<vmem>>
    %get3A_106 = tpu.memref_squeeze %get3A_105 : memref<1x80xi32, #tpu.memory_space<vmem>> -> memref<80xi32, #tpu.memory_space<vmem>>
    %get3A_107 = arith.constant 0 : index
    %get3A_108 = tpu.vector_load %get3A_106[%get3A_107] {strides = array<i32>} : memref<80xi32, #tpu.memory_space<vmem>>, vector<16xi32>,
    %mul3A_109 = arith.constant 16 : i32
    %mul3A_110 = vector.broadcast %mul3A_109 : i32 to vector<16xi32>
    %mul3A_111 = arith.muli %get3A_96, %mul3A_110 : vector<16xi32>
    %add3A_112 = arith.addi %mul3A_111, %get3A_108 : vector<16xi32>
    %swap3A = arith.constant 0 : i32
    %swap3A_113 = arith.constant 0 : i32
    %swap3A_114 = tpu.memref_slice %arg11[%swap3A, %swap3A_113] : memref<2x80xi32, #tpu.memory_space<vmem>> -> memref<1x80xi32, #tpu.memory_space<vmem>>
    %swap3A_115 = tpu.memref_squeeze %swap3A_114 : memref<1x80xi32, #tpu.memory_space<vmem>> -> memref<80xi32, #tpu.memory_space<vmem>>
    %swap3A_116 = arith.constant 0 : index
    %swap3A_117 = tpu.vector_load %swap3A_115[%swap3A_116] {strides = array<i32>} : memref<80xi32, #tpu.memory_space<vmem>>, vector<16xi32>,
    tpu.vector_store %swap3A_115[%swap3A_116], %add3A_112 {strides = array<i32>} : memref<80xi32, #tpu.memory_space<vmem>>, vector<16xi32>,
    %mul3A_118 = arith.constant 16 : i32
    %mul3A_119 = vector.broadcast %mul3A_118 : i32 to vector<16xi32>
    %mul3A_120 = arith.muli %get3A_102, %mul3A_119 : vector<16xi32>
    %add3A_121 = arith.constant 8 : i32
    %add3A_122 = vector.broadcast %add3A_121 : i32 to vector<16xi32>
    %add3A_123 = arith.addi %add3A_122, %get3A_108 : vector<16xi32>
    %add3A_124 = arith.addi %mul3A_120, %add3A_123 : vector<16xi32>
    %swap3A_125 = arith.constant 0 : i32
    %swap3A_126 = arith.constant 0 : i32
    %swap3A_127 = tpu.memref_slice %arg12[%swap3A_125, %swap3A_126] : memref<2x80xi32, #tpu.memory_space<vmem>> -> memref<1x80xi32, #tpu.memory_space<vmem>>
    %swap3A_128 = tpu.memref_squeeze %swap3A_127 : memref<1x80xi32, #tpu.memory_space<vmem>> -> memref<80xi32, #tpu.memory_space<vmem>>
    %swap3A_129 = arith.constant 0 : index
    %swap3A_130 = tpu.vector_load %swap3A_128[%swap3A_129] {strides = array<i32>} : memref<80xi32, #tpu.memory_space<vmem>>, vector<16xi32>,
    tpu.vector_store %swap3A_128[%swap3A_129], %add3A_124 {strides = array<i32>} : memref<80xi32, #tpu.memory_space<vmem>>, vector<16xi32>,
    %get3A_131 = arith.constant 0 : i32
    %get3A_132 = arith.constant 0 : i32
    %get3A_133 = tpu.memref_slice %arg8[%get3A_131, %get3A_132] : memref<2x80xi32, #tpu.memory_space<vmem>> -> memref<1x80xi32, #tpu.memory_space<vmem>>
    %get3A_134 = tpu.memref_squeeze %get3A_133 : memref<1x80xi32, #tpu.memory_space<vmem>> -> memref<80xi32, #tpu.memory_space<vmem>>
    %get3A_135 = arith.constant 16 : index
    %get3A_136 = tpu.vector_load %get3A_134[%get3A_135] {strides = array<i32>} : memref<80xi32, #tpu.memory_space<vmem>>, vector<16xi32>,
    %get3A_137 = arith.constant 0 : i32
    %get3A_138 = arith.constant 0 : i32
    %get3A_139 = tpu.memref_slice %arg9[%get3A_137, %get3A_138] : memref<2x80xi32, #tpu.memory_space<vmem>> -> memref<1x80xi32, #tpu.memory_space<vmem>>
    %get3A_140 = tpu.memref_squeeze %get3A_139 : memref<1x80xi32, #tpu.memory_space<vmem>> -> memref<80xi32, #tpu.memory_space<vmem>>
    %get3A_141 = arith.constant 16 : index
    %get3A_142 = tpu.vector_load %get3A_140[%get3A_141] {strides = array<i32>} : memref<80xi32, #tpu.memory_space<vmem>>, vector<16xi32>,
    %get3A_143 = arith.constant 0 : i32
    %get3A_144 = arith.constant 0 : i32
    %get3A_145 = tpu.memref_slice %arg10[%get3A_143, %get3A_144] : memref<2x80xi32, #tpu.memory_space<vmem>> -> memref<1x80xi32, #tpu.memory_space<vmem>>
    %get3A_146 = tpu.memref_squeeze %get3A_145 : memref<1x80xi32, #tpu.memory_space<vmem>> -> memref<80xi32, #tpu.memory_space<vmem>>
    %get3A_147 = arith.constant 16 : index
    %get3A_148 = tpu.vector_load %get3A_146[%get3A_147] {strides = array<i32>} : memref<80xi32, #tpu.memory_space<vmem>>, vector<16xi32>,
    %mul3A_149 = arith.constant 16 : i32
    %mul3A_150 = vector.broadcast %mul3A_149 : i32 to vector<16xi32>
    %mul3A_151 = arith.muli %get3A_136, %mul3A_150 : vector<16xi32>
    %add3A_152 = arith.addi %mul3A_151, %get3A_148 : vector<16xi32>
    %swap3A_153 = arith.constant 0 : i32
    %swap3A_154 = arith.constant 0 : i32
    %swap3A_155 = tpu.memref_slice %arg11[%swap3A_153, %swap3A_154] : memref<2x80xi32, #tpu.memory_space<vmem>> -> memref<1x80xi32, #tpu.memory_space<vmem>>
    %swap3A_156 = tpu.memref_squeeze %swap3A_155 : memref<1x80xi32, #tpu.memory_space<vmem>> -> memref<80xi32, #tpu.memory_space<vmem>>
    %swap3A_157 = arith.constant 16 : index
    %swap3A_158 = tpu.vector_load %swap3A_156[%swap3A_157] {strides = array<i32>} : memref<80xi32, #tpu.memory_space<vmem>>, vector<16xi32>,
    tpu.vector_store %swap3A_156[%swap3A_157], %add3A_152 {strides = array<i32>} : memref<80xi32, #tpu.memory_space<vmem>>, vector<16xi32>,
    %mul3A_159 = arith.constant 16 : i32
    %mul3A_160 = vector.broadcast %mul3A_159 : i32 to vector<16xi32>
    %mul3A_161 = arith.muli %get3A_142, %mul3A_160 : vector<16xi32>
    %add3A_162 = arith.constant 8 : i32
    %add3A_163 = vector.broadcast %add3A_162 : i32 to vector<16xi32>
    %add3A_164 = arith.addi %add3A_163, %get3A_148 : vector<16xi32>
    %add3A_165 = arith.addi %mul3A_161, %add3A_164 : vector<16xi32>
    %swap3A_166 = arith.constant 0 : i32
    %swap3A_167 = arith.constant 0 : i32
    %swap3A_168 = tpu.memref_slice %arg12[%swap3A_166, %swap3A_167] : memref<2x80xi32, #tpu.memory_space<vmem>> -> memref<1x80xi32, #tpu.memory_space<vmem>>
    %swap3A_169 = tpu.memref_squeeze %swap3A_168 : memref<1x80xi32, #tpu.memory_space<vmem>> -> memref<80xi32, #tpu.memory_space<vmem>>
    %swap3A_170 = arith.constant 16 : index
    %swap3A_171 = tpu.vector_load %swap3A_169[%swap3A_170] {strides = array<i32>} : memref<80xi32, #tpu.memory_space<vmem>>, vector<16xi32>,
    tpu.vector_store %swap3A_169[%swap3A_170], %add3A_165 {strides = array<i32>} : memref<80xi32, #tpu.memory_space<vmem>>, vector<16xi32>,
    %get3A_172 = arith.constant 0 : i32
    %get3A_173 = arith.constant 0 : i32
    %get3A_174 = tpu.memref_slice %arg8[%get3A_172, %get3A_173] : memref<2x80xi32, #tpu.memory_space<vmem>> -> memref<1x80xi32, #tpu.memory_space<vmem>>
    %get3A_175 = tpu.memref_squeeze %get3A_174 : memref<1x80xi32, #tpu.memory_space<vmem>> -> memref<80xi32, #tpu.memory_space<vmem>>
    %get3A_176 = arith.constant 32 : index
    %get3A_177 = tpu.vector_load %get3A_175[%get3A_176] {strides = array<i32>} : memref<80xi32, #tpu.memory_space<vmem>>, vector<16xi32>,
    %get3A_178 = arith.constant 0 : i32
    %get3A_179 = arith.constant 0 : i32
    %get3A_180 = tpu.memref_slice %arg9[%get3A_178, %get3A_179] : memref<2x80xi32, #tpu.memory_space<vmem>> -> memref<1x80xi32, #tpu.memory_space<vmem>>
    %get3A_181 = tpu.memref_squeeze %get3A_180 : memref<1x80xi32, #tpu.memory_space<vmem>> -> memref<80xi32, #tpu.memory_space<vmem>>
    %get3A_182 = arith.constant 32 : index
    %get3A_183 = tpu.vector_load %get3A_181[%get3A_182] {strides = array<i32>} : memref<80xi32, #tpu.memory_space<vmem>>, vector<16xi32>,
    %get3A_184 = arith.constant 0 : i32
    %get3A_185 = arith.constant 0 : i32
    %get3A_186 = tpu.memref_slice %arg10[%get3A_184, %get3A_185] : memref<2x80xi32, #tpu.memory_space<vmem>> -> memref<1x80xi32, #tpu.memory_space<vmem>>
    %get3A_187 = tpu.memref_squeeze %get3A_186 : memref<1x80xi32, #tpu.memory_space<vmem>> -> memref<80xi32, #tpu.memory_space<vmem>>
    %get3A_188 = arith.constant 32 : index
    %get3A_189 = tpu.vector_load %get3A_187[%get3A_188] {strides = array<i32>} : memref<80xi32, #tpu.memory_space<vmem>>, vector<16xi32>,
    %mul3A_190 = arith.constant 16 : i32
    %mul3A_191 = vector.broadcast %mul3A_190 : i32 to vector<16xi32>
    %mul3A_192 = arith.muli %get3A_177, %mul3A_191 : vector<16xi32>
    %add3A_193 = arith.addi %mul3A_192, %get3A_189 : vector<16xi32>
    %swap3A_194 = arith.constant 0 : i32
    %swap3A_195 = arith.constant 0 : i32
    %swap3A_196 = tpu.memref_slice %arg11[%swap3A_194, %swap3A_195] : memref<2x80xi32, #tpu.memory_space<vmem>> -> memref<1x80xi32, #tpu.memory_space<vmem>>
    %swap3A_197 = tpu.memref_squeeze %swap3A_196 : memref<1x80xi32, #tpu.memory_space<vmem>> -> memref<80xi32, #tpu.memory_space<vmem>>
    %swap3A_198 = arith.constant 32 : index
    %swap3A_199 = tpu.vector_load %swap3A_197[%swap3A_198] {strides = array<i32>} : memref<80xi32, #tpu.memory_space<vmem>>, vector<16xi32>,
    tpu.vector_store %swap3A_197[%swap3A_198], %add3A_193 {strides = array<i32>} : memref<80xi32, #tpu.memory_space<vmem>>, vector<16xi32>,
    %mul3A_200 = arith.constant 16 : i32
    %mul3A_201 = vector.broadcast %mul3A_200 : i32 to vector<16xi32>
    %mul3A_202 = arith.muli %get3A_183, %mul3A_201 : vector<16xi32>
    %add3A_203 = arith.constant 8 : i32
    %add3A_204 = vector.broadcast %add3A_203 : i32 to vector<16xi32>
    %add3A_205 = arith.addi %add3A_204, %get3A_189 : vector<16xi32>
    %add3A_206 = arith.addi %mul3A_202, %add3A_205 : vector<16xi32>
    %swap3A_207 = arith.constant 0 : i32
    %swap3A_208 = arith.constant 0 : i32
    %swap3A_209 = tpu.memref_slice %arg12[%swap3A_207, %swap3A_208] : memref<2x80xi32, #tpu.memory_space<vmem>> -> memref<1x80xi32, #tpu.memory_space<vmem>>
    %swap3A_210 = tpu.memref_squeeze %swap3A_209 : memref<1x80xi32, #tpu.memory_space<vmem>> -> memref<80xi32, #tpu.memory_space<vmem>>
    %swap3A_211 = arith.constant 32 : index
    %swap3A_212 = tpu.vector_load %swap3A_210[%swap3A_211] {strides = array<i32>} : memref<80xi32, #tpu.memory_space<vmem>>, vector<16xi32>,
    tpu.vector_store %swap3A_210[%swap3A_211], %add3A_206 {strides = array<i32>} : memref<80xi32, #tpu.memory_space<vmem>>, vector<16xi32>,
    %get3A_213 = arith.constant 0 : i32
    %get3A_214 = arith.constant 0 : i32
    %get3A_215 = tpu.memref_slice %arg8[%get3A_213, %get3A_214] : memref<2x80xi32, #tpu.memory_space<vmem>> -> memref<1x80xi32, #tpu.memory_space<vmem>>
    %get3A_216 = tpu.memref_squeeze %get3A_215 : memref<1x80xi32, #tpu.memory_space<vmem>> -> memref<80xi32, #tpu.memory_space<vmem>>
    %get3A_217 = arith.constant 48 : index
    %get3A_218 = tpu.vector_load %get3A_216[%get3A_217] {strides = array<i32>} : memref<80xi32, #tpu.memory_space<vmem>>, vector<16xi32>,
    %get3A_219 = arith.constant 0 : i32
    %get3A_220 = arith.constant 0 : i32
    %get3A_221 = tpu.memref_slice %arg9[%get3A_219, %get3A_220] : memref<2x80xi32, #tpu.memory_space<vmem>> -> memref<1x80xi32, #tpu.memory_space<vmem>>
    %get3A_222 = tpu.memref_squeeze %get3A_221 : memref<1x80xi32, #tpu.memory_space<vmem>> -> memref<80xi32, #tpu.memory_space<vmem>>
    %get3A_223 = arith.constant 48 : index
    %get3A_224 = tpu.vector_load %get3A_222[%get3A_223] {strides = array<i32>} : memref<80xi32, #tpu.memory_space<vmem>>, vector<16xi32>,
    %get3A_225 = arith.constant 0 : i32
    %get3A_226 = arith.constant 0 : i32
    %get3A_227 = tpu.memref_slice %arg10[%get3A_225, %get3A_226] : memref<2x80xi32, #tpu.memory_space<vmem>> -> memref<1x80xi32, #tpu.memory_space<vmem>>
    %get3A_228 = tpu.memref_squeeze %get3A_227 : memref<1x80xi32, #tpu.memory_space<vmem>> -> memref<80xi32, #tpu.memory_space<vmem>>
    %get3A_229 = arith.constant 48 : index
    %get3A_230 = tpu.vector_load %get3A_228[%get3A_229] {strides = array<i32>} : memref<80xi32, #tpu.memory_space<vmem>>, vector<16xi32>,
    %mul3A_231 = arith.constant 16 : i32
    %mul3A_232 = vector.broadcast %mul3A_231 : i32 to vector<16xi32>
    %mul3A_233 = arith.muli %get3A_218, %mul3A_232 : vector<16xi32>
    %add3A_234 = arith.addi %mul3A_233, %get3A_230 : vector<16xi32>
    %swap3A_235 = arith.constant 0 : i32
    %swap3A_236 = arith.constant 0 : i32
    %swap3A_237 = tpu.memref_slice %arg11[%swap3A_235, %swap3A_236] : memref<2x80xi32, #tpu.memory_space<vmem>> -> memref<1x80xi32, #tpu.memory_space<vmem>>
    %swap3A_238 = tpu.memref_squeeze %swap3A_237 : memref<1x80xi32, #tpu.memory_space<vmem>> -> memref<80xi32, #tpu.memory_space<vmem>>
    %swap3A_239 = arith.constant 48 : index
    %swap3A_240 = tpu.vector_load %swap3A_238[%swap3A_239] {strides = array<i32>} : memref<80xi32, #tpu.memory_space<vmem>>, vector<16xi32>,
    tpu.vector_store %swap3A_238[%swap3A_239], %add3A_234 {strides = array<i32>} : memref<80xi32, #tpu.memory_space<vmem>>, vector<16xi32>,
    %mul3A_241 = arith.constant 16 : i32
    %mul3A_242 = vector.broadcast %mul3A_241 : i32 to vector<16xi32>
    %mul3A_243 = arith.muli %get3A_224, %mul3A_242 : vector<16xi32>
    %add3A_244 = arith.constant 8 : i32
    %add3A_245 = vector.broadcast %add3A_244 : i32 to vector<16xi32>
    %add3A_246 = arith.addi %add3A_245, %get3A_230 : vector<16xi32>
    %add3A_247 = arith.addi %mul3A_243, %add3A_246 : vector<16xi32>
    %swap3A_248 = arith.constant 0 : i32
    %swap3A_249 = arith.constant 0 : i32
    %swap3A_250 = tpu.memref_slice %arg12[%swap3A_248, %swap3A_249] : memref<2x80xi32, #tpu.memory_space<vmem>> -> memref<1x80xi32, #tpu.memory_space<vmem>>
    %swap3A_251 = tpu.memref_squeeze %swap3A_250 : memref<1x80xi32, #tpu.memory_space<vmem>> -> memref<80xi32, #tpu.memory_space<vmem>>
    %swap3A_252 = arith.constant 48 : index
    %swap3A_253 = tpu.vector_load %swap3A_251[%swap3A_252] {strides = array<i32>} : memref<80xi32, #tpu.memory_space<vmem>>, vector<16xi32>,
    tpu.vector_store %swap3A_251[%swap3A_252], %add3A_247 {strides = array<i32>} : memref<80xi32, #tpu.memory_space<vmem>>, vector<16xi32>,
    %get3A_254 = arith.constant 0 : i32
    %get3A_255 = arith.constant 0 : i32
    %get3A_256 = tpu.memref_slice %arg8[%get3A_254, %get3A_255] : memref<2x80xi32, #tpu.memory_space<vmem>> -> memref<1x80xi32, #tpu.memory_space<vmem>>
    %get3A_257 = tpu.memref_squeeze %get3A_256 : memref<1x80xi32, #tpu.memory_space<vmem>> -> memref<80xi32, #tpu.memory_space<vmem>>
    %get3A_258 = arith.constant 64 : index
    %get3A_259 = tpu.vector_load %get3A_257[%get3A_258] {strides = array<i32>} : memref<80xi32, #tpu.memory_space<vmem>>, vector<16xi32>,
    %get3A_260 = arith.constant 0 : i32
    %get3A_261 = arith.constant 0 : i32
    %get3A_262 = tpu.memref_slice %arg9[%get3A_260, %get3A_261] : memref<2x80xi32, #tpu.memory_space<vmem>> -> memref<1x80xi32, #tpu.memory_space<vmem>>
    %get3A_263 = tpu.memref_squeeze %get3A_262 : memref<1x80xi32, #tpu.memory_space<vmem>> -> memref<80xi32, #tpu.memory_space<vmem>>
    %get3A_264 = arith.constant 64 : index
    %get3A_265 = tpu.vector_load %get3A_263[%get3A_264] {strides = array<i32>} : memref<80xi32, #tpu.memory_space<vmem>>, vector<16xi32>,
    %get3A_266 = arith.constant 0 : i32
    %get3A_267 = arith.constant 0 : i32
    %get3A_268 = tpu.memref_slice %arg10[%get3A_266, %get3A_267] : memref<2x80xi32, #tpu.memory_space<vmem>> -> memref<1x80xi32, #tpu.memory_space<vmem>>
    %get3A_269 = tpu.memref_squeeze %get3A_268 : memref<1x80xi32, #tpu.memory_space<vmem>> -> memref<80xi32, #tpu.memory_space<vmem>>
    %get3A_270 = arith.constant 64 : index
    %get3A_271 = tpu.vector_load %get3A_269[%get3A_270] {strides = array<i32>} : memref<80xi32, #tpu.memory_space<vmem>>, vector<16xi32>,
    %mul3A_272 = arith.constant 16 : i32
    %mul3A_273 = vector.broadcast %mul3A_272 : i32 to vector<16xi32>
    %mul3A_274 = arith.muli %get3A_259, %mul3A_273 : vector<16xi32>
    %add3A_275 = arith.addi %mul3A_274, %get3A_271 : vector<16xi32>
    %swap3A_276 = arith.constant 0 : i32
    %swap3A_277 = arith.constant 0 : i32
    %swap3A_278 = tpu.memref_slice %arg11[%swap3A_276, %swap3A_277] : memref<2x80xi32, #tpu.memory_space<vmem>> -> memref<1x80xi32, #tpu.memory_space<vmem>>
    %swap3A_279 = tpu.memref_squeeze %swap3A_278 : memref<1x80xi32, #tpu.memory_space<vmem>> -> memref<80xi32, #tpu.memory_space<vmem>>
    %swap3A_280 = arith.constant 64 : index
    %swap3A_281 = tpu.vector_load %swap3A_279[%swap3A_280] {strides = array<i32>} : memref<80xi32, #tpu.memory_space<vmem>>, vector<16xi32>,
    tpu.vector_store %swap3A_279[%swap3A_280], %add3A_275 {strides = array<i32>} : memref<80xi32, #tpu.memory_space<vmem>>, vector<16xi32>,
    %mul3A_282 = arith.constant 16 : i32
    %mul3A_283 = vector.broadcast %mul3A_282 : i32 to vector<16xi32>
    %mul3A_284 = arith.muli %get3A_265, %mul3A_283 : vector<16xi32>
    %add3A_285 = arith.constant 8 : i32
    %add3A_286 = vector.broadcast %add3A_285 : i32 to vector<16xi32>
    %add3A_287 = arith.addi %add3A_286, %get3A_271 : vector<16xi32>
    %add3A_288 = arith.addi %mul3A_284, %add3A_287 : vector<16xi32>
    %swap3A_289 = arith.constant 0 : i32
    %swap3A_290 = arith.constant 0 : i32
    %swap3A_291 = tpu.memref_slice %arg12[%swap3A_289, %swap3A_290] : memref<2x80xi32, #tpu.memory_space<vmem>> -> memref<1x80xi32, #tpu.memory_space<vmem>>
    %swap3A_292 = tpu.memref_squeeze %swap3A_291 : memref<1x80xi32, #tpu.memory_space<vmem>> -> memref<80xi32, #tpu.memory_space<vmem>>
    %swap3A_293 = arith.constant 64 : index
    %swap3A_294 = tpu.vector_load %swap3A_292[%swap3A_293] {strides = array<i32>} : memref<80xi32, #tpu.memory_space<vmem>>, vector<16xi32>,
    tpu.vector_store %swap3A_292[%swap3A_293], %add3A_288 {strides = array<i32>} : memref<80xi32, #tpu.memory_space<vmem>>, vector<16xi32>,
    %dma_start3A_295 = arith.constant 0 : i32
    %dma_start3A_296 = arith.constant 0 : i32
    %dma_start3A_297 = arith.constant 0 : i32
    %dma_start3A_298 = arith.constant 0 : i32
    %dma_start3A_299 = tpu.memref_slice %arg13[%dma_start3A_296, %dma_start3A_297, %dma_start3A_298] : memref<2x80x256xf8E4M3FN, #tpu.memory_space<vmem>> -> memref<1x80x256xf8E4M3FN, #tpu.memory_space<vmem>>
    %dma_start3A_300 = tpu.memref_squeeze %dma_start3A_299 : memref<1x80x256xf8E4M3FN, #tpu.memory_space<vmem>> -> memref<80x256xf8E4M3FN, #tpu.memory_space<vmem>>
    %dma_start3A_301 = arith.constant 0 : i32
    %dma_start3A_302 = tpu.memref_slice %arg8[%dma_start3A_295, %dma_start3A_301] : memref<2x80xi32, #tpu.memory_space<vmem>> -> memref<1x80xi32, #tpu.memory_space<vmem>>
    %dma_start3A_303 = tpu.memref_squeeze %dma_start3A_302 : memref<1x80xi32, #tpu.memory_space<vmem>> -> memref<80xi32, #tpu.memory_space<vmem>>
    %dma_start3A_304 = arith.constant 0 : i32
    %dma_start3A_305 = arith.constant 0 : i32
    %dma_start3A_306 = tpu.memref_slice %arg2[%dma_start3A_304, %dma_start3A_305] : memref<10000x256xf8E4M3FN, #tpu.memory_space<hbm>> -> memref<10000x256xf8E4M3FN, #tpu.memory_space<hbm>>
    tpu.enqueue_indirect_dma source(%dma_start3A_306 : memref<10000x256xf8E4M3FN, #tpu.memory_space<hbm>>) target(%dma_start3A_300 : memref<80x256xf8E4M3FN, #tpu.memory_space<vmem>>) offsets(%dma_start3A_303 : memref<80xi32, #tpu.memory_space<vmem>>) semaphore(%arg20 : memref<!tpu.dma_semaphore, #tpu.memory_space<semaphore_mem>>)
    %dma_start3A_307 = arith.constant 0 : i32
    %dma_start3A_308 = arith.constant 0 : i32
    %dma_start3A_309 = arith.constant 0 : i32
    %dma_start3A_310 = arith.constant 0 : i32
    %dma_start3A_311 = tpu.memref_slice %arg14[%dma_start3A_308, %dma_start3A_309, %dma_start3A_310] : memref<2x80x256xf8E4M3FN, #tpu.memory_space<vmem>> -> memref<1x80x256xf8E4M3FN, #tpu.memory_space<vmem>>
    %dma_start3A_312 = tpu.memref_squeeze %dma_start3A_311 : memref<1x80x256xf8E4M3FN, #tpu.memory_space<vmem>> -> memref<80x256xf8E4M3FN, #tpu.memory_space<vmem>>
    %dma_start3A_313 = arith.constant 0 : i32
    %dma_start3A_314 = tpu.memref_slice %arg9[%dma_start3A_307, %dma_start3A_313] : memref<2x80xi32, #tpu.memory_space<vmem>> -> memref<1x80xi32, #tpu.memory_space<vmem>>
    %dma_start3A_315 = tpu.memref_squeeze %dma_start3A_314 : memref<1x80xi32, #tpu.memory_space<vmem>> -> memref<80xi32, #tpu.memory_space<vmem>>
    %dma_start3A_316 = arith.constant 0 : i32
    %dma_start3A_317 = arith.constant 0 : i32
    %dma_start3A_318 = tpu.memref_slice %arg2[%dma_start3A_316, %dma_start3A_317] : memref<10000x256xf8E4M3FN, #tpu.memory_space<hbm>> -> memref<10000x256xf8E4M3FN, #tpu.memory_space<hbm>>
    tpu.enqueue_indirect_dma source(%dma_start3A_318 : memref<10000x256xf8E4M3FN, #tpu.memory_space<hbm>>) target(%dma_start3A_312 : memref<80x256xf8E4M3FN, #tpu.memory_space<vmem>>) offsets(%dma_start3A_315 : memref<80xi32, #tpu.memory_space<vmem>>) semaphore(%arg20 : memref<!tpu.dma_semaphore, #tpu.memory_space<semaphore_mem>>)
    %dma_start3A_319 = arith.constant 0 : i32
    %dma_start3A_320 = arith.constant 0 : i32
    %dma_start3A_321 = arith.constant 0 : i32
    %dma_start3A_322 = tpu.memref_slice %arg15[%dma_start3A_320, %dma_start3A_321] : memref<2x80xf32, #tpu.memory_space<vmem>> -> memref<1x80xf32, #tpu.memory_space<vmem>>
    %dma_start3A_323 = tpu.memref_squeeze %dma_start3A_322 : memref<1x80xf32, #tpu.memory_space<vmem>> -> memref<80xf32, #tpu.memory_space<vmem>>
    %dma_start3A_324 = arith.constant 0 : i32
    %dma_start3A_325 = tpu.memref_slice %arg11[%dma_start3A_319, %dma_start3A_324] : memref<2x80xi32, #tpu.memory_space<vmem>> -> memref<1x80xi32, #tpu.memory_space<vmem>>
    %dma_start3A_326 = tpu.memref_squeeze %dma_start3A_325 : memref<1x80xi32, #tpu.memory_space<vmem>> -> memref<80xi32, #tpu.memory_space<vmem>>
    %dma_start3A_327 = arith.constant 0 : i32
    %dma_start3A_328 = tpu.memref_slice %arg3[%dma_start3A_327] : memref<160000xf32, #tpu.memory_space<hbm>> -> memref<160000xf32, #tpu.memory_space<hbm>>
    tpu.enqueue_indirect_dma source(%dma_start3A_328 : memref<160000xf32, #tpu.memory_space<hbm>>) target(%dma_start3A_323 : memref<80xf32, #tpu.memory_space<vmem>>) offsets(%dma_start3A_326 : memref<80xi32, #tpu.memory_space<vmem>>) semaphore(%arg20 : memref<!tpu.dma_semaphore, #tpu.memory_space<semaphore_mem>>)
    %dma_start3A_329 = arith.constant 0 : i32
    %dma_start3A_330 = arith.constant 0 : i32
    %dma_start3A_331 = arith.constant 0 : i32
    %dma_start3A_332 = tpu.memref_slice %arg16[%dma_start3A_330, %dma_start3A_331] : memref<2x80xf32, #tpu.memory_space<vmem>> -> memref<1x80xf32, #tpu.memory_space<vmem>>
    %dma_start3A_333 = tpu.memref_squeeze %dma_start3A_332 : memref<1x80xf32, #tpu.memory_space<vmem>> -> memref<80xf32, #tpu.memory_space<vmem>>
    %dma_start3A_334 = arith.constant 0 : i32
    %dma_start3A_335 = tpu.memref_slice %arg12[%dma_start3A_329, %dma_start3A_334] : memref<2x80xi32, #tpu.memory_space<vmem>> -> memref<1x80xi32, #tpu.memory_space<vmem>>
    %dma_start3A_336 = tpu.memref_squeeze %dma_start3A_335 : memref<1x80xi32, #tpu.memory_space<vmem>> -> memref<80xi32, #tpu.memory_space<vmem>>
    %dma_start3A_337 = arith.constant 0 : i32
    %dma_start3A_338 = tpu.memref_slice %arg3[%dma_start3A_337] : memref<160000xf32, #tpu.memory_space<hbm>> -> memref<160000xf32, #tpu.memory_space<hbm>>
    tpu.enqueue_indirect_dma source(%dma_start3A_338 : memref<160000xf32, #tpu.memory_space<hbm>>) target(%dma_start3A_333 : memref<80xf32, #tpu.memory_space<vmem>>) offsets(%dma_start3A_336 : memref<80xi32, #tpu.memory_space<vmem>>) semaphore(%arg20 : memref<!tpu.dma_semaphore, #tpu.memory_space<semaphore_mem>>)
    %scan3A = arith.constant 0 : i32
    %scan3A_339 = arith.constant 0 : i32
    %scan3A_340 = arith.constant 62 : i32
    %scan3A_341 = arith.addi %scan3A_339, %scan3A_340 : i32
    %scan3A_342 = arith.constant 1 : i32
    scf.for %scan3A_443 = %scan3A_339 to %scan3A_341 step %scan3A_342  : i32 {
      %mul3A_444 = arith.constant 2 : i32
      %mul3A_445 = arith.muli %mul3A_444, %scan3A_443 : i32
      %add3A_446 = arith.constant 0 : i32
      %add3A_447 = arith.addi %mul3A_445, %add3A_446 : i32
      %dma_wait3A_448 = arith.constant 1 : i32
      %dma_wait3A_449 = arith.constant 0 : i32
      %dma_wait3A_450 = tpu.memref_slice %arg8[%dma_wait3A_448, %dma_wait3A_449] : memref<2x80xi32, #tpu.memory_space<vmem>> -> memref<1x80xi32, #tpu.memory_space<vmem>>
      %dma_wait3A_451 = tpu.memref_squeeze %dma_wait3A_450 : memref<1x80xi32, #tpu.memory_space<vmem>> -> memref<80xi32, #tpu.memory_space<vmem>>
      %dma_wait3A_452 = arith.constant 0 : i32
      %dma_wait3A_453 = tpu.memref_slice %arg4[%dma_wait3A_452] : memref<320000xi32, #tpu.memory_space<hbm>> -> memref<80xi32, #tpu.memory_space<hbm>>
      %dma_wait3A_454 = arith.constant 0 : i32
      %dma_wait3A_455 = tpu.memref_slice %arg8[%dma_wait3A_448, %dma_wait3A_454] : memref<2x80xi32, #tpu.memory_space<vmem>> -> memref<1x80xi32, #tpu.memory_space<vmem>>
      %dma_wait3A_456 = tpu.memref_squeeze %dma_wait3A_455 : memref<1x80xi32, #tpu.memory_space<vmem>> -> memref<80xi32, #tpu.memory_space<vmem>>
      %dma_wait3A_457 = arith.constant 0 : i32
      %dma_wait3A_458 = tpu.memref_slice %arg4[%dma_wait3A_457] : memref<320000xi32, #tpu.memory_space<hbm>> -> memref<80xi32, #tpu.memory_space<hbm>>
      tpu.wait_dma2 semaphore(%arg19 : memref<!tpu.dma_semaphore, #tpu.memory_space<semaphore_mem>>) src(%dma_wait3A_458 : memref<80xi32, #tpu.memory_space<hbm>>) dst(%dma_wait3A_456 : memref<80xi32, #tpu.memory_space<vmem>>)
      %dma_wait3A_459 = arith.constant 1 : i32
      %dma_wait3A_460 = arith.constant 0 : i32
      %dma_wait3A_461 = tpu.memref_slice %arg9[%dma_wait3A_459, %dma_wait3A_460] : memref<2x80xi32, #tpu.memory_space<vmem>> -> memref<1x80xi32, #tpu.memory_space<vmem>>
      %dma_wait3A_462 = tpu.memref_squeeze %dma_wait3A_461 : memref<1x80xi32, #tpu.memory_space<vmem>> -> memref<80xi32, #tpu.memory_space<vmem>>
      %dma_wait3A_463 = arith.constant 0 : i32
      %dma_wait3A_464 = tpu.memref_slice %arg5[%dma_wait3A_463] : memref<320000xi32, #tpu.memory_space<hbm>> -> memref<80xi32, #tpu.memory_space<hbm>>
      %dma_wait3A_465 = arith.constant 0 : i32
      %dma_wait3A_466 = tpu.memref_slice %arg9[%dma_wait3A_459, %dma_wait3A_465] : memref<2x80xi32, #tpu.memory_space<vmem>> -> memref<1x80xi32, #tpu.memory_space<vmem>>
      %dma_wait3A_467 = tpu.memref_squeeze %dma_wait3A_466 : memref<1x80xi32, #tpu.memory_space<vmem>> -> memref<80xi32, #tpu.memory_space<vmem>>
      %dma_wait3A_468 = arith.constant 0 : i32
      %dma_wait3A_469 = tpu.memref_slice %arg5[%dma_wait3A_468] : memref<320000xi32, #tpu.memory_space<hbm>> -> memref<80xi32, #tpu.memory_space<hbm>>
      tpu.wait_dma2 semaphore(%arg19 : memref<!tpu.dma_semaphore, #tpu.memory_space<semaphore_mem>>) src(%dma_wait3A_469 : memref<80xi32, #tpu.memory_space<hbm>>) dst(%dma_wait3A_467 : memref<80xi32, #tpu.memory_space<vmem>>)
      %dma_wait3A_470 = arith.constant 1 : i32
      %dma_wait3A_471 = arith.constant 0 : i32
      %dma_wait3A_472 = tpu.memref_slice %arg10[%dma_wait3A_470, %dma_wait3A_471] : memref<2x80xi32, #tpu.memory_space<vmem>> -> memref<1x80xi32, #tpu.memory_space<vmem>>
      %dma_wait3A_473 = tpu.memref_squeeze %dma_wait3A_472 : memref<1x80xi32, #tpu.memory_space<vmem>> -> memref<80xi32, #tpu.memory_space<vmem>>
      %dma_wait3A_474 = arith.constant 0 : i32
      %dma_wait3A_475 = tpu.memref_slice %arg6[%dma_wait3A_474] : memref<320000xi32, #tpu.memory_space<hbm>> -> memref<80xi32, #tpu.memory_space<hbm>>
      %dma_wait3A_476 = arith.constant 0 : i32
      %dma_wait3A_477 = tpu.memref_slice %arg10[%dma_wait3A_470, %dma_wait3A_476] : memref<2x80xi32, #tpu.memory_space<vmem>> -> memref<1x80xi32, #tpu.memory_space<vmem>>
      %dma_wait3A_478 = tpu.memref_squeeze %dma_wait3A_477 : memref<1x80xi32, #tpu.memory_space<vmem>> -> memref<80xi32, #tpu.memory_space<vmem>>
      %dma_wait3A_479 = arith.constant 0 : i32
      %dma_wait3A_480 = tpu.memref_slice %arg6[%dma_wait3A_479] : memref<320000xi32, #tpu.memory_space<hbm>> -> memref<80xi32, #tpu.memory_space<hbm>>
      tpu.wait_dma2 semaphore(%arg19 : memref<!tpu.dma_semaphore, #tpu.memory_space<semaphore_mem>>) src(%dma_wait3A_480 : memref<80xi32, #tpu.memory_space<hbm>>) dst(%dma_wait3A_478 : memref<80xi32, #tpu.memory_space<vmem>>)
      %get3A_481 = arith.constant 1 : i32
      %get3A_482 = arith.constant 0 : i32
      %get3A_483 = tpu.memref_slice %arg8[%get3A_481, %get3A_482] : memref<2x80xi32, #tpu.memory_space<vmem>> -> memref<1x80xi32, #tpu.memory_space<vmem>>
      %get3A_484 = tpu.memref_squeeze %get3A_483 : memref<1x80xi32, #tpu.memory_space<vmem>> -> memref<80xi32, #tpu.memory_space<vmem>>
      %get3A_485 = arith.constant 0 : index
      %get3A_486 = tpu.vector_load %get3A_484[%get3A_485] {strides = array<i32>} : memref<80xi32, #tpu.memory_space<vmem>>, vector<16xi32>,
      %get3A_487 = arith.constant 1 : i32
      %get3A_488 = arith.constant 0 : i32
      %get3A_489 = tpu.memref_slice %arg9[%get3A_487, %get3A_488] : memref<2x80xi32, #tpu.memory_space<vmem>> -> memref<1x80xi32, #tpu.memory_space<vmem>>
      %get3A_490 = tpu.memref_squeeze %get3A_489 : memref<1x80xi32, #tpu.memory_space<vmem>> -> memref<80xi32, #tpu.memory_space<vmem>>
      %get3A_491 = arith.constant 0 : index
      %get3A_492 = tpu.vector_load %get3A_490[%get3A_491] {strides = array<i32>} : memref<80xi32, #tpu.memory_space<vmem>>, vector<16xi32>,
      %get3A_493 = arith.constant 1 : i32
      %get3A_494 = arith.constant 0 : i32
      %get3A_495 = tpu.memref_slice %arg10[%get3A_493, %get3A_494] : memref<2x80xi32, #tpu.memory_space<vmem>> -> memref<1x80xi32, #tpu.memory_space<vmem>>
      %get3A_496 = tpu.memref_squeeze %get3A_495 : memref<1x80xi32, #tpu.memory_space<vmem>> -> memref<80xi32, #tpu.memory_space<vmem>>
      %get3A_497 = arith.constant 0 : index
      %get3A_498 = tpu.vector_load %get3A_496[%get3A_497] {strides = array<i32>} : memref<80xi32, #tpu.memory_space<vmem>>, vector<16xi32>,
      %mul3A_499 = arith.constant 16 : i32
      %mul3A_500 = vector.broadcast %mul3A_499 : i32 to vector<16xi32>
      %mul3A_501 = arith.muli %get3A_486, %mul3A_500 : vector<16xi32>
      %add3A_502 = arith.addi %mul3A_501, %get3A_498 : vector<16xi32>
      %swap3A_503 = arith.constant 1 : i32
      %swap3A_504 = arith.constant 0 : i32
      %swap3A_505 = tpu.memref_slice %arg11[%swap3A_503, %swap3A_504] : memref<2x80xi32, #tpu.memory_space<vmem>> -> memref<1x80xi32, #tpu.memory_space<vmem>>
      %swap3A_506 = tpu.memref_squeeze %swap3A_505 : memref<1x80xi32, #tpu.memory_space<vmem>> -> memref<80xi32, #tpu.memory_space<vmem>>
      %swap3A_507 = arith.constant 0 : index
      %swap3A_508 = tpu.vector_load %swap3A_506[%swap3A_507] {strides = array<i32>} : memref<80xi32, #tpu.memory_space<vmem>>, vector<16xi32>,
      tpu.vector_store %swap3A_506[%swap3A_507], %add3A_502 {strides = array<i32>} : memref<80xi32, #tpu.memory_space<vmem>>, vector<16xi32>,
      %mul3A_509 = arith.constant 16 : i32
      %mul3A_510 = vector.broadcast %mul3A_509 : i32 to vector<16xi32>
      %mul3A_511 = arith.muli %get3A_492, %mul3A_510 : vector<16xi32>
      %add3A_512 = arith.constant 8 : i32
      %add3A_513 = vector.broadcast %add3A_512 : i32 to vector<16xi32>
      %add3A_514 = arith.addi %add3A_513, %get3A_498 : vector<16xi32>
      %add3A_515 = arith.addi %mul3A_511, %add3A_514 : vector<16xi32>
      %swap3A_516 = arith.constant 1 : i32
      %swap3A_517 = arith.constant 0 : i32
      %swap3A_518 = tpu.memref_slice %arg12[%swap3A_516, %swap3A_517] : memref<2x80xi32, #tpu.memory_space<vmem>> -> memref<1x80xi32, #tpu.memory_space<vmem>>
      %swap3A_519 = tpu.memref_squeeze %swap3A_518 : memref<1x80xi32, #tpu.memory_space<vmem>> -> memref<80xi32, #tpu.memory_space<vmem>>
      %swap3A_520 = arith.constant 0 : index
      %swap3A_521 = tpu.vector_load %swap3A_519[%swap3A_520] {strides = array<i32>} : memref<80xi32, #tpu.memory_space<vmem>>, vector<16xi32>,
      tpu.vector_store %swap3A_519[%swap3A_520], %add3A_515 {strides = array<i32>} : memref<80xi32, #tpu.memory_space<vmem>>, vector<16xi32>,
      %get3A_522 = arith.constant 1 : i32
      %get3A_523 = arith.constant 0 : i32
      %get3A_524 = tpu.memref_slice %arg8[%get3A_522, %get3A_523] : memref<2x80xi32, #tpu.memory_space<vmem>> -> memref<1x80xi32, #tpu.memory_space<vmem>>
      %get3A_525 = tpu.memref_squeeze %get3A_524 : memref<1x80xi32, #tpu.memory_space<vmem>> -> memref<80xi32, #tpu.memory_space<vmem>>
      %get3A_526 = arith.constant 16 : index
      %get3A_527 = tpu.vector_load %get3A_525[%get3A_526] {strides = array<i32>} : memref<80xi32, #tpu.memory_space<vmem>>, vector<16xi32>,
      %get3A_528 = arith.constant 1 : i32
      %get3A_529 = arith.constant 0 : i32
      %get3A_530 = tpu.memref_slice %arg9[%get3A_528, %get3A_529] : memref<2x80xi32, #tpu.memory_space<vmem>> -> memref<1x80xi32, #tpu.memory_space<vmem>>
      %get3A_531 = tpu.memref_squeeze %get3A_530 : memref<1x80xi32, #tpu.memory_space<vmem>> -> memref<80xi32, #tpu.memory_space<vmem>>
      %get3A_532 = arith.constant 16 : index
      %get3A_533 = tpu.vector_load %get3A_531[%get3A_532] {strides = array<i32>} : memref<80xi32, #tpu.memory_space<vmem>>, vector<16xi32>,
      %get3A_534 = arith.constant 1 : i32
      %get3A_535 = arith.constant 0 : i32
      %get3A_536 = tpu.memref_slice %arg10[%get3A_534, %get3A_535] : memref<2x80xi32, #tpu.memory_space<vmem>> -> memref<1x80xi32, #tpu.memory_space<vmem>>
      %get3A_537 = tpu.memref_squeeze %get3A_536 : memref<1x80xi32, #tpu.memory_space<vmem>> -> memref<80xi32, #tpu.memory_space<vmem>>
      %get3A_538 = arith.constant 16 : index
      %get3A_539 = tpu.vector_load %get3A_537[%get3A_538] {strides = array<i32>} : memref<80xi32, #tpu.memory_space<vmem>>, vector<16xi32>,
      %mul3A_540 = arith.constant 16 : i32
      %mul3A_541 = vector.broadcast %mul3A_540 : i32 to vector<16xi32>
      %mul3A_542 = arith.muli %get3A_527, %mul3A_541 : vector<16xi32>
      %add3A_543 = arith.addi %mul3A_542, %get3A_539 : vector<16xi32>
      %swap3A_544 = arith.constant 1 : i32
      %swap3A_545 = arith.constant 0 : i32
      %swap3A_546 = tpu.memref_slice %arg11[%swap3A_544, %swap3A_545] : memref<2x80xi32, #tpu.memory_space<vmem>> -> memref<1x80xi32, #tpu.memory_space<vmem>>
      %swap3A_547 = tpu.memref_squeeze %swap3A_546 : memref<1x80xi32, #tpu.memory_space<vmem>> -> memref<80xi32, #tpu.memory_space<vmem>>
      %swap3A_548 = arith.constant 16 : index
      %swap3A_549 = tpu.vector_load %swap3A_547[%swap3A_548] {strides = array<i32>} : memref<80xi32, #tpu.memory_space<vmem>>, vector<16xi32>,
      tpu.vector_store %swap3A_547[%swap3A_548], %add3A_543 {strides = array<i32>} : memref<80xi32, #tpu.memory_space<vmem>>, vector<16xi32>,
      %mul3A_550 = arith.constant 16 : i32
      %mul3A_551 = vector.broadcast %mul3A_550 : i32 to vector<16xi32>
      %mul3A_552 = arith.muli %get3A_533, %mul3A_551 : vector<16xi32>
      %add3A_553 = arith.constant 8 : i32
      %add3A_554 = vector.broadcast %add3A_553 : i32 to vector<16xi32>
      %add3A_555 = arith.addi %add3A_554, %get3A_539 : vector<16xi32>
      %add3A_556 = arith.addi %mul3A_552, %add3A_555 : vector<16xi32>
      %swap3A_557 = arith.constant 1 : i32
      %swap3A_558 = arith.constant 0 : i32
      %swap3A_559 = tpu.memref_slice %arg12[%swap3A_557, %swap3A_558] : memref<2x80xi32, #tpu.memory_space<vmem>> -> memref<1x80xi32, #tpu.memory_space<vmem>>
      %swap3A_560 = tpu.memref_squeeze %swap3A_559 : memref<1x80xi32, #tpu.memory_space<vmem>> -> memref<80xi32, #tpu.memory_space<vmem>>
      %swap3A_561 = arith.constant 16 : index
      %swap3A_562 = tpu.vector_load %swap3A_560[%swap3A_561] {strides = array<i32>} : memref<80xi32, #tpu.memory_space<vmem>>, vector<16xi32>,
      tpu.vector_store %swap3A_560[%swap3A_561], %add3A_556 {strides = array<i32>} : memref<80xi32, #tpu.memory_space<vmem>>, vector<16xi32>,
      %get3A_563 = arith.constant 1 : i32
      %get3A_564 = arith.constant 0 : i32
      %get3A_565 = tpu.memref_slice %arg8[%get3A_563, %get3A_564] : memref<2x80xi32, #tpu.memory_space<vmem>> -> memref<1x80xi32, #tpu.memory_space<vmem>>
      %get3A_566 = tpu.memref_squeeze %get3A_565 : memref<1x80xi32, #tpu.memory_space<vmem>> -> memref<80xi32, #tpu.memory_space<vmem>>
      %get3A_567 = arith.constant 32 : index
      %get3A_568 = tpu.vector_load %get3A_566[%get3A_567] {strides = array<i32>} : memref<80xi32, #tpu.memory_space<vmem>>, vector<16xi32>,
      %get3A_569 = arith.constant 1 : i32
      %get3A_570 = arith.constant 0 : i32
      %get3A_571 = tpu.memref_slice %arg9[%get3A_569, %get3A_570] : memref<2x80xi32, #tpu.memory_space<vmem>> -> memref<1x80xi32, #tpu.memory_space<vmem>>
      %get3A_572 = tpu.memref_squeeze %get3A_571 : memref<1x80xi32, #tpu.memory_space<vmem>> -> memref<80xi32, #tpu.memory_space<vmem>>
      %get3A_573 = arith.constant 32 : index
      %get3A_574 = tpu.vector_load %get3A_572[%get3A_573] {strides = array<i32>} : memref<80xi32, #tpu.memory_space<vmem>>, vector<16xi32>,
      %get3A_575 = arith.constant 1 : i32
      %get3A_576 = arith.constant 0 : i32
      %get3A_577 = tpu.memref_slice %arg10[%get3A_575, %get3A_576] : memref<2x80xi32, #tpu.memory_space<vmem>> -> memref<1x80xi32, #tpu.memory_space<vmem>>
      %get3A_578 = tpu.memref_squeeze %get3A_577 : memref<1x80xi32, #tpu.memory_space<vmem>> -> memref<80xi32, #tpu.memory_space<vmem>>
      %get3A_579 = arith.constant 32 : index
      %get3A_580 = tpu.vector_load %get3A_578[%get3A_579] {strides = array<i32>} : memref<80xi32, #tpu.memory_space<vmem>>, vector<16xi32>,
      %mul3A_581 = arith.constant 16 : i32
      %mul3A_582 = vector.broadcast %mul3A_581 : i32 to vector<16xi32>
      %mul3A_583 = arith.muli %get3A_568, %mul3A_582 : vector<16xi32>
      %add3A_584 = arith.addi %mul3A_583, %get3A_580 : vector<16xi32>
      %swap3A_585 = arith.constant 1 : i32
      %swap3A_586 = arith.constant 0 : i32
      %swap3A_587 = tpu.memref_slice %arg11[%swap3A_585, %swap3A_586] : memref<2x80xi32, #tpu.memory_space<vmem>> -> memref<1x80xi32, #tpu.memory_space<vmem>>
      %swap3A_588 = tpu.memref_squeeze %swap3A_587 : memref<1x80xi32, #tpu.memory_space<vmem>> -> memref<80xi32, #tpu.memory_space<vmem>>
      %swap3A_589 = arith.constant 32 : index
      %swap3A_590 = tpu.vector_load %swap3A_588[%swap3A_589] {strides = array<i32>} : memref<80xi32, #tpu.memory_space<vmem>>, vector<16xi32>,
      tpu.vector_store %swap3A_588[%swap3A_589], %add3A_584 {strides = array<i32>} : memref<80xi32, #tpu.memory_space<vmem>>, vector<16xi32>,
      %mul3A_591 = arith.constant 16 : i32
      %mul3A_592 = vector.broadcast %mul3A_591 : i32 to vector<16xi32>
      %mul3A_593 = arith.muli %get3A_574, %mul3A_592 : vector<16xi32>
      %add3A_594 = arith.constant 8 : i32
      %add3A_595 = vector.broadcast %add3A_594 : i32 to vector<16xi32>
      %add3A_596 = arith.addi %add3A_595, %get3A_580 : vector<16xi32>
      %add3A_597 = arith.addi %mul3A_593, %add3A_596 : vector<16xi32>
      %swap3A_598 = arith.constant 1 : i32
      %swap3A_599 = arith.constant 0 : i32
      %swap3A_600 = tpu.memref_slice %arg12[%swap3A_598, %swap3A_599] : memref<2x80xi32, #tpu.memory_space<vmem>> -> memref<1x80xi32, #tpu.memory_space<vmem>>
      %swap3A_601 = tpu.memref_squeeze %swap3A_600 : memref<1x80xi32, #tpu.memory_space<vmem>> -> memref<80xi32, #tpu.memory_space<vmem>>
      %swap3A_602 = arith.constant 32 : index
      %swap3A_603 = tpu.vector_load %swap3A_601[%swap3A_602] {strides = array<i32>} : memref<80xi32, #tpu.memory_space<vmem>>, vector<16xi32>,
      tpu.vector_store %swap3A_601[%swap3A_602], %add3A_597 {strides = array<i32>} : memref<80xi32, #tpu.memory_space<vmem>>, vector<16xi32>,
      %get3A_604 = arith.constant 1 : i32
      %get3A_605 = arith.constant 0 : i32
      %get3A_606 = tpu.memref_slice %arg8[%get3A_604, %get3A_605] : memref<2x80xi32, #tpu.memory_space<vmem>> -> memref<1x80xi32, #tpu.memory_space<vmem>>
      %get3A_607 = tpu.memref_squeeze %get3A_606 : memref<1x80xi32, #tpu.memory_space<vmem>> -> memref<80xi32, #tpu.memory_space<vmem>>
      %get3A_608 = arith.constant 48 : index
      %get3A_609 = tpu.vector_load %get3A_607[%get3A_608] {strides = array<i32>} : memref<80xi32, #tpu.memory_space<vmem>>, vector<16xi32>,
      %get3A_610 = arith.constant 1 : i32
      %get3A_611 = arith.constant 0 : i32
      %get3A_612 = tpu.memref_slice %arg9[%get3A_610, %get3A_611] : memref<2x80xi32, #tpu.memory_space<vmem>> -> memref<1x80xi32, #tpu.memory_space<vmem>>
      %get3A_613 = tpu.memref_squeeze %get3A_612 : memref<1x80xi32, #tpu.memory_space<vmem>> -> memref<80xi32, #tpu.memory_space<vmem>>
      %get3A_614 = arith.constant 48 : index
      %get3A_615 = tpu.vector_load %get3A_613[%get3A_614] {strides = array<i32>} : memref<80xi32, #tpu.memory_space<vmem>>, vector<16xi32>,
      %get3A_616 = arith.constant 1 : i32
      %get3A_617 = arith.constant 0 : i32
      %get3A_618 = tpu.memref_slice %arg10[%get3A_616, %get3A_617] : memref<2x80xi32, #tpu.memory_space<vmem>> -> memref<1x80xi32, #tpu.memory_space<vmem>>
      %get3A_619 = tpu.memref_squeeze %get3A_618 : memref<1x80xi32, #tpu.memory_space<vmem>> -> memref<80xi32, #tpu.memory_space<vmem>>
      %get3A_620 = arith.constant 48 : index
      %get3A_621 = tpu.vector_load %get3A_619[%get3A_620] {strides = array<i32>} : memref<80xi32, #tpu.memory_space<vmem>>, vector<16xi32>,
      %mul3A_622 = arith.constant 16 : i32
      %mul3A_623 = vector.broadcast %mul3A_622 : i32 to vector<16xi32>
      %mul3A_624 = arith.muli %get3A_609, %mul3A_623 : vector<16xi32>
      %add3A_625 = arith.addi %mul3A_624, %get3A_621 : vector<16xi32>
      %swap3A_626 = arith.constant 1 : i32
      %swap3A_627 = arith.constant 0 : i32
      %swap3A_628 = tpu.memref_slice %arg11[%swap3A_626, %swap3A_627] : memref<2x80xi32, #tpu.memory_space<vmem>> -> memref<1x80xi32, #tpu.memory_space<vmem>>
      %swap3A_629 = tpu.memref_squeeze %swap3A_628 : memref<1x80xi32, #tpu.memory_space<vmem>> -> memref<80xi32, #tpu.memory_space<vmem>>
      %swap3A_630 = arith.constant 48 : index
      %swap3A_631 = tpu.vector_load %swap3A_629[%swap3A_630] {strides = array<i32>} : memref<80xi32, #tpu.memory_space<vmem>>, vector<16xi32>,
      tpu.vector_store %swap3A_629[%swap3A_630], %add3A_625 {strides = array<i32>} : memref<80xi32, #tpu.memory_space<vmem>>, vector<16xi32>,
      %mul3A_632 = arith.constant 16 : i32
      %mul3A_633 = vector.broadcast %mul3A_632 : i32 to vector<16xi32>
      %mul3A_634 = arith.muli %get3A_615, %mul3A_633 : vector<16xi32>
      %add3A_635 = arith.constant 8 : i32
      %add3A_636 = vector.broadcast %add3A_635 : i32 to vector<16xi32>
      %add3A_637 = arith.addi %add3A_636, %get3A_621 : vector<16xi32>
      %add3A_638 = arith.addi %mul3A_634, %add3A_637 : vector<16xi32>
      %swap3A_639 = arith.constant 1 : i32
      %swap3A_640 = arith.constant 0 : i32
      %swap3A_641 = tpu.memref_slice %arg12[%swap3A_639, %swap3A_640] : memref<2x80xi32, #tpu.memory_space<vmem>> -> memref<1x80xi32, #tpu.memory_space<vmem>>
      %swap3A_642 = tpu.memref_squeeze %swap3A_641 : memref<1x80xi32, #tpu.memory_space<vmem>> -> memref<80xi32, #tpu.memory_space<vmem>>
      %swap3A_643 = arith.constant 48 : index
      %swap3A_644 = tpu.vector_load %swap3A_642[%swap3A_643] {strides = array<i32>} : memref<80xi32, #tpu.memory_space<vmem>>, vector<16xi32>,
      tpu.vector_store %swap3A_642[%swap3A_643], %add3A_638 {strides = array<i32>} : memref<80xi32, #tpu.memory_space<vmem>>, vector<16xi32>,
      %get3A_645 = arith.constant 1 : i32
      %get3A_646 = arith.constant 0 : i32
      %get3A_647 = tpu.memref_slice %arg8[%get3A_645, %get3A_646] : memref<2x80xi32, #tpu.memory_space<vmem>> -> memref<1x80xi32, #tpu.memory_space<vmem>>
      %get3A_648 = tpu.memref_squeeze %get3A_647 : memref<1x80xi32, #tpu.memory_space<vmem>> -> memref<80xi32, #tpu.memory_space<vmem>>
      %get3A_649 = arith.constant 64 : index
      %get3A_650 = tpu.vector_load %get3A_648[%get3A_649] {strides = array<i32>} : memref<80xi32, #tpu.memory_space<vmem>>, vector<16xi32>,
      %get3A_651 = arith.constant 1 : i32
      %get3A_652 = arith.constant 0 : i32
      %get3A_653 = tpu.memref_slice %arg9[%get3A_651, %get3A_652] : memref<2x80xi32, #tpu.memory_space<vmem>> -> memref<1x80xi32, #tpu.memory_space<vmem>>
      %get3A_654 = tpu.memref_squeeze %get3A_653 : memref<1x80xi32, #tpu.memory_space<vmem>> -> memref<80xi32, #tpu.memory_space<vmem>>
      %get3A_655 = arith.constant 64 : index
      %get3A_656 = tpu.vector_load %get3A_654[%get3A_655] {strides = array<i32>} : memref<80xi32, #tpu.memory_space<vmem>>, vector<16xi32>,
      %get3A_657 = arith.constant 1 : i32
      %get3A_658 = arith.constant 0 : i32
      %get3A_659 = tpu.memref_slice %arg10[%get3A_657, %get3A_658] : memref<2x80xi32, #tpu.memory_space<vmem>> -> memref<1x80xi32, #tpu.memory_space<vmem>>
      %get3A_660 = tpu.memref_squeeze %get3A_659 : memref<1x80xi32, #tpu.memory_space<vmem>> -> memref<80xi32, #tpu.memory_space<vmem>>
      %get3A_661 = arith.constant 64 : index
      %get3A_662 = tpu.vector_load %get3A_660[%get3A_661] {strides = array<i32>} : memref<80xi32, #tpu.memory_space<vmem>>, vector<16xi32>,
      %mul3A_663 = arith.constant 16 : i32
      %mul3A_664 = vector.broadcast %mul3A_663 : i32 to vector<16xi32>
      %mul3A_665 = arith.muli %get3A_650, %mul3A_664 : vector<16xi32>
      %add3A_666 = arith.addi %mul3A_665, %get3A_662 : vector<16xi32>
      %swap3A_667 = arith.constant 1 : i32
      %swap3A_668 = arith.constant 0 : i32
      %swap3A_669 = tpu.memref_slice %arg11[%swap3A_667, %swap3A_668] : memref<2x80xi32, #tpu.memory_space<vmem>> -> memref<1x80xi32, #tpu.memory_space<vmem>>
      %swap3A_670 = tpu.memref_squeeze %swap3A_669 : memref<1x80xi32, #tpu.memory_space<vmem>> -> memref<80xi32, #tpu.memory_space<vmem>>
      %swap3A_671 = arith.constant 64 : index
      %swap3A_672 = tpu.vector_load %swap3A_670[%swap3A_671] {strides = array<i32>} : memref<80xi32, #tpu.memory_space<vmem>>, vector<16xi32>,
      tpu.vector_store %swap3A_670[%swap3A_671], %add3A_666 {strides = array<i32>} : memref<80xi32, #tpu.memory_space<vmem>>, vector<16xi32>,
      %mul3A_673 = arith.constant 16 : i32
      %mul3A_674 = vector.broadcast %mul3A_673 : i32 to vector<16xi32>
      %mul3A_675 = arith.muli %get3A_656, %mul3A_674 : vector<16xi32>
      %add3A_676 = arith.constant 8 : i32
      %add3A_677 = vector.broadcast %add3A_676 : i32 to vector<16xi32>
      %add3A_678 = arith.addi %add3A_677, %get3A_662 : vector<16xi32>
      %add3A_679 = arith.addi %mul3A_675, %add3A_678 : vector<16xi32>
      %swap3A_680 = arith.constant 1 : i32
      %swap3A_681 = arith.constant 0 : i32
      %swap3A_682 = tpu.memref_slice %arg12[%swap3A_680, %swap3A_681] : memref<2x80xi32, #tpu.memory_space<vmem>> -> memref<1x80xi32, #tpu.memory_space<vmem>>
      %swap3A_683 = tpu.memref_squeeze %swap3A_682 : memref<1x80xi32, #tpu.memory_space<vmem>> -> memref<80xi32, #tpu.memory_space<vmem>>
      %swap3A_684 = arith.constant 64 : index
      %swap3A_685 = tpu.vector_load %swap3A_683[%swap3A_684] {strides = array<i32>} : memref<80xi32, #tpu.memory_space<vmem>>, vector<16xi32>,
      tpu.vector_store %swap3A_683[%swap3A_684], %add3A_679 {strides = array<i32>} : memref<80xi32, #tpu.memory_space<vmem>>, vector<16xi32>,
      %dma_start3A_686 = arith.constant 1 : i32
      %dma_start3A_687 = arith.constant 1 : i32
      %dma_start3A_688 = arith.constant 0 : i32
      %dma_start3A_689 = arith.constant 0 : i32
      %dma_start3A_690 = tpu.memref_slice %arg13[%dma_start3A_687, %dma_start3A_688, %dma_start3A_689] : memref<2x80x256xf8E4M3FN, #tpu.memory_space<vmem>> -> memref<1x80x256xf8E4M3FN, #tpu.memory_space<vmem>>
      %dma_start3A_691 = tpu.memref_squeeze %dma_start3A_690 : memref<1x80x256xf8E4M3FN, #tpu.memory_space<vmem>> -> memref<80x256xf8E4M3FN, #tpu.memory_space<vmem>>
      %dma_start3A_692 = arith.constant 0 : i32
      %dma_start3A_693 = tpu.memref_slice %arg8[%dma_start3A_686, %dma_start3A_692] : memref<2x80xi32, #tpu.memory_space<vmem>> -> memref<1x80xi32, #tpu.memory_space<vmem>>
      %dma_start3A_694 = tpu.memref_squeeze %dma_start3A_693 : memref<1x80xi32, #tpu.memory_space<vmem>> -> memref<80xi32, #tpu.memory_space<vmem>>
      %dma_start3A_695 = arith.constant 0 : i32
      %dma_start3A_696 = arith.constant 0 : i32
      %dma_start3A_697 = tpu.memref_slice %arg2[%dma_start3A_695, %dma_start3A_696] : memref<10000x256xf8E4M3FN, #tpu.memory_space<hbm>> -> memref<10000x256xf8E4M3FN, #tpu.memory_space<hbm>>
      tpu.enqueue_indirect_dma source(%dma_start3A_697 : memref<10000x256xf8E4M3FN, #tpu.memory_space<hbm>>) target(%dma_start3A_691 : memref<80x256xf8E4M3FN, #tpu.memory_space<vmem>>) offsets(%dma_start3A_694 : memref<80xi32, #tpu.memory_space<vmem>>) semaphore(%arg21 : memref<!tpu.dma_semaphore, #tpu.memory_space<semaphore_mem>>)
      %dma_start3A_698 = arith.constant 1 : i32
      %dma_start3A_699 = arith.constant 1 : i32
      %dma_start3A_700 = arith.constant 0 : i32
      %dma_start3A_701 = arith.constant 0 : i32
      %dma_start3A_702 = tpu.memref_slice %arg14[%dma_start3A_699, %dma_start3A_700, %dma_start3A_701] : memref<2x80x256xf8E4M3FN, #tpu.memory_space<vmem>> -> memref<1x80x256xf8E4M3FN, #tpu.memory_space<vmem>>
      %dma_start3A_703 = tpu.memref_squeeze %dma_start3A_702 : memref<1x80x256xf8E4M3FN, #tpu.memory_space<vmem>> -> memref<80x256xf8E4M3FN, #tpu.memory_space<vmem>>
      %dma_start3A_704 = arith.constant 0 : i32
      %dma_start3A_705 = tpu.memref_slice %arg9[%dma_start3A_698, %dma_start3A_704] : memref<2x80xi32, #tpu.memory_space<vmem>> -> memref<1x80xi32, #tpu.memory_space<vmem>>
      %dma_start3A_706 = tpu.memref_squeeze %dma_start3A_705 : memref<1x80xi32, #tpu.memory_space<vmem>> -> memref<80xi32, #tpu.memory_space<vmem>>
      %dma_start3A_707 = arith.constant 0 : i32
      %dma_start3A_708 = arith.constant 0 : i32
      %dma_start3A_709 = tpu.memref_slice %arg2[%dma_start3A_707, %dma_start3A_708] : memref<10000x256xf8E4M3FN, #tpu.memory_space<hbm>> -> memref<10000x256xf8E4M3FN, #tpu.memory_space<hbm>>
      tpu.enqueue_indirect_dma source(%dma_start3A_709 : memref<10000x256xf8E4M3FN, #tpu.memory_space<hbm>>) target(%dma_start3A_703 : memref<80x256xf8E4M3FN, #tpu.memory_space<vmem>>) offsets(%dma_start3A_706 : memref<80xi32, #tpu.memory_space<vmem>>) semaphore(%arg21 : memref<!tpu.dma_semaphore, #tpu.memory_space<semaphore_mem>>)
      %dma_start3A_710 = arith.constant 1 : i32
      %dma_start3A_711 = arith.constant 1 : i32
      %dma_start3A_712 = arith.constant 0 : i32
      %dma_start3A_713 = tpu.memref_slice %arg15[%dma_start3A_711, %dma_start3A_712] : memref<2x80xf32, #tpu.memory_space<vmem>> -> memref<1x80xf32, #tpu.memory_space<vmem>>
      %dma_start3A_714 = tpu.memref_squeeze %dma_start3A_713 : memref<1x80xf32, #tpu.memory_space<vmem>> -> memref<80xf32, #tpu.memory_space<vmem>>
      %dma_start3A_715 = arith.constant 0 : i32
      %dma_start3A_716 = tpu.memref_slice %arg11[%dma_start3A_710, %dma_start3A_715] : memref<2x80xi32, #tpu.memory_space<vmem>> -> memref<1x80xi32, #tpu.memory_space<vmem>>
      %dma_start3A_717 = tpu.memref_squeeze %dma_start3A_716 : memref<1x80xi32, #tpu.memory_space<vmem>> -> memref<80xi32, #tpu.memory_space<vmem>>
      %dma_start3A_718 = arith.constant 0 : i32
      %dma_start3A_719 = tpu.memref_slice %arg3[%dma_start3A_718] : memref<160000xf32, #tpu.memory_space<hbm>> -> memref<160000xf32, #tpu.memory_space<hbm>>
      tpu.enqueue_indirect_dma source(%dma_start3A_719 : memref<160000xf32, #tpu.memory_space<hbm>>) target(%dma_start3A_714 : memref<80xf32, #tpu.memory_space<vmem>>) offsets(%dma_start3A_717 : memref<80xi32, #tpu.memory_space<vmem>>) semaphore(%arg21 : memref<!tpu.dma_semaphore, #tpu.memory_space<semaphore_mem>>)
      %dma_start3A_720 = arith.constant 1 : i32
      %dma_start3A_721 = arith.constant 1 : i32
      %dma_start3A_722 = arith.constant 0 : i32
      %dma_start3A_723 = tpu.memref_slice %arg16[%dma_start3A_721, %dma_start3A_722] : memref<2x80xf32, #tpu.memory_space<vmem>> -> memref<1x80xf32, #tpu.memory_space<vmem>>
      %dma_start3A_724 = tpu.memref_squeeze %dma_start3A_723 : memref<1x80xf32, #tpu.memory_space<vmem>> -> memref<80xf32, #tpu.memory_space<vmem>>
      %dma_start3A_725 = arith.constant 0 : i32
      %dma_start3A_726 = tpu.memref_slice %arg12[%dma_start3A_720, %dma_start3A_725] : memref<2x80xi32, #tpu.memory_space<vmem>> -> memref<1x80xi32, #tpu.memory_space<vmem>>
      %dma_start3A_727 = tpu.memref_squeeze %dma_start3A_726 : memref<1x80xi32, #tpu.memory_space<vmem>> -> memref<80xi32, #tpu.memory_space<vmem>>
      %dma_start3A_728 = arith.constant 0 : i32
      %dma_start3A_729 = tpu.memref_slice %arg3[%dma_start3A_728] : memref<160000xf32, #tpu.memory_space<hbm>> -> memref<160000xf32, #tpu.memory_space<hbm>>
      tpu.enqueue_indirect_dma source(%dma_start3A_729 : memref<160000xf32, #tpu.memory_space<hbm>>) target(%dma_start3A_724 : memref<80xf32, #tpu.memory_space<vmem>>) offsets(%dma_start3A_727 : memref<80xi32, #tpu.memory_space<vmem>>) semaphore(%arg21 : memref<!tpu.dma_semaphore, #tpu.memory_space<semaphore_mem>>)
      %dma_wait3A_730 = arith.constant 0 : i32
      %dma_wait3A_731 = arith.constant 0 : i32
      %dma_wait3A_732 = arith.constant 0 : i32
      %dma_wait3A_733 = arith.constant 0 : i32
      %dma_wait3A_734 = tpu.memref_slice %arg13[%dma_wait3A_731, %dma_wait3A_732, %dma_wait3A_733] : memref<2x80x256xf8E4M3FN, #tpu.memory_space<vmem>> -> memref<1x80x256xf8E4M3FN, #tpu.memory_space<vmem>>
      %dma_wait3A_735 = tpu.memref_squeeze %dma_wait3A_734 : memref<1x80x256xf8E4M3FN, #tpu.memory_space<vmem>> -> memref<80x256xf8E4M3FN, #tpu.memory_space<vmem>>
      %dma_wait3A_736 = arith.constant 0 : i32
      %dma_wait3A_737 = tpu.memref_slice %arg8[%dma_wait3A_730, %dma_wait3A_736] : memref<2x80xi32, #tpu.memory_space<vmem>> -> memref<1x80xi32, #tpu.memory_space<vmem>>
      %dma_wait3A_738 = tpu.memref_squeeze %dma_wait3A_737 : memref<1x80xi32, #tpu.memory_space<vmem>> -> memref<80xi32, #tpu.memory_space<vmem>>
      %dma_wait3A_739 = arith.constant 0 : i32
      %dma_wait3A_740 = arith.constant 0 : i32
      %dma_wait3A_741 = tpu.memref_slice %arg2[%dma_wait3A_739, %dma_wait3A_740] : memref<10000x256xf8E4M3FN, #tpu.memory_space<hbm>> -> memref<10000x256xf8E4M3FN, #tpu.memory_space<hbm>>
      tpu.wait_indirect_dma semaphore(%arg20 : memref<!tpu.dma_semaphore, #tpu.memory_space<semaphore_mem>>) src(%dma_wait3A_741 : memref<10000x256xf8E4M3FN, #tpu.memory_space<hbm>>) dst(%dma_wait3A_735 : memref<80x256xf8E4M3FN, #tpu.memory_space<vmem>>)
      %dma_wait3A_742 = arith.constant 0 : i32
      %dma_wait3A_743 = arith.constant 0 : i32
      %dma_wait3A_744 = arith.constant 0 : i32
      %dma_wait3A_745 = arith.constant 0 : i32
      %dma_wait3A_746 = tpu.memref_slice %arg14[%dma_wait3A_743, %dma_wait3A_744, %dma_wait3A_745] : memref<2x80x256xf8E4M3FN, #tpu.memory_space<vmem>> -> memref<1x80x256xf8E4M3FN, #tpu.memory_space<vmem>>
      %dma_wait3A_747 = tpu.memref_squeeze %dma_wait3A_746 : memref<1x80x256xf8E4M3FN, #tpu.memory_space<vmem>> -> memref<80x256xf8E4M3FN, #tpu.memory_space<vmem>>
      %dma_wait3A_748 = arith.constant 0 : i32
      %dma_wait3A_749 = tpu.memref_slice %arg9[%dma_wait3A_742, %dma_wait3A_748] : memref<2x80xi32, #tpu.memory_space<vmem>> -> memref<1x80xi32, #tpu.memory_space<vmem>>
      %dma_wait3A_750 = tpu.memref_squeeze %dma_wait3A_749 : memref<1x80xi32, #tpu.memory_space<vmem>> -> memref<80xi32, #tpu.memory_space<vmem>>
      %dma_wait3A_751 = arith.constant 0 : i32
      %dma_wait3A_752 = arith.constant 0 : i32
      %dma_wait3A_753 = tpu.memref_slice %arg2[%dma_wait3A_751, %dma_wait3A_752] : memref<10000x256xf8E4M3FN, #tpu.memory_space<hbm>> -> memref<10000x256xf8E4M3FN, #tpu.memory_space<hbm>>
      tpu.wait_indirect_dma semaphore(%arg20 : memref<!tpu.dma_semaphore, #tpu.memory_space<semaphore_mem>>) src(%dma_wait3A_753 : memref<10000x256xf8E4M3FN, #tpu.memory_space<hbm>>) dst(%dma_wait3A_747 : memref<80x256xf8E4M3FN, #tpu.memory_space<vmem>>)
      %dma_wait3A_754 = arith.constant 0 : i32
      %dma_wait3A_755 = arith.constant 0 : i32
      %dma_wait3A_756 = arith.constant 0 : i32
      %dma_wait3A_757 = tpu.memref_slice %arg15[%dma_wait3A_755, %dma_wait3A_756] : memref<2x80xf32, #tpu.memory_space<vmem>> -> memref<1x80xf32, #tpu.memory_space<vmem>>
      %dma_wait3A_758 = tpu.memref_squeeze %dma_wait3A_757 : memref<1x80xf32, #tpu.memory_space<vmem>> -> memref<80xf32, #tpu.memory_space<vmem>>
      %dma_wait3A_759 = arith.constant 0 : i32
      %dma_wait3A_760 = tpu.memref_slice %arg11[%dma_wait3A_754, %dma_wait3A_759] : memref<2x80xi32, #tpu.memory_space<vmem>> -> memref<1x80xi32, #tpu.memory_space<vmem>>
      %dma_wait3A_761 = tpu.memref_squeeze %dma_wait3A_760 : memref<1x80xi32, #tpu.memory_space<vmem>> -> memref<80xi32, #tpu.memory_space<vmem>>
      %dma_wait3A_762 = arith.constant 0 : i32
      %dma_wait3A_763 = tpu.memref_slice %arg3[%dma_wait3A_762] : memref<160000xf32, #tpu.memory_space<hbm>> -> memref<160000xf32, #tpu.memory_space<hbm>>
      tpu.wait_indirect_dma semaphore(%arg20 : memref<!tpu.dma_semaphore, #tpu.memory_space<semaphore_mem>>) src(%dma_wait3A_763 : memref<160000xf32, #tpu.memory_space<hbm>>) dst(%dma_wait3A_758 : memref<80xf32, #tpu.memory_space<vmem>>)
      %dma_wait3A_764 = arith.constant 0 : i32
      %dma_wait3A_765 = arith.constant 0 : i32
      %dma_wait3A_766 = arith.constant 0 : i32
      %dma_wait3A_767 = tpu.memref_slice %arg16[%dma_wait3A_765, %dma_wait3A_766] : memref<2x80xf32, #tpu.memory_space<vmem>> -> memref<1x80xf32, #tpu.memory_space<vmem>>
      %dma_wait3A_768 = tpu.memref_squeeze %dma_wait3A_767 : memref<1x80xf32, #tpu.memory_space<vmem>> -> memref<80xf32, #tpu.memory_space<vmem>>
      %dma_wait3A_769 = arith.constant 0 : i32
      %dma_wait3A_770 = tpu.memref_slice %arg12[%dma_wait3A_764, %dma_wait3A_769] : memref<2x80xi32, #tpu.memory_space<vmem>> -> memref<1x80xi32, #tpu.memory_space<vmem>>
      %dma_wait3A_771 = tpu.memref_squeeze %dma_wait3A_770 : memref<1x80xi32, #tpu.memory_space<vmem>> -> memref<80xi32, #tpu.memory_space<vmem>>
      %dma_wait3A_772 = arith.constant 0 : i32
      %dma_wait3A_773 = tpu.memref_slice %arg3[%dma_wait3A_772] : memref<160000xf32, #tpu.memory_space<hbm>> -> memref<160000xf32, #tpu.memory_space<hbm>>
      tpu.wait_indirect_dma semaphore(%arg20 : memref<!tpu.dma_semaphore, #tpu.memory_space<semaphore_mem>>) src(%dma_wait3A_773 : memref<160000xf32, #tpu.memory_space<hbm>>) dst(%dma_wait3A_768 : memref<80xf32, #tpu.memory_space<vmem>>)
      %add3A_774 = arith.constant 2 : i32
      %add3A_775 = arith.addi %add3A_447, %add3A_774 : i32
      %lt3A = arith.constant 125 : i32
      %lt3A_776 = arith.cmpi slt, %add3A_775, %lt3A : i32
      %convert_element_type3A = arith.extui %lt3A_776 : i1 to i32
      %cond3A = arith.constant 0 : i32
      %cond3A_777 = arith.cmpi ne, %convert_element_type3A, %cond3A : i32
      scf.if %cond3A_777 {
        %add3A_1172 = arith.constant 2 : i32
        %add3A_1173 = arith.addi %add3A_447, %add3A_1172 : i32
        %mul3A_1174 = arith.constant 80 : i32
        %mul3A_1175 = arith.muli %add3A_1173, %mul3A_1174 : i32
        %add3A_1176 = arith.addi %mul3A_2, %mul3A_1175 : i32
        %dma_start3A_1177 = arith.constant 0 : i32
        %dma_start3A_1178 = arith.constant 0 : i32
        %dma_start3A_1179 = tpu.memref_slice %arg8[%dma_start3A_1177, %dma_start3A_1178] : memref<2x80xi32, #tpu.memory_space<vmem>> -> memref<1x80xi32, #tpu.memory_space<vmem>>
        %dma_start3A_1180 = tpu.memref_squeeze %dma_start3A_1179 : memref<1x80xi32, #tpu.memory_space<vmem>> -> memref<80xi32, #tpu.memory_space<vmem>>
        %dma_start3A_1181 = tpu.memref_slice %arg4[%add3A_1176] : memref<320000xi32, #tpu.memory_space<hbm>> -> memref<80xi32, #tpu.memory_space<hbm>>
        %dma_start3A_1182 = arith.constant 0 : i32
        %dma_start3A_1183 = tpu.memref_slice %arg8[%dma_start3A_1177, %dma_start3A_1182] : memref<2x80xi32, #tpu.memory_space<vmem>> -> memref<1x80xi32, #tpu.memory_space<vmem>>
        %dma_start3A_1184 = tpu.memref_squeeze %dma_start3A_1183 : memref<1x80xi32, #tpu.memory_space<vmem>> -> memref<80xi32, #tpu.memory_space<vmem>>
        %dma_start3A_1185 = tpu.memref_slice %arg4[%add3A_1176] : memref<320000xi32, #tpu.memory_space<hbm>> -> memref<80xi32, #tpu.memory_space<hbm>>
        tpu.enqueue_dma source(%dma_start3A_1185 : memref<80xi32, #tpu.memory_space<hbm>>) target(%dma_start3A_1184 : memref<80xi32, #tpu.memory_space<vmem>>) target_semaphore(%arg18 : memref<!tpu.dma_semaphore, #tpu.memory_space<semaphore_mem>>)
        %dma_start3A_1186 = arith.constant 0 : i32
        %dma_start3A_1187 = arith.constant 0 : i32
        %dma_start3A_1188 = tpu.memref_slice %arg9[%dma_start3A_1186, %dma_start3A_1187] : memref<2x80xi32, #tpu.memory_space<vmem>> -> memref<1x80xi32, #tpu.memory_space<vmem>>
        %dma_start3A_1189 = tpu.memref_squeeze %dma_start3A_1188 : memref<1x80xi32, #tpu.memory_space<vmem>> -> memref<80xi32, #tpu.memory_space<vmem>>
        %dma_start3A_1190 = tpu.memref_slice %arg5[%add3A_1176] : memref<320000xi32, #tpu.memory_space<hbm>> -> memref<80xi32, #tpu.memory_space<hbm>>
        %dma_start3A_1191 = arith.constant 0 : i32
        %dma_start3A_1192 = tpu.memref_slice %arg9[%dma_start3A_1186, %dma_start3A_1191] : memref<2x80xi32, #tpu.memory_space<vmem>> -> memref<1x80xi32, #tpu.memory_space<vmem>>
        %dma_start3A_1193 = tpu.memref_squeeze %dma_start3A_1192 : memref<1x80xi32, #tpu.memory_space<vmem>> -> memref<80xi32, #tpu.memory_space<vmem>>
        %dma_start3A_1194 = tpu.memref_slice %arg5[%add3A_1176] : memref<320000xi32, #tpu.memory_space<hbm>> -> memref<80xi32, #tpu.memory_space<hbm>>
        tpu.enqueue_dma source(%dma_start3A_1194 : memref<80xi32, #tpu.memory_space<hbm>>) target(%dma_start3A_1193 : memref<80xi32, #tpu.memory_space<vmem>>) target_semaphore(%arg18 : memref<!tpu.dma_semaphore, #tpu.memory_space<semaphore_mem>>)
        %dma_start3A_1195 = arith.constant 0 : i32
        %dma_start3A_1196 = arith.constant 0 : i32
        %dma_start3A_1197 = tpu.memref_slice %arg10[%dma_start3A_1195, %dma_start3A_1196] : memref<2x80xi32, #tpu.memory_space<vmem>> -> memref<1x80xi32, #tpu.memory_space<vmem>>
        %dma_start3A_1198 = tpu.memref_squeeze %dma_start3A_1197 : memref<1x80xi32, #tpu.memory_space<vmem>> -> memref<80xi32, #tpu.memory_space<vmem>>
        %dma_start3A_1199 = tpu.memref_slice %arg6[%add3A_1176] : memref<320000xi32, #tpu.memory_space<hbm>> -> memref<80xi32, #tpu.memory_space<hbm>>
        %dma_start3A_1200 = arith.constant 0 : i32
        %dma_start3A_1201 = tpu.memref_slice %arg10[%dma_start3A_1195, %dma_start3A_1200] : memref<2x80xi32, #tpu.memory_space<vmem>> -> memref<1x80xi32, #tpu.memory_space<vmem>>
        %dma_start3A_1202 = tpu.memref_squeeze %dma_start3A_1201 : memref<1x80xi32, #tpu.memory_space<vmem>> -> memref<80xi32, #tpu.memory_space<vmem>>
        %dma_start3A_1203 = tpu.memref_slice %arg6[%add3A_1176] : memref<320000xi32, #tpu.memory_space<hbm>> -> memref<80xi32, #tpu.memory_space<hbm>>
        tpu.enqueue_dma source(%dma_start3A_1203 : memref<80xi32, #tpu.memory_space<hbm>>) target(%dma_start3A_1202 : memref<80xi32, #tpu.memory_space<vmem>>) target_semaphore(%arg18 : memref<!tpu.dma_semaphore, #tpu.memory_space<semaphore_mem>>)
      } else {
      }
      %ge3A = arith.constant 2 : i32
      %ge3A_778 = arith.cmpi sge, %add3A_447, %ge3A : i32
      %convert_element_type3A_779 = arith.extui %ge3A_778 : i1 to i32
      %cond3A_780 = arith.constant 0 : i32
      %cond3A_781 = arith.constant 0 : i32
      %cond3A_782 = arith.cmpi ne, %convert_element_type3A_779, %cond3A_781 : i32
      scf.if %cond3A_782 {
        %dma_wait3A_1172 = arith.constant 0 : i32
        %dma_wait3A_1173 = tpu.memref_slice %arg17[%cond3A_780, %dma_wait3A_1172] : memref<2x80xf32, #tpu.memory_space<vmem>> -> memref<1x80xf32, #tpu.memory_space<vmem>>
        %dma_wait3A_1174 = tpu.memref_squeeze %dma_wait3A_1173 : memref<1x80xf32, #tpu.memory_space<vmem>> -> memref<80xf32, #tpu.memory_space<vmem>>
        %dma_wait3A_1175 = arith.constant 0 : i32
        %dma_wait3A_1176 = tpu.memref_slice %arg7[%dma_wait3A_1175] : memref<320000xf32, #tpu.memory_space<hbm>> -> memref<80xf32, #tpu.memory_space<hbm>>
        %dma_wait3A_1177 = arith.constant 0 : i32
        %dma_wait3A_1178 = tpu.memref_slice %arg7[%dma_wait3A_1177] : memref<320000xf32, #tpu.memory_space<hbm>> -> memref<80xf32, #tpu.memory_space<hbm>>
        %dma_wait3A_1179 = arith.constant 0 : i32
        %dma_wait3A_1180 = tpu.memref_slice %arg17[%cond3A_780, %dma_wait3A_1179] : memref<2x80xf32, #tpu.memory_space<vmem>> -> memref<1x80xf32, #tpu.memory_space<vmem>>
        %dma_wait3A_1181 = tpu.memref_squeeze %dma_wait3A_1180 : memref<1x80xf32, #tpu.memory_space<vmem>> -> memref<80xf32, #tpu.memory_space<vmem>>
        tpu.wait_dma2 semaphore(%arg22 : memref<!tpu.dma_semaphore, #tpu.memory_space<semaphore_mem>>) src(%dma_wait3A_1181 : memref<80xf32, #tpu.memory_space<vmem>>) dst(%dma_wait3A_1178 : memref<80xf32, #tpu.memory_space<hbm>>)
      } else {
      }
      %scan3A_783 = arith.constant 0 : i32
      %scan3A_784 = arith.constant 0 : i32
      %scan3A_785 = arith.constant 0 : i32
      %scan3A_786 = arith.constant 0 : i32
      %scan3A_787 = arith.constant 0 : i32
      %scan3A_788 = arith.constant 0 : i32
      %scan3A_789 = arith.constant 0 : i32
      %scan3A_790 = arith.constant 5 : i32
      %scan3A_791 = arith.addi %scan3A_789, %scan3A_790 : i32
      %scan3A_792 = arith.constant 1 : i32
      scf.for %scan3A_1172 = %scan3A_789 to %scan3A_791 step %scan3A_792  : i32 {
        %iota3A = tpu.iota {dimensions = array<i32: 0>} : vector<16xi32>
        %broadcast_in_dim3A = arith.constant 0.000000e+00 : f32
        %broadcast_in_dim3A_1173 = vector.broadcast %broadcast_in_dim3A : f32 to vector<16xf32>
        %scan3A_1174 = arith.constant 0 : i32
        %scan3A_1175 = arith.constant 16 : i32
        %scan3A_1176 = arith.addi %scan3A_1174, %scan3A_1175 : i32
        %scan3A_1177 = arith.constant 1 : i32
        %scan3A_1178 = scf.for %scan3A_1201 = %scan3A_1174 to %scan3A_1176 step %scan3A_1177 iter_args(%scan3A_1202 = %broadcast_in_dim3A_1173) -> (vector<16xf32>)  : i32 {
          %mul3A_1203 = arith.constant 16 : i32
          %mul3A_1204 = arith.muli %scan3A_1172, %mul3A_1203 : i32
          %add3A_1205 = arith.addi %mul3A_1204, %scan3A_1201 : i32
          %broadcast_in_dim3A_1206 = arith.constant 0.000000e+00 : bf16
          %broadcast_in_dim3A_1207 = vector.broadcast %broadcast_in_dim3A_1206 : bf16 to vector<32xbf16>
          %get3A_1208 = arith.constant 0 : i32
          %get3A_1209 = arith.constant 0 : i32
          %get3A_1210 = tpu.memref_slice %arg13[%scan3A_784, %get3A_1208, %get3A_1209] : memref<2x80x256xf8E4M3FN, #tpu.memory_space<vmem>> -> memref<1x80x256xf8E4M3FN, #tpu.memory_space<vmem>>
          %get3A_1211 = tpu.memref_squeeze %get3A_1210 : memref<1x80x256xf8E4M3FN, #tpu.memory_space<vmem>> -> memref<80x256xf8E4M3FN, #tpu.memory_space<vmem>>
          %get3A_1212 = arith.index_cast %add3A_1205 : i32 to index
          %get3A_1213 = arith.constant 0 : index
          %get3A_1214 = tpu.vector_load %get3A_1211[%get3A_1212, %get3A_1213] {strides = array<i32>} : memref<80x256xf8E4M3FN, #tpu.memory_space<vmem>>, vector<64xf8E4M3FN>,
          %unpack3A = tpu.unpack_subelements %get3A_1214, 0 {pack_format = #tpu.pack_format<interleaved>} : vector<64xf8E4M3FN> -> vector<32xbf16>
          %unpack3A_1215 = tpu.unpack_subelements %get3A_1214, 1 {pack_format = #tpu.pack_format<interleaved>} : vector<64xf8E4M3FN> -> vector<32xbf16>
          %get3A_1216 = arith.constant 0 : i32
          %get3A_1217 = arith.constant 0 : i32
          %get3A_1218 = tpu.memref_slice %arg14[%scan3A_785, %get3A_1216, %get3A_1217] : memref<2x80x256xf8E4M3FN, #tpu.memory_space<vmem>> -> memref<1x80x256xf8E4M3FN, #tpu.memory_space<vmem>>
          %get3A_1219 = tpu.memref_squeeze %get3A_1218 : memref<1x80x256xf8E4M3FN, #tpu.memory_space<vmem>> -> memref<80x256xf8E4M3FN, #tpu.memory_space<vmem>>
          %get3A_1220 = arith.index_cast %add3A_1205 : i32 to index
          %get3A_1221 = arith.constant 0 : index
          %get3A_1222 = tpu.vector_load %get3A_1219[%get3A_1220, %get3A_1221] {strides = array<i32>} : memref<80x256xf8E4M3FN, #tpu.memory_space<vmem>>, vector<64xf8E4M3FN>,
          %unpack3A_1223 = tpu.unpack_subelements %get3A_1222, 0 {pack_format = #tpu.pack_format<interleaved>} : vector<64xf8E4M3FN> -> vector<32xbf16>
          %unpack3A_1224 = tpu.unpack_subelements %get3A_1222, 1 {pack_format = #tpu.pack_format<interleaved>} : vector<64xf8E4M3FN> -> vector<32xbf16>
          %mul3A_1225 = arith.mulf %unpack3A, %unpack3A_1223 : vector<32xbf16>
          %add3A_1226 = arith.addf %broadcast_in_dim3A_1207, %mul3A_1225 : vector<32xbf16>
          %mul3A_1227 = arith.mulf %unpack3A_1215, %unpack3A_1224 : vector<32xbf16>
          %add3A_1228 = arith.addf %add3A_1226, %mul3A_1227 : vector<32xbf16>
          %get3A_1229 = arith.constant 0 : i32
          %get3A_1230 = arith.constant 0 : i32
          %get3A_1231 = tpu.memref_slice %arg13[%scan3A_784, %get3A_1229, %get3A_1230] : memref<2x80x256xf8E4M3FN, #tpu.memory_space<vmem>> -> memref<1x80x256xf8E4M3FN, #tpu.memory_space<vmem>>
          %get3A_1232 = tpu.memref_squeeze %get3A_1231 : memref<1x80x256xf8E4M3FN, #tpu.memory_space<vmem>> -> memref<80x256xf8E4M3FN, #tpu.memory_space<vmem>>
          %get3A_1233 = arith.index_cast %add3A_1205 : i32 to index
          %get3A_1234 = arith.constant 64 : index
          %get3A_1235 = tpu.vector_load %get3A_1232[%get3A_1233, %get3A_1234] {strides = array<i32>} : memref<80x256xf8E4M3FN, #tpu.memory_space<vmem>>, vector<64xf8E4M3FN>,
          %unpack3A_1236 = tpu.unpack_subelements %get3A_1235, 0 {pack_format = #tpu.pack_format<interleaved>} : vector<64xf8E4M3FN> -> vector<32xbf16>
          %unpack3A_1237 = tpu.unpack_subelements %get3A_1235, 1 {pack_format = #tpu.pack_format<interleaved>} : vector<64xf8E4M3FN> -> vector<32xbf16>
          %get3A_1238 = arith.constant 0 : i32
          %get3A_1239 = arith.constant 0 : i32
          %get3A_1240 = tpu.memref_slice %arg14[%scan3A_785, %get3A_1238, %get3A_1239] : memref<2x80x256xf8E4M3FN, #tpu.memory_space<vmem>> -> memref<1x80x256xf8E4M3FN, #tpu.memory_space<vmem>>
          %get3A_1241 = tpu.memref_squeeze %get3A_1240 : memref<1x80x256xf8E4M3FN, #tpu.memory_space<vmem>> -> memref<80x256xf8E4M3FN, #tpu.memory_space<vmem>>
          %get3A_1242 = arith.index_cast %add3A_1205 : i32 to index
          %get3A_1243 = arith.constant 64 : index
          %get3A_1244 = tpu.vector_load %get3A_1241[%get3A_1242, %get3A_1243] {strides = array<i32>} : memref<80x256xf8E4M3FN, #tpu.memory_space<vmem>>, vector<64xf8E4M3FN>,
          %unpack3A_1245 = tpu.unpack_subelements %get3A_1244, 0 {pack_format = #tpu.pack_format<interleaved>} : vector<64xf8E4M3FN> -> vector<32xbf16>
          %unpack3A_1246 = tpu.unpack_subelements %get3A_1244, 1 {pack_format = #tpu.pack_format<interleaved>} : vector<64xf8E4M3FN> -> vector<32xbf16>
          %mul3A_1247 = arith.mulf %unpack3A_1236, %unpack3A_1245 : vector<32xbf16>
          %add3A_1248 = arith.addf %add3A_1228, %mul3A_1247 : vector<32xbf16>
          %mul3A_1249 = arith.mulf %unpack3A_1237, %unpack3A_1246 : vector<32xbf16>
          %add3A_1250 = arith.addf %add3A_1248, %mul3A_1249 : vector<32xbf16>
          %get3A_1251 = arith.constant 0 : i32
          %get3A_1252 = arith.constant 0 : i32
          %get3A_1253 = tpu.memref_slice %arg13[%scan3A_784, %get3A_1251, %get3A_1252] : memref<2x80x256xf8E4M3FN, #tpu.memory_space<vmem>> -> memref<1x80x256xf8E4M3FN, #tpu.memory_space<vmem>>
          %get3A_1254 = tpu.memref_squeeze %get3A_1253 : memref<1x80x256xf8E4M3FN, #tpu.memory_space<vmem>> -> memref<80x256xf8E4M3FN, #tpu.memory_space<vmem>>
          %get3A_1255 = arith.index_cast %add3A_1205 : i32 to index
          %get3A_1256 = arith.constant 128 : index
          %get3A_1257 = tpu.vector_load %get3A_1254[%get3A_1255, %get3A_1256] {strides = array<i32>} : memref<80x256xf8E4M3FN, #tpu.memory_space<vmem>>, vector<64xf8E4M3FN>,
          %unpack3A_1258 = tpu.unpack_subelements %get3A_1257, 0 {pack_format = #tpu.pack_format<interleaved>} : vector<64xf8E4M3FN> -> vector<32xbf16>
          %unpack3A_1259 = tpu.unpack_subelements %get3A_1257, 1 {pack_format = #tpu.pack_format<interleaved>} : vector<64xf8E4M3FN> -> vector<32xbf16>
          %get3A_1260 = arith.constant 0 : i32
          %get3A_1261 = arith.constant 0 : i32
          %get3A_1262 = tpu.memref_slice %arg14[%scan3A_785, %get3A_1260, %get3A_1261] : memref<2x80x256xf8E4M3FN, #tpu.memory_space<vmem>> -> memref<1x80x256xf8E4M3FN, #tpu.memory_space<vmem>>
          %get3A_1263 = tpu.memref_squeeze %get3A_1262 : memref<1x80x256xf8E4M3FN, #tpu.memory_space<vmem>> -> memref<80x256xf8E4M3FN, #tpu.memory_space<vmem>>
          %get3A_1264 = arith.index_cast %add3A_1205 : i32 to index
          %get3A_1265 = arith.constant 128 : index
          %get3A_1266 = tpu.vector_load %get3A_1263[%get3A_1264, %get3A_1265] {strides = array<i32>} : memref<80x256xf8E4M3FN, #tpu.memory_space<vmem>>, vector<64xf8E4M3FN>,
          %unpack3A_1267 = tpu.unpack_subelements %get3A_1266, 0 {pack_format = #tpu.pack_format<interleaved>} : vector<64xf8E4M3FN> -> vector<32xbf16>
          %unpack3A_1268 = tpu.unpack_subelements %get3A_1266, 1 {pack_format = #tpu.pack_format<interleaved>} : vector<64xf8E4M3FN> -> vector<32xbf16>
          %mul3A_1269 = arith.mulf %unpack3A_1258, %unpack3A_1267 : vector<32xbf16>
          %add3A_1270 = arith.addf %add3A_1250, %mul3A_1269 : vector<32xbf16>
          %mul3A_1271 = arith.mulf %unpack3A_1259, %unpack3A_1268 : vector<32xbf16>
          %add3A_1272 = arith.addf %add3A_1270, %mul3A_1271 : vector<32xbf16>
          %get3A_1273 = arith.constant 0 : i32
          %get3A_1274 = arith.constant 0 : i32
          %get3A_1275 = tpu.memref_slice %arg13[%scan3A_784, %get3A_1273, %get3A_1274] : memref<2x80x256xf8E4M3FN, #tpu.memory_space<vmem>> -> memref<1x80x256xf8E4M3FN, #tpu.memory_space<vmem>>
          %get3A_1276 = tpu.memref_squeeze %get3A_1275 : memref<1x80x256xf8E4M3FN, #tpu.memory_space<vmem>> -> memref<80x256xf8E4M3FN, #tpu.memory_space<vmem>>
          %get3A_1277 = arith.index_cast %add3A_1205 : i32 to index
          %get3A_1278 = arith.constant 192 : index
          %get3A_1279 = tpu.vector_load %get3A_1276[%get3A_1277, %get3A_1278] {strides = array<i32>} : memref<80x256xf8E4M3FN, #tpu.memory_space<vmem>>, vector<64xf8E4M3FN>,
          %unpack3A_1280 = tpu.unpack_subelements %get3A_1279, 0 {pack_format = #tpu.pack_format<interleaved>} : vector<64xf8E4M3FN> -> vector<32xbf16>
          %unpack3A_1281 = tpu.unpack_subelements %get3A_1279, 1 {pack_format = #tpu.pack_format<interleaved>} : vector<64xf8E4M3FN> -> vector<32xbf16>
          %get3A_1282 = arith.constant 0 : i32
          %get3A_1283 = arith.constant 0 : i32
          %get3A_1284 = tpu.memref_slice %arg14[%scan3A_785, %get3A_1282, %get3A_1283] : memref<2x80x256xf8E4M3FN, #tpu.memory_space<vmem>> -> memref<1x80x256xf8E4M3FN, #tpu.memory_space<vmem>>
          %get3A_1285 = tpu.memref_squeeze %get3A_1284 : memref<1x80x256xf8E4M3FN, #tpu.memory_space<vmem>> -> memref<80x256xf8E4M3FN, #tpu.memory_space<vmem>>
          %get3A_1286 = arith.index_cast %add3A_1205 : i32 to index
          %get3A_1287 = arith.constant 192 : index
          %get3A_1288 = tpu.vector_load %get3A_1285[%get3A_1286, %get3A_1287] {strides = array<i32>} : memref<80x256xf8E4M3FN, #tpu.memory_space<vmem>>, vector<64xf8E4M3FN>,
          %unpack3A_1289 = tpu.unpack_subelements %get3A_1288, 0 {pack_format = #tpu.pack_format<interleaved>} : vector<64xf8E4M3FN> -> vector<32xbf16>
          %unpack3A_1290 = tpu.unpack_subelements %get3A_1288, 1 {pack_format = #tpu.pack_format<interleaved>} : vector<64xf8E4M3FN> -> vector<32xbf16>
          %mul3A_1291 = arith.mulf %unpack3A_1280, %unpack3A_1289 : vector<32xbf16>
          %add3A_1292 = arith.addf %add3A_1272, %mul3A_1291 : vector<32xbf16>
          %mul3A_1293 = arith.mulf %unpack3A_1281, %unpack3A_1290 : vector<32xbf16>
          %add3A_1294 = arith.addf %add3A_1292, %mul3A_1293 : vector<32xbf16>
          %bitcast3A = vector.bitcast %add3A_1294 : vector<32xbf16> to vector<16xi32>
          %shift_left3A = arith.constant 16 : i32
          %shift_left3A_1295 = vector.broadcast %shift_left3A : i32 to vector<16xi32>
          %shift_left3A_1296 = arith.shli %bitcast3A, %shift_left3A_1295 : vector<16xi32>
          %bitcast3A_1297 = vector.bitcast %shift_left3A_1296 : vector<16xi32> to vector<16xf32>
          %and3A = arith.constant -65536 : i32
          %and3A_1298 = vector.broadcast %and3A : i32 to vector<16xi32>
          %and3A_1299 = arith.andi %bitcast3A, %and3A_1298 : vector<16xi32>
          %bitcast3A_1300 = vector.bitcast %and3A_1299 : vector<16xi32> to vector<16xf32>
          %add3A_1301 = arith.addf %bitcast3A_1297, %bitcast3A_1300 : vector<16xf32>
          %xor3A = arith.constant 1 : i32
          %xor3A_1302 = vector.broadcast %xor3A : i32 to vector<16xi32>
          %xor3A_1303 = arith.xori %iota3A, %xor3A_1302 : vector<16xi32>
          %broadcast_in_dim3A_1304 = vector.shape_cast %xor3A_1303 : vector<16xi32> to vector<16x1xi32>
          %gather3A = vector.shape_cast %broadcast_in_dim3A_1304 : vector<16x1xi32> to vector<16xi32>
          %gather3A_1305 = tpu.dynamic_gather %add3A_1301[%gather3A] in [0] : vector<16xf32>, vector<16xi32> -> vector<16xf32>
          %add3A_1306 = arith.addf %add3A_1301, %gather3A_1305 : vector<16xf32>
          %xor3A_1307 = arith.constant 2 : i32
          %xor3A_1308 = vector.broadcast %xor3A_1307 : i32 to vector<16xi32>
          %xor3A_1309 = arith.xori %iota3A, %xor3A_1308 : vector<16xi32>
          %broadcast_in_dim3A_1310 = vector.shape_cast %xor3A_1309 : vector<16xi32> to vector<16x1xi32>
          %gather3A_1311 = vector.shape_cast %broadcast_in_dim3A_1310 : vector<16x1xi32> to vector<16xi32>
          %gather3A_1312 = tpu.dynamic_gather %add3A_1306[%gather3A_1311] in [0] : vector<16xf32>, vector<16xi32> -> vector<16xf32>
          %add3A_1313 = arith.addf %add3A_1306, %gather3A_1312 : vector<16xf32>
          %xor3A_1314 = arith.constant 4 : i32
          %xor3A_1315 = vector.broadcast %xor3A_1314 : i32 to vector<16xi32>
          %xor3A_1316 = arith.xori %iota3A, %xor3A_1315 : vector<16xi32>
          %broadcast_in_dim3A_1317 = vector.shape_cast %xor3A_1316 : vector<16xi32> to vector<16x1xi32>
          %gather3A_1318 = vector.shape_cast %broadcast_in_dim3A_1317 : vector<16x1xi32> to vector<16xi32>
          %gather3A_1319 = tpu.dynamic_gather %add3A_1313[%gather3A_1318] in [0] : vector<16xf32>, vector<16xi32> -> vector<16xf32>
          %add3A_1320 = arith.addf %add3A_1313, %gather3A_1319 : vector<16xf32>
          %xor3A_1321 = arith.constant 8 : i32
          %xor3A_1322 = vector.broadcast %xor3A_1321 : i32 to vector<16xi32>
          %xor3A_1323 = arith.xori %iota3A, %xor3A_1322 : vector<16xi32>
          %broadcast_in_dim3A_1324 = vector.shape_cast %xor3A_1323 : vector<16xi32> to vector<16x1xi32>
          %gather3A_1325 = vector.shape_cast %broadcast_in_dim3A_1324 : vector<16x1xi32> to vector<16xi32>
          %gather3A_1326 = tpu.dynamic_gather %add3A_1320[%gather3A_1325] in [0] : vector<16xf32>, vector<16xi32> -> vector<16xf32>
          %add3A_1327 = arith.addf %add3A_1320, %gather3A_1326 : vector<16xf32>
          %eq3A = vector.broadcast %scan3A_1201 : i32 to vector<16xi32>
          %eq3A_1328 = arith.cmpi eq, %iota3A, %eq3A : vector<16xi32>
          %select_n3A = arith.select %eq3A_1328, %add3A_1327, %scan3A_1202 : vector<16xi1>, vector<16xf32>
          scf.yield %select_n3A : vector<16xf32>
        }
        %scan3A_1179 = arith.constant 16 : i32
        %mul3A_1180 = arith.constant 16 : i32
        %mul3A_1181 = arith.muli %scan3A_1172, %mul3A_1180 : i32
        %get3A_1182 = arith.constant 0 : i32
        %get3A_1183 = tpu.memref_slice %arg15[%scan3A_786, %get3A_1182] : memref<2x80xf32, #tpu.memory_space<vmem>> -> memref<1x80xf32, #tpu.memory_space<vmem>>
        %get3A_1184 = tpu.memref_squeeze %get3A_1183 : memref<1x80xf32, #tpu.memory_space<vmem>> -> memref<80xf32, #tpu.memory_space<vmem>>
        %get3A_1185 = arith.index_cast %mul3A_1181 : i32 to index
        %get3A_1186 = tpu.vector_load %get3A_1184[%get3A_1185] {strides = array<i32>} : memref<80xf32, #tpu.memory_space<vmem>>, vector<16xf32>,
        %get3A_1187 = arith.constant 0 : i32
        %get3A_1188 = tpu.memref_slice %arg16[%scan3A_787, %get3A_1187] : memref<2x80xf32, #tpu.memory_space<vmem>> -> memref<1x80xf32, #tpu.memory_space<vmem>>
        %get3A_1189 = tpu.memref_squeeze %get3A_1188 : memref<1x80xf32, #tpu.memory_space<vmem>> -> memref<80xf32, #tpu.memory_space<vmem>>
        %get3A_1190 = arith.index_cast %mul3A_1181 : i32 to index
        %get3A_1191 = tpu.vector_load %get3A_1189[%get3A_1190] {strides = array<i32>} : memref<80xf32, #tpu.memory_space<vmem>>, vector<16xf32>,
        %add3A_1192 = arith.addf %get3A_1186, %get3A_1191 : vector<16xf32>
        %mul3A_1193 = arith.constant 2.000000e+00 : f32
        %mul3A_1194 = vector.broadcast %mul3A_1193 : f32 to vector<16xf32>
        %mul3A_1195 = arith.mulf %mul3A_1194, %scan3A_1178 : vector<16xf32>
        %sub3A = arith.subf %add3A_1192, %mul3A_1195 : vector<16xf32>
        %swap3A_1196 = arith.constant 0 : i32
        %swap3A_1197 = tpu.memref_slice %arg17[%scan3A_788, %swap3A_1196] : memref<2x80xf32, #tpu.memory_space<vmem>> -> memref<1x80xf32, #tpu.memory_space<vmem>>
        %swap3A_1198 = tpu.memref_squeeze %swap3A_1197 : memref<1x80xf32, #tpu.memory_space<vmem>> -> memref<80xf32, #tpu.memory_space<vmem>>
        %swap3A_1199 = arith.index_cast %mul3A_1181 : i32 to index
        %swap3A_1200 = tpu.vector_load %swap3A_1198[%swap3A_1199] {strides = array<i32>} : memref<80xf32, #tpu.memory_space<vmem>>, vector<16xf32>,
        tpu.vector_store %swap3A_1198[%swap3A_1199], %sub3A {strides = array<i32>} : memref<80xf32, #tpu.memory_space<vmem>>, vector<16xf32>,
      }
      %scan3A_793 = arith.constant 5 : i32
      %mul3A_794 = arith.constant 80 : i32
      %mul3A_795 = arith.muli %add3A_447, %mul3A_794 : i32
      %add3A_796 = arith.addi %mul3A_2, %mul3A_795 : i32
      %dma_start3A_797 = arith.constant 0 : i32
      %dma_start3A_798 = arith.constant 0 : i32
      %dma_start3A_799 = tpu.memref_slice %arg17[%dma_start3A_797, %dma_start3A_798] : memref<2x80xf32, #tpu.memory_space<vmem>> -> memref<1x80xf32, #tpu.memory_space<vmem>>
      %dma_start3A_800 = tpu.memref_squeeze %dma_start3A_799 : memref<1x80xf32, #tpu.memory_space<vmem>> -> memref<80xf32, #tpu.memory_space<vmem>>
      %dma_start3A_801 = tpu.memref_slice %arg7[%add3A_796] : memref<320000xf32, #tpu.memory_space<hbm>> -> memref<80xf32, #tpu.memory_space<hbm>>
      %dma_start3A_802 = tpu.memref_slice %arg7[%add3A_796] : memref<320000xf32, #tpu.memory_space<hbm>> -> memref<80xf32, #tpu.memory_space<hbm>>
      %dma_start3A_803 = arith.constant 0 : i32
      %dma_start3A_804 = tpu.memref_slice %arg17[%dma_start3A_797, %dma_start3A_803] : memref<2x80xf32, #tpu.memory_space<vmem>> -> memref<1x80xf32, #tpu.memory_space<vmem>>
      %dma_start3A_805 = tpu.memref_squeeze %dma_start3A_804 : memref<1x80xf32, #tpu.memory_space<vmem>> -> memref<80xf32, #tpu.memory_space<vmem>>
      tpu.enqueue_dma source(%dma_start3A_805 : memref<80xf32, #tpu.memory_space<vmem>>) target(%dma_start3A_802 : memref<80xf32, #tpu.memory_space<hbm>>) target_semaphore(%arg22 : memref<!tpu.dma_semaphore, #tpu.memory_space<semaphore_mem>>)
      %mul3A_806 = arith.constant 2 : i32
      %mul3A_807 = arith.muli %mul3A_806, %scan3A_443 : i32
      %add3A_808 = arith.constant 1 : i32
      %add3A_809 = arith.addi %mul3A_807, %add3A_808 : i32
      %dma_wait3A_810 = arith.constant 0 : i32
      %dma_wait3A_811 = arith.constant 0 : i32
      %dma_wait3A_812 = tpu.memref_slice %arg8[%dma_wait3A_810, %dma_wait3A_811] : memref<2x80xi32, #tpu.memory_space<vmem>> -> memref<1x80xi32, #tpu.memory_space<vmem>>
      %dma_wait3A_813 = tpu.memref_squeeze %dma_wait3A_812 : memref<1x80xi32, #tpu.memory_space<vmem>> -> memref<80xi32, #tpu.memory_space<vmem>>
      %dma_wait3A_814 = arith.constant 0 : i32
      %dma_wait3A_815 = tpu.memref_slice %arg4[%dma_wait3A_814] : memref<320000xi32, #tpu.memory_space<hbm>> -> memref<80xi32, #tpu.memory_space<hbm>>
      %dma_wait3A_816 = arith.constant 0 : i32
      %dma_wait3A_817 = tpu.memref_slice %arg8[%dma_wait3A_810, %dma_wait3A_816] : memref<2x80xi32, #tpu.memory_space<vmem>> -> memref<1x80xi32, #tpu.memory_space<vmem>>
      %dma_wait3A_818 = tpu.memref_squeeze %dma_wait3A_817 : memref<1x80xi32, #tpu.memory_space<vmem>> -> memref<80xi32, #tpu.memory_space<vmem>>
      %dma_wait3A_819 = arith.constant 0 : i32
      %dma_wait3A_820 = tpu.memref_slice %arg4[%dma_wait3A_819] : memref<320000xi32, #tpu.memory_space<hbm>> -> memref<80xi32, #tpu.memory_space<hbm>>
      tpu.wait_dma2 semaphore(%arg18 : memref<!tpu.dma_semaphore, #tpu.memory_space<semaphore_mem>>) src(%dma_wait3A_820 : memref<80xi32, #tpu.memory_space<hbm>>) dst(%dma_wait3A_818 : memref<80xi32, #tpu.memory_space<vmem>>)
      %dma_wait3A_821 = arith.constant 0 : i32
      %dma_wait3A_822 = arith.constant 0 : i32
      %dma_wait3A_823 = tpu.memref_slice %arg9[%dma_wait3A_821, %dma_wait3A_822] : memref<2x80xi32, #tpu.memory_space<vmem>> -> memref<1x80xi32, #tpu.memory_space<vmem>>
      %dma_wait3A_824 = tpu.memref_squeeze %dma_wait3A_823 : memref<1x80xi32, #tpu.memory_space<vmem>> -> memref<80xi32, #tpu.memory_space<vmem>>
      %dma_wait3A_825 = arith.constant 0 : i32
      %dma_wait3A_826 = tpu.memref_slice %arg5[%dma_wait3A_825] : memref<320000xi32, #tpu.memory_space<hbm>> -> memref<80xi32, #tpu.memory_space<hbm>>
      %dma_wait3A_827 = arith.constant 0 : i32
      %dma_wait3A_828 = tpu.memref_slice %arg9[%dma_wait3A_821, %dma_wait3A_827] : memref<2x80xi32, #tpu.memory_space<vmem>> -> memref<1x80xi32, #tpu.memory_space<vmem>>
      %dma_wait3A_829 = tpu.memref_squeeze %dma_wait3A_828 : memref<1x80xi32, #tpu.memory_space<vmem>> -> memref<80xi32, #tpu.memory_space<vmem>>
      %dma_wait3A_830 = arith.constant 0 : i32
      %dma_wait3A_831 = tpu.memref_slice %arg5[%dma_wait3A_830] : memref<320000xi32, #tpu.memory_space<hbm>> -> memref<80xi32, #tpu.memory_space<hbm>>
      tpu.wait_dma2 semaphore(%arg18 : memref<!tpu.dma_semaphore, #tpu.memory_space<semaphore_mem>>) src(%dma_wait3A_831 : memref<80xi32, #tpu.memory_space<hbm>>) dst(%dma_wait3A_829 : memref<80xi32, #tpu.memory_space<vmem>>)
      %dma_wait3A_832 = arith.constant 0 : i32
      %dma_wait3A_833 = arith.constant 0 : i32
      %dma_wait3A_834 = tpu.memref_slice %arg10[%dma_wait3A_832, %dma_wait3A_833] : memref<2x80xi32, #tpu.memory_space<vmem>> -> memref<1x80xi32, #tpu.memory_space<vmem>>
      %dma_wait3A_835 = tpu.memref_squeeze %dma_wait3A_834 : memref<1x80xi32, #tpu.memory_space<vmem>> -> memref<80xi32, #tpu.memory_space<vmem>>
      %dma_wait3A_836 = arith.constant 0 : i32
      %dma_wait3A_837 = tpu.memref_slice %arg6[%dma_wait3A_836] : memref<320000xi32, #tpu.memory_space<hbm>> -> memref<80xi32, #tpu.memory_space<hbm>>
      %dma_wait3A_838 = arith.constant 0 : i32
      %dma_wait3A_839 = tpu.memref_slice %arg10[%dma_wait3A_832, %dma_wait3A_838] : memref<2x80xi32, #tpu.memory_space<vmem>> -> memref<1x80xi32, #tpu.memory_space<vmem>>
      %dma_wait3A_840 = tpu.memref_squeeze %dma_wait3A_839 : memref<1x80xi32, #tpu.memory_space<vmem>> -> memref<80xi32, #tpu.memory_space<vmem>>
      %dma_wait3A_841 = arith.constant 0 : i32
      %dma_wait3A_842 = tpu.memref_slice %arg6[%dma_wait3A_841] : memref<320000xi32, #tpu.memory_space<hbm>> -> memref<80xi32, #tpu.memory_space<hbm>>
      tpu.wait_dma2 semaphore(%arg18 : memref<!tpu.dma_semaphore, #tpu.memory_space<semaphore_mem>>) src(%dma_wait3A_842 : memref<80xi32, #tpu.memory_space<hbm>>) dst(%dma_wait3A_840 : memref<80xi32, #tpu.memory_space<vmem>>)
      %get3A_843 = arith.constant 0 : i32
      %get3A_844 = arith.constant 0 : i32
      %get3A_845 = tpu.memref_slice %arg8[%get3A_843, %get3A_844] : memref<2x80xi32, #tpu.memory_space<vmem>> -> memref<1x80xi32, #tpu.memory_space<vmem>>
      %get3A_846 = tpu.memref_squeeze %get3A_845 : memref<1x80xi32, #tpu.memory_space<vmem>> -> memref<80xi32, #tpu.memory_space<vmem>>
      %get3A_847 = arith.constant 0 : index
      %get3A_848 = tpu.vector_load %get3A_846[%get3A_847] {strides = array<i32>} : memref<80xi32, #tpu.memory_space<vmem>>, vector<16xi32>,
      %get3A_849 = arith.constant 0 : i32
      %get3A_850 = arith.constant 0 : i32
      %get3A_851 = tpu.memref_slice %arg9[%get3A_849, %get3A_850] : memref<2x80xi32, #tpu.memory_space<vmem>> -> memref<1x80xi32, #tpu.memory_space<vmem>>
      %get3A_852 = tpu.memref_squeeze %get3A_851 : memref<1x80xi32, #tpu.memory_space<vmem>> -> memref<80xi32, #tpu.memory_space<vmem>>
      %get3A_853 = arith.constant 0 : index
      %get3A_854 = tpu.vector_load %get3A_852[%get3A_853] {strides = array<i32>} : memref<80xi32, #tpu.memory_space<vmem>>, vector<16xi32>,
      %get3A_855 = arith.constant 0 : i32
      %get3A_856 = arith.constant 0 : i32
      %get3A_857 = tpu.memref_slice %arg10[%get3A_855, %get3A_856] : memref<2x80xi32, #tpu.memory_space<vmem>> -> memref<1x80xi32, #tpu.memory_space<vmem>>
      %get3A_858 = tpu.memref_squeeze %get3A_857 : memref<1x80xi32, #tpu.memory_space<vmem>> -> memref<80xi32, #tpu.memory_space<vmem>>
      %get3A_859 = arith.constant 0 : index
      %get3A_860 = tpu.vector_load %get3A_858[%get3A_859] {strides = array<i32>} : memref<80xi32, #tpu.memory_space<vmem>>, vector<16xi32>,
      %mul3A_861 = arith.constant 16 : i32
      %mul3A_862 = vector.broadcast %mul3A_861 : i32 to vector<16xi32>
      %mul3A_863 = arith.muli %get3A_848, %mul3A_862 : vector<16xi32>
      %add3A_864 = arith.addi %mul3A_863, %get3A_860 : vector<16xi32>
      %swap3A_865 = arith.constant 0 : i32
      %swap3A_866 = arith.constant 0 : i32
      %swap3A_867 = tpu.memref_slice %arg11[%swap3A_865, %swap3A_866] : memref<2x80xi32, #tpu.memory_space<vmem>> -> memref<1x80xi32, #tpu.memory_space<vmem>>
      %swap3A_868 = tpu.memref_squeeze %swap3A_867 : memref<1x80xi32, #tpu.memory_space<vmem>> -> memref<80xi32, #tpu.memory_space<vmem>>
      %swap3A_869 = arith.constant 0 : index
      %swap3A_870 = tpu.vector_load %swap3A_868[%swap3A_869] {strides = array<i32>} : memref<80xi32, #tpu.memory_space<vmem>>, vector<16xi32>,
      tpu.vector_store %swap3A_868[%swap3A_869], %add3A_864 {strides = array<i32>} : memref<80xi32, #tpu.memory_space<vmem>>, vector<16xi32>,
      %mul3A_871 = arith.constant 16 : i32
      %mul3A_872 = vector.broadcast %mul3A_871 : i32 to vector<16xi32>
      %mul3A_873 = arith.muli %get3A_854, %mul3A_872 : vector<16xi32>
      %add3A_874 = arith.constant 8 : i32
      %add3A_875 = vector.broadcast %add3A_874 : i32 to vector<16xi32>
      %add3A_876 = arith.addi %add3A_875, %get3A_860 : vector<16xi32>
      %add3A_877 = arith.addi %mul3A_873, %add3A_876 : vector<16xi32>
      %swap3A_878 = arith.constant 0 : i32
      %swap3A_879 = arith.constant 0 : i32
      %swap3A_880 = tpu.memref_slice %arg12[%swap3A_878, %swap3A_879] : memref<2x80xi32, #tpu.memory_space<vmem>> -> memref<1x80xi32, #tpu.memory_space<vmem>>
      %swap3A_881 = tpu.memref_squeeze %swap3A_880 : memref<1x80xi32, #tpu.memory_space<vmem>> -> memref<80xi32, #tpu.memory_space<vmem>>
      %swap3A_882 = arith.constant 0 : index
      %swap3A_883 = tpu.vector_load %swap3A_881[%swap3A_882] {strides = array<i32>} : memref<80xi32, #tpu.memory_space<vmem>>, vector<16xi32>,
      tpu.vector_store %swap3A_881[%swap3A_882], %add3A_877 {strides = array<i32>} : memref<80xi32, #tpu.memory_space<vmem>>, vector<16xi32>,
      %get3A_884 = arith.constant 0 : i32
      %get3A_885 = arith.constant 0 : i32
      %get3A_886 = tpu.memref_slice %arg8[%get3A_884, %get3A_885] : memref<2x80xi32, #tpu.memory_space<vmem>> -> memref<1x80xi32, #tpu.memory_space<vmem>>
      %get3A_887 = tpu.memref_squeeze %get3A_886 : memref<1x80xi32, #tpu.memory_space<vmem>> -> memref<80xi32, #tpu.memory_space<vmem>>
      %get3A_888 = arith.constant 16 : index
      %get3A_889 = tpu.vector_load %get3A_887[%get3A_888] {strides = array<i32>} : memref<80xi32, #tpu.memory_space<vmem>>, vector<16xi32>,
      %get3A_890 = arith.constant 0 : i32
      %get3A_891 = arith.constant 0 : i32
      %get3A_892 = tpu.memref_slice %arg9[%get3A_890, %get3A_891] : memref<2x80xi32, #tpu.memory_space<vmem>> -> memref<1x80xi32, #tpu.memory_space<vmem>>
      %get3A_893 = tpu.memref_squeeze %get3A_892 : memref<1x80xi32, #tpu.memory_space<vmem>> -> memref<80xi32, #tpu.memory_space<vmem>>
      %get3A_894 = arith.constant 16 : index
      %get3A_895 = tpu.vector_load %get3A_893[%get3A_894] {strides = array<i32>} : memref<80xi32, #tpu.memory_space<vmem>>, vector<16xi32>,
      %get3A_896 = arith.constant 0 : i32
      %get3A_897 = arith.constant 0 : i32
      %get3A_898 = tpu.memref_slice %arg10[%get3A_896, %get3A_897] : memref<2x80xi32, #tpu.memory_space<vmem>> -> memref<1x80xi32, #tpu.memory_space<vmem>>
      %get3A_899 = tpu.memref_squeeze %get3A_898 : memref<1x80xi32, #tpu.memory_space<vmem>> -> memref<80xi32, #tpu.memory_space<vmem>>
      %get3A_900 = arith.constant 16 : index
      %get3A_901 = tpu.vector_load %get3A_899[%get3A_900] {strides = array<i32>} : memref<80xi32, #tpu.memory_space<vmem>>, vector<16xi32>,
      %mul3A_902 = arith.constant 16 : i32
      %mul3A_903 = vector.broadcast %mul3A_902 : i32 to vector<16xi32>
      %mul3A_904 = arith.muli %get3A_889, %mul3A_903 : vector<16xi32>
      %add3A_905 = arith.addi %mul3A_904, %get3A_901 : vector<16xi32>
      %swap3A_906 = arith.constant 0 : i32
      %swap3A_907 = arith.constant 0 : i32
      %swap3A_908 = tpu.memref_slice %arg11[%swap3A_906, %swap3A_907] : memref<2x80xi32, #tpu.memory_space<vmem>> -> memref<1x80xi32, #tpu.memory_space<vmem>>
      %swap3A_909 = tpu.memref_squeeze %swap3A_908 : memref<1x80xi32, #tpu.memory_space<vmem>> -> memref<80xi32, #tpu.memory_space<vmem>>
      %swap3A_910 = arith.constant 16 : index
      %swap3A_911 = tpu.vector_load %swap3A_909[%swap3A_910] {strides = array<i32>} : memref<80xi32, #tpu.memory_space<vmem>>, vector<16xi32>,
      tpu.vector_store %swap3A_909[%swap3A_910], %add3A_905 {strides = array<i32>} : memref<80xi32, #tpu.memory_space<vmem>>, vector<16xi32>,
      %mul3A_912 = arith.constant 16 : i32
      %mul3A_913 = vector.broadcast %mul3A_912 : i32 to vector<16xi32>
      %mul3A_914 = arith.muli %get3A_895, %mul3A_913 : vector<16xi32>
      %add3A_915 = arith.constant 8 : i32
      %add3A_916 = vector.broadcast %add3A_915 : i32 to vector<16xi32>
      %add3A_917 = arith.addi %add3A_916, %get3A_901 : vector<16xi32>
      %add3A_918 = arith.addi %mul3A_914, %add3A_917 : vector<16xi32>
      %swap3A_919 = arith.constant 0 : i32
      %swap3A_920 = arith.constant 0 : i32
      %swap3A_921 = tpu.memref_slice %arg12[%swap3A_919, %swap3A_920] : memref<2x80xi32, #tpu.memory_space<vmem>> -> memref<1x80xi32, #tpu.memory_space<vmem>>
      %swap3A_922 = tpu.memref_squeeze %swap3A_921 : memref<1x80xi32, #tpu.memory_space<vmem>> -> memref<80xi32, #tpu.memory_space<vmem>>
      %swap3A_923 = arith.constant 16 : index
      %swap3A_924 = tpu.vector_load %swap3A_922[%swap3A_923] {strides = array<i32>} : memref<80xi32, #tpu.memory_space<vmem>>, vector<16xi32>,
      tpu.vector_store %swap3A_922[%swap3A_923], %add3A_918 {strides = array<i32>} : memref<80xi32, #tpu.memory_space<vmem>>, vector<16xi32>,
      %get3A_925 = arith.constant 0 : i32
      %get3A_926 = arith.constant 0 : i32
      %get3A_927 = tpu.memref_slice %arg8[%get3A_925, %get3A_926] : memref<2x80xi32, #tpu.memory_space<vmem>> -> memref<1x80xi32, #tpu.memory_space<vmem>>
      %get3A_928 = tpu.memref_squeeze %get3A_927 : memref<1x80xi32, #tpu.memory_space<vmem>> -> memref<80xi32, #tpu.memory_space<vmem>>
      %get3A_929 = arith.constant 32 : index
      %get3A_930 = tpu.vector_load %get3A_928[%get3A_929] {strides = array<i32>} : memref<80xi32, #tpu.memory_space<vmem>>, vector<16xi32>,
      %get3A_931 = arith.constant 0 : i32
      %get3A_932 = arith.constant 0 : i32
      %get3A_933 = tpu.memref_slice %arg9[%get3A_931, %get3A_932] : memref<2x80xi32, #tpu.memory_space<vmem>> -> memref<1x80xi32, #tpu.memory_space<vmem>>
      %get3A_934 = tpu.memref_squeeze %get3A_933 : memref<1x80xi32, #tpu.memory_space<vmem>> -> memref<80xi32, #tpu.memory_space<vmem>>
      %get3A_935 = arith.constant 32 : index
      %get3A_936 = tpu.vector_load %get3A_934[%get3A_935] {strides = array<i32>} : memref<80xi32, #tpu.memory_space<vmem>>, vector<16xi32>,
      %get3A_937 = arith.constant 0 : i32
      %get3A_938 = arith.constant 0 : i32
      %get3A_939 = tpu.memref_slice %arg10[%get3A_937, %get3A_938] : memref<2x80xi32, #tpu.memory_space<vmem>> -> memref<1x80xi32, #tpu.memory_space<vmem>>
      %get3A_940 = tpu.memref_squeeze %get3A_939 : memref<1x80xi32, #tpu.memory_space<vmem>> -> memref<80xi32, #tpu.memory_space<vmem>>
      %get3A_941 = arith.constant 32 : index
      %get3A_942 = tpu.vector_load %get3A_940[%get3A_941] {strides = array<i32>} : memref<80xi32, #tpu.memory_space<vmem>>, vector<16xi32>,
      %mul3A_943 = arith.constant 16 : i32
      %mul3A_944 = vector.broadcast %mul3A_943 : i32 to vector<16xi32>
      %mul3A_945 = arith.muli %get3A_930, %mul3A_944 : vector<16xi32>
      %add3A_946 = arith.addi %mul3A_945, %get3A_942 : vector<16xi32>
      %swap3A_947 = arith.constant 0 : i32
      %swap3A_948 = arith.constant 0 : i32
      %swap3A_949 = tpu.memref_slice %arg11[%swap3A_947, %swap3A_948] : memref<2x80xi32, #tpu.memory_space<vmem>> -> memref<1x80xi32, #tpu.memory_space<vmem>>
      %swap3A_950 = tpu.memref_squeeze %swap3A_949 : memref<1x80xi32, #tpu.memory_space<vmem>> -> memref<80xi32, #tpu.memory_space<vmem>>
      %swap3A_951 = arith.constant 32 : index
      %swap3A_952 = tpu.vector_load %swap3A_950[%swap3A_951] {strides = array<i32>} : memref<80xi32, #tpu.memory_space<vmem>>, vector<16xi32>,
      tpu.vector_store %swap3A_950[%swap3A_951], %add3A_946 {strides = array<i32>} : memref<80xi32, #tpu.memory_space<vmem>>, vector<16xi32>,
      %mul3A_953 = arith.constant 16 : i32
      %mul3A_954 = vector.broadcast %mul3A_953 : i32 to vector<16xi32>
      %mul3A_955 = arith.muli %get3A_936, %mul3A_954 : vector<16xi32>
      %add3A_956 = arith.constant 8 : i32
      %add3A_957 = vector.broadcast %add3A_956 : i32 to vector<16xi32>
      %add3A_958 = arith.addi %add3A_957, %get3A_942 : vector<16xi32>
      %add3A_959 = arith.addi %mul3A_955, %add3A_958 : vector<16xi32>
      %swap3A_960 = arith.constant 0 : i32
      %swap3A_961 = arith.constant 0 : i32
      %swap3A_962 = tpu.memref_slice %arg12[%swap3A_960, %swap3A_961] : memref<2x80xi32, #tpu.memory_space<vmem>> -> memref<1x80xi32, #tpu.memory_space<vmem>>
      %swap3A_963 = tpu.memref_squeeze %swap3A_962 : memref<1x80xi32, #tpu.memory_space<vmem>> -> memref<80xi32, #tpu.memory_space<vmem>>
      %swap3A_964 = arith.constant 32 : index
      %swap3A_965 = tpu.vector_load %swap3A_963[%swap3A_964] {strides = array<i32>} : memref<80xi32, #tpu.memory_space<vmem>>, vector<16xi32>,
      tpu.vector_store %swap3A_963[%swap3A_964], %add3A_959 {strides = array<i32>} : memref<80xi32, #tpu.memory_space<vmem>>, vector<16xi32>,
      %get3A_966 = arith.constant 0 : i32
      %get3A_967 = arith.constant 0 : i32
      %get3A_968 = tpu.memref_slice %arg8[%get3A_966, %get3A_967] : memref<2x80xi32, #tpu.memory_space<vmem>> -> memref<1x80xi32, #tpu.memory_space<vmem>>
      %get3A_969 = tpu.memref_squeeze %get3A_968 : memref<1x80xi32, #tpu.memory_space<vmem>> -> memref<80xi32, #tpu.memory_space<vmem>>
      %get3A_970 = arith.constant 48 : index
      %get3A_971 = tpu.vector_load %get3A_969[%get3A_970] {strides = array<i32>} : memref<80xi32, #tpu.memory_space<vmem>>, vector<16xi32>,
      %get3A_972 = arith.constant 0 : i32
      %get3A_973 = arith.constant 0 : i32
      %get3A_974 = tpu.memref_slice %arg9[%get3A_972, %get3A_973] : memref<2x80xi32, #tpu.memory_space<vmem>> -> memref<1x80xi32, #tpu.memory_space<vmem>>
      %get3A_975 = tpu.memref_squeeze %get3A_974 : memref<1x80xi32, #tpu.memory_space<vmem>> -> memref<80xi32, #tpu.memory_space<vmem>>
      %get3A_976 = arith.constant 48 : index
      %get3A_977 = tpu.vector_load %get3A_975[%get3A_976] {strides = array<i32>} : memref<80xi32, #tpu.memory_space<vmem>>, vector<16xi32>,
      %get3A_978 = arith.constant 0 : i32
      %get3A_979 = arith.constant 0 : i32
      %get3A_980 = tpu.memref_slice %arg10[%get3A_978, %get3A_979] : memref<2x80xi32, #tpu.memory_space<vmem>> -> memref<1x80xi32, #tpu.memory_space<vmem>>
      %get3A_981 = tpu.memref_squeeze %get3A_980 : memref<1x80xi32, #tpu.memory_space<vmem>> -> memref<80xi32, #tpu.memory_space<vmem>>
      %get3A_982 = arith.constant 48 : index
      %get3A_983 = tpu.vector_load %get3A_981[%get3A_982] {strides = array<i32>} : memref<80xi32, #tpu.memory_space<vmem>>, vector<16xi32>,
      %mul3A_984 = arith.constant 16 : i32
      %mul3A_985 = vector.broadcast %mul3A_984 : i32 to vector<16xi32>
      %mul3A_986 = arith.muli %get3A_971, %mul3A_985 : vector<16xi32>
      %add3A_987 = arith.addi %mul3A_986, %get3A_983 : vector<16xi32>
      %swap3A_988 = arith.constant 0 : i32
      %swap3A_989 = arith.constant 0 : i32
      %swap3A_990 = tpu.memref_slice %arg11[%swap3A_988, %swap3A_989] : memref<2x80xi32, #tpu.memory_space<vmem>> -> memref<1x80xi32, #tpu.memory_space<vmem>>
      %swap3A_991 = tpu.memref_squeeze %swap3A_990 : memref<1x80xi32, #tpu.memory_space<vmem>> -> memref<80xi32, #tpu.memory_space<vmem>>
      %swap3A_992 = arith.constant 48 : index
      %swap3A_993 = tpu.vector_load %swap3A_991[%swap3A_992] {strides = array<i32>} : memref<80xi32, #tpu.memory_space<vmem>>, vector<16xi32>,
      tpu.vector_store %swap3A_991[%swap3A_992], %add3A_987 {strides = array<i32>} : memref<80xi32, #tpu.memory_space<vmem>>, vector<16xi32>,
      %mul3A_994 = arith.constant 16 : i32
      %mul3A_995 = vector.broadcast %mul3A_994 : i32 to vector<16xi32>
      %mul3A_996 = arith.muli %get3A_977, %mul3A_995 : vector<16xi32>
      %add3A_997 = arith.constant 8 : i32
      %add3A_998 = vector.broadcast %add3A_997 : i32 to vector<16xi32>
      %add3A_999 = arith.addi %add3A_998, %get3A_983 : vector<16xi32>
      %add3A_1000 = arith.addi %mul3A_996, %add3A_999 : vector<16xi32>
      %swap3A_1001 = arith.constant 0 : i32
      %swap3A_1002 = arith.constant 0 : i32
      %swap3A_1003 = tpu.memref_slice %arg12[%swap3A_1001, %swap3A_1002] : memref<2x80xi32, #tpu.memory_space<vmem>> -> memref<1x80xi32, #tpu.memory_space<vmem>>
      %swap3A_1004 = tpu.memref_squeeze %swap3A_1003 : memref<1x80xi32, #tpu.memory_space<vmem>> -> memref<80xi32, #tpu.memory_space<vmem>>
      %swap3A_1005 = arith.constant 48 : index
      %swap3A_1006 = tpu.vector_load %swap3A_1004[%swap3A_1005] {strides = array<i32>} : memref<80xi32, #tpu.memory_space<vmem>>, vector<16xi32>,
      tpu.vector_store %swap3A_1004[%swap3A_1005], %add3A_1000 {strides = array<i32>} : memref<80xi32, #tpu.memory_space<vmem>>, vector<16xi32>,
      %get3A_1007 = arith.constant 0 : i32
      %get3A_1008 = arith.constant 0 : i32
      %get3A_1009 = tpu.memref_slice %arg8[%get3A_1007, %get3A_1008] : memref<2x80xi32, #tpu.memory_space<vmem>> -> memref<1x80xi32, #tpu.memory_space<vmem>>
      %get3A_1010 = tpu.memref_squeeze %get3A_1009 : memref<1x80xi32, #tpu.memory_space<vmem>> -> memref<80xi32, #tpu.memory_space<vmem>>
      %get3A_1011 = arith.constant 64 : index
      %get3A_1012 = tpu.vector_load %get3A_1010[%get3A_1011] {strides = array<i32>} : memref<80xi32, #tpu.memory_space<vmem>>, vector<16xi32>,
      %get3A_1013 = arith.constant 0 : i32
      %get3A_1014 = arith.constant 0 : i32
      %get3A_1015 = tpu.memref_slice %arg9[%get3A_1013, %get3A_1014] : memref<2x80xi32, #tpu.memory_space<vmem>> -> memref<1x80xi32, #tpu.memory_space<vmem>>
      %get3A_1016 = tpu.memref_squeeze %get3A_1015 : memref<1x80xi32, #tpu.memory_space<vmem>> -> memref<80xi32, #tpu.memory_space<vmem>>
      %get3A_1017 = arith.constant 64 : index
      %get3A_1018 = tpu.vector_load %get3A_1016[%get3A_1017] {strides = array<i32>} : memref<80xi32, #tpu.memory_space<vmem>>, vector<16xi32>,
      %get3A_1019 = arith.constant 0 : i32
      %get3A_1020 = arith.constant 0 : i32
      %get3A_1021 = tpu.memref_slice %arg10[%get3A_1019, %get3A_1020] : memref<2x80xi32, #tpu.memory_space<vmem>> -> memref<1x80xi32, #tpu.memory_space<vmem>>
      %get3A_1022 = tpu.memref_squeeze %get3A_1021 : memref<1x80xi32, #tpu.memory_space<vmem>> -> memref<80xi32, #tpu.memory_space<vmem>>
      %get3A_1023 = arith.constant 64 : index
      %get3A_1024 = tpu.vector_load %get3A_1022[%get3A_1023] {strides = array<i32>} : memref<80xi32, #tpu.memory_space<vmem>>, vector<16xi32>,
      %mul3A_1025 = arith.constant 16 : i32
      %mul3A_1026 = vector.broadcast %mul3A_1025 : i32 to vector<16xi32>
      %mul3A_1027 = arith.muli %get3A_1012, %mul3A_1026 : vector<16xi32>
      %add3A_1028 = arith.addi %mul3A_1027, %get3A_1024 : vector<16xi32>
      %swap3A_1029 = arith.constant 0 : i32
      %swap3A_1030 = arith.constant 0 : i32
      %swap3A_1031 = tpu.memref_slice %arg11[%swap3A_1029, %swap3A_1030] : memref<2x80xi32, #tpu.memory_space<vmem>> -> memref<1x80xi32, #tpu.memory_space<vmem>>
      %swap3A_1032 = tpu.memref_squeeze %swap3A_1031 : memref<1x80xi32, #tpu.memory_space<vmem>> -> memref<80xi32, #tpu.memory_space<vmem>>
      %swap3A_1033 = arith.constant 64 : index
      %swap3A_1034 = tpu.vector_load %swap3A_1032[%swap3A_1033] {strides = array<i32>} : memref<80xi32, #tpu.memory_space<vmem>>, vector<16xi32>,
      tpu.vector_store %swap3A_1032[%swap3A_1033], %add3A_1028 {strides = array<i32>} : memref<80xi32, #tpu.memory_space<vmem>>, vector<16xi32>,
      %mul3A_1035 = arith.constant 16 : i32
      %mul3A_1036 = vector.broadcast %mul3A_1035 : i32 to vector<16xi32>
      %mul3A_1037 = arith.muli %get3A_1018, %mul3A_1036 : vector<16xi32>
      %add3A_1038 = arith.constant 8 : i32
      %add3A_1039 = vector.broadcast %add3A_1038 : i32 to vector<16xi32>
      %add3A_1040 = arith.addi %add3A_1039, %get3A_1024 : vector<16xi32>
      %add3A_1041 = arith.addi %mul3A_1037, %add3A_1040 : vector<16xi32>
      %swap3A_1042 = arith.constant 0 : i32
      %swap3A_1043 = arith.constant 0 : i32
      %swap3A_1044 = tpu.memref_slice %arg12[%swap3A_1042, %swap3A_1043] : memref<2x80xi32, #tpu.memory_space<vmem>> -> memref<1x80xi32, #tpu.memory_space<vmem>>
      %swap3A_1045 = tpu.memref_squeeze %swap3A_1044 : memref<1x80xi32, #tpu.memory_space<vmem>> -> memref<80xi32, #tpu.memory_space<vmem>>
      %swap3A_1046 = arith.constant 64 : index
      %swap3A_1047 = tpu.vector_load %swap3A_1045[%swap3A_1046] {strides = array<i32>} : memref<80xi32, #tpu.memory_space<vmem>>, vector<16xi32>,
      tpu.vector_store %swap3A_1045[%swap3A_1046], %add3A_1041 {strides = array<i32>} : memref<80xi32, #tpu.memory_space<vmem>>, vector<16xi32>,
      %dma_start3A_1048 = arith.constant 0 : i32
      %dma_start3A_1049 = arith.constant 0 : i32
      %dma_start3A_1050 = arith.constant 0 : i32
      %dma_start3A_1051 = arith.constant 0 : i32
      %dma_start3A_1052 = tpu.memref_slice %arg13[%dma_start3A_1049, %dma_start3A_1050, %dma_start3A_1051] : memref<2x80x256xf8E4M3FN, #tpu.memory_space<vmem>> -> memref<1x80x256xf8E4M3FN, #tpu.memory_space<vmem>>
      %dma_start3A_1053 = tpu.memref_squeeze %dma_start3A_1052 : memref<1x80x256xf8E4M3FN, #tpu.memory_space<vmem>> -> memref<80x256xf8E4M3FN, #tpu.memory_space<vmem>>
      %dma_start3A_1054 = arith.constant 0 : i32
      %dma_start3A_1055 = tpu.memref_slice %arg8[%dma_start3A_1048, %dma_start3A_1054] : memref<2x80xi32, #tpu.memory_space<vmem>> -> memref<1x80xi32, #tpu.memory_space<vmem>>
      %dma_start3A_1056 = tpu.memref_squeeze %dma_start3A_1055 : memref<1x80xi32, #tpu.memory_space<vmem>> -> memref<80xi32, #tpu.memory_space<vmem>>
      %dma_start3A_1057 = arith.constant 0 : i32
      %dma_start3A_1058 = arith.constant 0 : i32
      %dma_start3A_1059 = tpu.memref_slice %arg2[%dma_start3A_1057, %dma_start3A_1058] : memref<10000x256xf8E4M3FN, #tpu.memory_space<hbm>> -> memref<10000x256xf8E4M3FN, #tpu.memory_space<hbm>>
      tpu.enqueue_indirect_dma source(%dma_start3A_1059 : memref<10000x256xf8E4M3FN, #tpu.memory_space<hbm>>) target(%dma_start3A_1053 : memref<80x256xf8E4M3FN, #tpu.memory_space<vmem>>) offsets(%dma_start3A_1056 : memref<80xi32, #tpu.memory_space<vmem>>) semaphore(%arg20 : memref<!tpu.dma_semaphore, #tpu.memory_space<semaphore_mem>>)
      %dma_start3A_1060 = arith.constant 0 : i32
      %dma_start3A_1061 = arith.constant 0 : i32
      %dma_start3A_1062 = arith.constant 0 : i32
      %dma_start3A_1063 = arith.constant 0 : i32
      %dma_start3A_1064 = tpu.memref_slice %arg14[%dma_start3A_1061, %dma_start3A_1062, %dma_start3A_1063] : memref<2x80x256xf8E4M3FN, #tpu.memory_space<vmem>> -> memref<1x80x256xf8E4M3FN, #tpu.memory_space<vmem>>
      %dma_start3A_1065 = tpu.memref_squeeze %dma_start3A_1064 : memref<1x80x256xf8E4M3FN, #tpu.memory_space<vmem>> -> memref<80x256xf8E4M3FN, #tpu.memory_space<vmem>>
      %dma_start3A_1066 = arith.constant 0 : i32
      %dma_start3A_1067 = tpu.memref_slice %arg9[%dma_start3A_1060, %dma_start3A_1066] : memref<2x80xi32, #tpu.memory_space<vmem>> -> memref<1x80xi32, #tpu.memory_space<vmem>>
      %dma_start3A_1068 = tpu.memref_squeeze %dma_start3A_1067 : memref<1x80xi32, #tpu.memory_space<vmem>> -> memref<80xi32, #tpu.memory_space<vmem>>
      %dma_start3A_1069 = arith.constant 0 : i32
      %dma_start3A_1070 = arith.constant 0 : i32
      %dma_start3A_1071 = tpu.memref_slice %arg2[%dma_start3A_1069, %dma_start3A_1070] : memref<10000x256xf8E4M3FN, #tpu.memory_space<hbm>> -> memref<10000x256xf8E4M3FN, #tpu.memory_space<hbm>>
      tpu.enqueue_indirect_dma source(%dma_start3A_1071 : memref<10000x256xf8E4M3FN, #tpu.memory_space<hbm>>) target(%dma_start3A_1065 : memref<80x256xf8E4M3FN, #tpu.memory_space<vmem>>) offsets(%dma_start3A_1068 : memref<80xi32, #tpu.memory_space<vmem>>) semaphore(%arg20 : memref<!tpu.dma_semaphore, #tpu.memory_space<semaphore_mem>>)
      %dma_start3A_1072 = arith.constant 0 : i32
      %dma_start3A_1073 = arith.constant 0 : i32
      %dma_start3A_1074 = arith.constant 0 : i32
      %dma_start3A_1075 = tpu.memref_slice %arg15[%dma_start3A_1073, %dma_start3A_1074] : memref<2x80xf32, #tpu.memory_space<vmem>> -> memref<1x80xf32, #tpu.memory_space<vmem>>
      %dma_start3A_1076 = tpu.memref_squeeze %dma_start3A_1075 : memref<1x80xf32, #tpu.memory_space<vmem>> -> memref<80xf32, #tpu.memory_space<vmem>>
      %dma_start3A_1077 = arith.constant 0 : i32
      %dma_start3A_1078 = tpu.memref_slice %arg11[%dma_start3A_1072, %dma_start3A_1077] : memref<2x80xi32, #tpu.memory_space<vmem>> -> memref<1x80xi32, #tpu.memory_space<vmem>>
      %dma_start3A_1079 = tpu.memref_squeeze %dma_start3A_1078 : memref<1x80xi32, #tpu.memory_space<vmem>> -> memref<80xi32, #tpu.memory_space<vmem>>
      %dma_start3A_1080 = arith.constant 0 : i32
      %dma_start3A_1081 = tpu.memref_slice %arg3[%dma_start3A_1080] : memref<160000xf32, #tpu.memory_space<hbm>> -> memref<160000xf32, #tpu.memory_space<hbm>>
      tpu.enqueue_indirect_dma source(%dma_start3A_1081 : memref<160000xf32, #tpu.memory_space<hbm>>) target(%dma_start3A_1076 : memref<80xf32, #tpu.memory_space<vmem>>) offsets(%dma_start3A_1079 : memref<80xi32, #tpu.memory_space<vmem>>) semaphore(%arg20 : memref<!tpu.dma_semaphore, #tpu.memory_space<semaphore_mem>>)
      %dma_start3A_1082 = arith.constant 0 : i32
      %dma_start3A_1083 = arith.constant 0 : i32
      %dma_start3A_1084 = arith.constant 0 : i32
      %dma_start3A_1085 = tpu.memref_slice %arg16[%dma_start3A_1083, %dma_start3A_1084] : memref<2x80xf32, #tpu.memory_space<vmem>> -> memref<1x80xf32, #tpu.memory_space<vmem>>
      %dma_start3A_1086 = tpu.memref_squeeze %dma_start3A_1085 : memref<1x80xf32, #tpu.memory_space<vmem>> -> memref<80xf32, #tpu.memory_space<vmem>>
      %dma_start3A_1087 = arith.constant 0 : i32
      %dma_start3A_1088 = tpu.memref_slice %arg12[%dma_start3A_1082, %dma_start3A_1087] : memref<2x80xi32, #tpu.memory_space<vmem>> -> memref<1x80xi32, #tpu.memory_space<vmem>>
      %dma_start3A_1089 = tpu.memref_squeeze %dma_start3A_1088 : memref<1x80xi32, #tpu.memory_space<vmem>> -> memref<80xi32, #tpu.memory_space<vmem>>
      %dma_start3A_1090 = arith.constant 0 : i32
      %dma_start3A_1091 = tpu.memref_slice %arg3[%dma_start3A_1090] : memref<160000xf32, #tpu.memory_space<hbm>> -> memref<160000xf32, #tpu.memory_space<hbm>>
      tpu.enqueue_indirect_dma source(%dma_start3A_1091 : memref<160000xf32, #tpu.memory_space<hbm>>) target(%dma_start3A_1086 : memref<80xf32, #tpu.memory_space<vmem>>) offsets(%dma_start3A_1089 : memref<80xi32, #tpu.memory_space<vmem>>) semaphore(%arg20 : memref<!tpu.dma_semaphore, #tpu.memory_space<semaphore_mem>>)
      %dma_wait3A_1092 = arith.constant 1 : i32
      %dma_wait3A_1093 = arith.constant 1 : i32
      %dma_wait3A_1094 = arith.constant 0 : i32
      %dma_wait3A_1095 = arith.constant 0 : i32
      %dma_wait3A_1096 = tpu.memref_slice %arg13[%dma_wait3A_1093, %dma_wait3A_1094, %dma_wait3A_1095] : memref<2x80x256xf8E4M3FN, #tpu.memory_space<vmem>> -> memref<1x80x256xf8E4M3FN, #tpu.memory_space<vmem>>
      %dma_wait3A_1097 = tpu.memref_squeeze %dma_wait3A_1096 : memref<1x80x256xf8E4M3FN, #tpu.memory_space<vmem>> -> memref<80x256xf8E4M3FN, #tpu.memory_space<vmem>>
      %dma_wait3A_1098 = arith.constant 0 : i32
      %dma_wait3A_1099 = tpu.memref_slice %arg8[%dma_wait3A_1092, %dma_wait3A_1098] : memref<2x80xi32, #tpu.memory_space<vmem>> -> memref<1x80xi32, #tpu.memory_space<vmem>>
      %dma_wait3A_1100 = tpu.memref_squeeze %dma_wait3A_1099 : memref<1x80xi32, #tpu.memory_space<vmem>> -> memref<80xi32, #tpu.memory_space<vmem>>
      %dma_wait3A_1101 = arith.constant 0 : i32
      %dma_wait3A_1102 = arith.constant 0 : i32
      %dma_wait3A_1103 = tpu.memref_slice %arg2[%dma_wait3A_1101, %dma_wait3A_1102] : memref<10000x256xf8E4M3FN, #tpu.memory_space<hbm>> -> memref<10000x256xf8E4M3FN, #tpu.memory_space<hbm>>
      tpu.wait_indirect_dma semaphore(%arg21 : memref<!tpu.dma_semaphore, #tpu.memory_space<semaphore_mem>>) src(%dma_wait3A_1103 : memref<10000x256xf8E4M3FN, #tpu.memory_space<hbm>>) dst(%dma_wait3A_1097 : memref<80x256xf8E4M3FN, #tpu.memory_space<vmem>>)
      %dma_wait3A_1104 = arith.constant 1 : i32
      %dma_wait3A_1105 = arith.constant 1 : i32
      %dma_wait3A_1106 = arith.constant 0 : i32
      %dma_wait3A_1107 = arith.constant 0 : i32
      %dma_wait3A_1108 = tpu.memref_slice %arg14[%dma_wait3A_1105, %dma_wait3A_1106, %dma_wait3A_1107] : memref<2x80x256xf8E4M3FN, #tpu.memory_space<vmem>> -> memref<1x80x256xf8E4M3FN, #tpu.memory_space<vmem>>
      %dma_wait3A_1109 = tpu.memref_squeeze %dma_wait3A_1108 : memref<1x80x256xf8E4M3FN, #tpu.memory_space<vmem>> -> memref<80x256xf8E4M3FN, #tpu.memory_space<vmem>>
      %dma_wait3A_1110 = arith.constant 0 : i32
      %dma_wait3A_1111 = tpu.memref_slice %arg9[%dma_wait3A_1104, %dma_wait3A_1110] : memref<2x80xi32, #tpu.memory_space<vmem>> -> memref<1x80xi32, #tpu.memory_space<vmem>>
      %dma_wait3A_1112 = tpu.memref_squeeze %dma_wait3A_1111 : memref<1x80xi32, #tpu.memory_space<vmem>> -> memref<80xi32, #tpu.memory_space<vmem>>
      %dma_wait3A_1113 = arith.constant 0 : i32
      %dma_wait3A_1114 = arith.constant 0 : i32
      %dma_wait3A_1115 = tpu.memref_slice %arg2[%dma_wait3A_1113, %dma_wait3A_1114] : memref<10000x256xf8E4M3FN, #tpu.memory_space<hbm>> -> memref<10000x256xf8E4M3FN, #tpu.memory_space<hbm>>
      tpu.wait_indirect_dma semaphore(%arg21 : memref<!tpu.dma_semaphore, #tpu.memory_space<semaphore_mem>>) src(%dma_wait3A_1115 : memref<10000x256xf8E4M3FN, #tpu.memory_space<hbm>>) dst(%dma_wait3A_1109 : memref<80x256xf8E4M3FN, #tpu.memory_space<vmem>>)
      %dma_wait3A_1116 = arith.constant 1 : i32
      %dma_wait3A_1117 = arith.constant 1 : i32
      %dma_wait3A_1118 = arith.constant 0 : i32
      %dma_wait3A_1119 = tpu.memref_slice %arg15[%dma_wait3A_1117, %dma_wait3A_1118] : memref<2x80xf32, #tpu.memory_space<vmem>> -> memref<1x80xf32, #tpu.memory_space<vmem>>
      %dma_wait3A_1120 = tpu.memref_squeeze %dma_wait3A_1119 : memref<1x80xf32, #tpu.memory_space<vmem>> -> memref<80xf32, #tpu.memory_space<vmem>>
      %dma_wait3A_1121 = arith.constant 0 : i32
      %dma_wait3A_1122 = tpu.memref_slice %arg11[%dma_wait3A_1116, %dma_wait3A_1121] : memref<2x80xi32, #tpu.memory_space<vmem>> -> memref<1x80xi32, #tpu.memory_space<vmem>>
      %dma_wait3A_1123 = tpu.memref_squeeze %dma_wait3A_1122 : memref<1x80xi32, #tpu.memory_space<vmem>> -> memref<80xi32, #tpu.memory_space<vmem>>
      %dma_wait3A_1124 = arith.constant 0 : i32
      %dma_wait3A_1125 = tpu.memref_slice %arg3[%dma_wait3A_1124] : memref<160000xf32, #tpu.memory_space<hbm>> -> memref<160000xf32, #tpu.memory_space<hbm>>
      tpu.wait_indirect_dma semaphore(%arg21 : memref<!tpu.dma_semaphore, #tpu.memory_space<semaphore_mem>>) src(%dma_wait3A_1125 : memref<160000xf32, #tpu.memory_space<hbm>>) dst(%dma_wait3A_1120 : memref<80xf32, #tpu.memory_space<vmem>>)
      %dma_wait3A_1126 = arith.constant 1 : i32
      %dma_wait3A_1127 = arith.constant 1 : i32
      %dma_wait3A_1128 = arith.constant 0 : i32
      %dma_wait3A_1129 = tpu.memref_slice %arg16[%dma_wait3A_1127, %dma_wait3A_1128] : memref<2x80xf32, #tpu.memory_space<vmem>> -> memref<1x80xf32, #tpu.memory_space<vmem>>
      %dma_wait3A_1130 = tpu.memref_squeeze %dma_wait3A_1129 : memref<1x80xf32, #tpu.memory_space<vmem>> -> memref<80xf32, #tpu.memory_space<vmem>>
      %dma_wait3A_1131 = arith.constant 0 : i32
      %dma_wait3A_1132 = tpu.memref_slice %arg12[%dma_wait3A_1126, %dma_wait3A_1131] : memref<2x80xi32, #tpu.memory_space<vmem>> -> memref<1x80xi32, #tpu.memory_space<vmem>>
      %dma_wait3A_1133 = tpu.memref_squeeze %dma_wait3A_1132 : memref<1x80xi32, #tpu.memory_space<vmem>> -> memref<80xi32, #tpu.memory_space<vmem>>
      %dma_wait3A_1134 = arith.constant 0 : i32
      %dma_wait3A_1135 = tpu.memref_slice %arg3[%dma_wait3A_1134] : memref<160000xf32, #tpu.memory_space<hbm>> -> memref<160000xf32, #tpu.memory_space<hbm>>
      tpu.wait_indirect_dma semaphore(%arg21 : memref<!tpu.dma_semaphore, #tpu.memory_space<semaphore_mem>>) src(%dma_wait3A_1135 : memref<160000xf32, #tpu.memory_space<hbm>>) dst(%dma_wait3A_1130 : memref<80xf32, #tpu.memory_space<vmem>>)
      %add3A_1136 = arith.constant 2 : i32
      %add3A_1137 = arith.addi %add3A_809, %add3A_1136 : i32
      %lt3A_1138 = arith.constant 125 : i32
      %lt3A_1139 = arith.cmpi slt, %add3A_1137, %lt3A_1138 : i32
      %convert_element_type3A_1140 = arith.extui %lt3A_1139 : i1 to i32
      %cond3A_1141 = arith.constant 0 : i32
      %cond3A_1142 = arith.cmpi ne, %convert_element_type3A_1140, %cond3A_1141 : i32
      scf.if %cond3A_1142 {
        %add3A_1172 = arith.constant 2 : i32
        %add3A_1173 = arith.addi %add3A_809, %add3A_1172 : i32
        %mul3A_1174 = arith.constant 80 : i32
        %mul3A_1175 = arith.muli %add3A_1173, %mul3A_1174 : i32
        %add3A_1176 = arith.addi %mul3A_2, %mul3A_1175 : i32
        %dma_start3A_1177 = arith.constant 1 : i32
        %dma_start3A_1178 = arith.constant 0 : i32
        %dma_start3A_1179 = tpu.memref_slice %arg8[%dma_start3A_1177, %dma_start3A_1178] : memref<2x80xi32, #tpu.memory_space<vmem>> -> memref<1x80xi32, #tpu.memory_space<vmem>>
        %dma_start3A_1180 = tpu.memref_squeeze %dma_start3A_1179 : memref<1x80xi32, #tpu.memory_space<vmem>> -> memref<80xi32, #tpu.memory_space<vmem>>
        %dma_start3A_1181 = tpu.memref_slice %arg4[%add3A_1176] : memref<320000xi32, #tpu.memory_space<hbm>> -> memref<80xi32, #tpu.memory_space<hbm>>
        %dma_start3A_1182 = arith.constant 0 : i32
        %dma_start3A_1183 = tpu.memref_slice %arg8[%dma_start3A_1177, %dma_start3A_1182] : memref<2x80xi32, #tpu.memory_space<vmem>> -> memref<1x80xi32, #tpu.memory_space<vmem>>
        %dma_start3A_1184 = tpu.memref_squeeze %dma_start3A_1183 : memref<1x80xi32, #tpu.memory_space<vmem>> -> memref<80xi32, #tpu.memory_space<vmem>>
        %dma_start3A_1185 = tpu.memref_slice %arg4[%add3A_1176] : memref<320000xi32, #tpu.memory_space<hbm>> -> memref<80xi32, #tpu.memory_space<hbm>>
        tpu.enqueue_dma source(%dma_start3A_1185 : memref<80xi32, #tpu.memory_space<hbm>>) target(%dma_start3A_1184 : memref<80xi32, #tpu.memory_space<vmem>>) target_semaphore(%arg19 : memref<!tpu.dma_semaphore, #tpu.memory_space<semaphore_mem>>)
        %dma_start3A_1186 = arith.constant 1 : i32
        %dma_start3A_1187 = arith.constant 0 : i32
        %dma_start3A_1188 = tpu.memref_slice %arg9[%dma_start3A_1186, %dma_start3A_1187] : memref<2x80xi32, #tpu.memory_space<vmem>> -> memref<1x80xi32, #tpu.memory_space<vmem>>
        %dma_start3A_1189 = tpu.memref_squeeze %dma_start3A_1188 : memref<1x80xi32, #tpu.memory_space<vmem>> -> memref<80xi32, #tpu.memory_space<vmem>>
        %dma_start3A_1190 = tpu.memref_slice %arg5[%add3A_1176] : memref<320000xi32, #tpu.memory_space<hbm>> -> memref<80xi32, #tpu.memory_space<hbm>>
        %dma_start3A_1191 = arith.constant 0 : i32
        %dma_start3A_1192 = tpu.memref_slice %arg9[%dma_start3A_1186, %dma_start3A_1191] : memref<2x80xi32, #tpu.memory_space<vmem>> -> memref<1x80xi32, #tpu.memory_space<vmem>>
        %dma_start3A_1193 = tpu.memref_squeeze %dma_start3A_1192 : memref<1x80xi32, #tpu.memory_space<vmem>> -> memref<80xi32, #tpu.memory_space<vmem>>
        %dma_start3A_1194 = tpu.memref_slice %arg5[%add3A_1176] : memref<320000xi32, #tpu.memory_space<hbm>> -> memref<80xi32, #tpu.memory_space<hbm>>
        tpu.enqueue_dma source(%dma_start3A_1194 : memref<80xi32, #tpu.memory_space<hbm>>) target(%dma_start3A_1193 : memref<80xi32, #tpu.memory_space<vmem>>) target_semaphore(%arg19 : memref<!tpu.dma_semaphore, #tpu.memory_space<semaphore_mem>>)
        %dma_start3A_1195 = arith.constant 1 : i32
        %dma_start3A_1196 = arith.constant 0 : i32
        %dma_start3A_1197 = tpu.memref_slice %arg10[%dma_start3A_1195, %dma_start3A_1196] : memref<2x80xi32, #tpu.memory_space<vmem>> -> memref<1x80xi32, #tpu.memory_space<vmem>>
        %dma_start3A_1198 = tpu.memref_squeeze %dma_start3A_1197 : memref<1x80xi32, #tpu.memory_space<vmem>> -> memref<80xi32, #tpu.memory_space<vmem>>
        %dma_start3A_1199 = tpu.memref_slice %arg6[%add3A_1176] : memref<320000xi32, #tpu.memory_space<hbm>> -> memref<80xi32, #tpu.memory_space<hbm>>
        %dma_start3A_1200 = arith.constant 0 : i32
        %dma_start3A_1201 = tpu.memref_slice %arg10[%dma_start3A_1195, %dma_start3A_1200] : memref<2x80xi32, #tpu.memory_space<vmem>> -> memref<1x80xi32, #tpu.memory_space<vmem>>
        %dma_start3A_1202 = tpu.memref_squeeze %dma_start3A_1201 : memref<1x80xi32, #tpu.memory_space<vmem>> -> memref<80xi32, #tpu.memory_space<vmem>>
        %dma_start3A_1203 = tpu.memref_slice %arg6[%add3A_1176] : memref<320000xi32, #tpu.memory_space<hbm>> -> memref<80xi32, #tpu.memory_space<hbm>>
        tpu.enqueue_dma source(%dma_start3A_1203 : memref<80xi32, #tpu.memory_space<hbm>>) target(%dma_start3A_1202 : memref<80xi32, #tpu.memory_space<vmem>>) target_semaphore(%arg19 : memref<!tpu.dma_semaphore, #tpu.memory_space<semaphore_mem>>)
      } else {
      }
      %ge3A_1143 = arith.constant 2 : i32
      %ge3A_1144 = arith.cmpi sge, %add3A_809, %ge3A_1143 : i32
      %convert_element_type3A_1145 = arith.extui %ge3A_1144 : i1 to i32
      %cond3A_1146 = arith.constant 1 : i32
      %cond3A_1147 = arith.constant 0 : i32
      %cond3A_1148 = arith.cmpi ne, %convert_element_type3A_1145, %cond3A_1147 : i32
      scf.if %cond3A_1148 {
        %dma_wait3A_1172 = arith.constant 0 : i32
        %dma_wait3A_1173 = tpu.memref_slice %arg17[%cond3A_1146, %dma_wait3A_1172] : memref<2x80xf32, #tpu.memory_space<vmem>> -> memref<1x80xf32, #tpu.memory_space<vmem>>
        %dma_wait3A_1174 = tpu.memref_squeeze %dma_wait3A_1173 : memref<1x80xf32, #tpu.memory_space<vmem>> -> memref<80xf32, #tpu.memory_space<vmem>>
        %dma_wait3A_1175 = arith.constant 0 : i32
        %dma_wait3A_1176 = tpu.memref_slice %arg7[%dma_wait3A_1175] : memref<320000xf32, #tpu.memory_space<hbm>> -> memref<80xf32, #tpu.memory_space<hbm>>
        %dma_wait3A_1177 = arith.constant 0 : i32
        %dma_wait3A_1178 = tpu.memref_slice %arg7[%dma_wait3A_1177] : memref<320000xf32, #tpu.memory_space<hbm>> -> memref<80xf32, #tpu.memory_space<hbm>>
        %dma_wait3A_1179 = arith.constant 0 : i32
        %dma_wait3A_1180 = tpu.memref_slice %arg17[%cond3A_1146, %dma_wait3A_1179] : memref<2x80xf32, #tpu.memory_space<vmem>> -> memref<1x80xf32, #tpu.memory_space<vmem>>
        %dma_wait3A_1181 = tpu.memref_squeeze %dma_wait3A_1180 : memref<1x80xf32, #tpu.memory_space<vmem>> -> memref<80xf32, #tpu.memory_space<vmem>>
        tpu.wait_dma2 semaphore(%arg23 : memref<!tpu.dma_semaphore, #tpu.memory_space<semaphore_mem>>) src(%dma_wait3A_1181 : memref<80xf32, #tpu.memory_space<vmem>>) dst(%dma_wait3A_1178 : memref<80xf32, #tpu.memory_space<hbm>>)
      } else {
      }
      %scan3A_1149 = arith.constant 0 : i32
      %scan3A_1150 = arith.constant 1 : i32
      %scan3A_1151 = arith.constant 1 : i32
      %scan3A_1152 = arith.constant 1 : i32
      %scan3A_1153 = arith.constant 1 : i32
      %scan3A_1154 = arith.constant 1 : i32
      %scan3A_1155 = arith.constant 0 : i32
      %scan3A_1156 = arith.constant 5 : i32
      %scan3A_1157 = arith.addi %scan3A_1155, %scan3A_1156 : i32
      %scan3A_1158 = arith.constant 1 : i32
      scf.for %scan3A_1172 = %scan3A_1155 to %scan3A_1157 step %scan3A_1158  : i32 {
        %iota3A = tpu.iota {dimensions = array<i32: 0>} : vector<16xi32>
        %broadcast_in_dim3A = arith.constant 0.000000e+00 : f32
        %broadcast_in_dim3A_1173 = vector.broadcast %broadcast_in_dim3A : f32 to vector<16xf32>
        %scan3A_1174 = arith.constant 0 : i32
        %scan3A_1175 = arith.constant 16 : i32
        %scan3A_1176 = arith.addi %scan3A_1174, %scan3A_1175 : i32
        %scan3A_1177 = arith.constant 1 : i32
        %scan3A_1178 = scf.for %scan3A_1201 = %scan3A_1174 to %scan3A_1176 step %scan3A_1177 iter_args(%scan3A_1202 = %broadcast_in_dim3A_1173) -> (vector<16xf32>)  : i32 {
          %mul3A_1203 = arith.constant 16 : i32
          %mul3A_1204 = arith.muli %scan3A_1172, %mul3A_1203 : i32
          %add3A_1205 = arith.addi %mul3A_1204, %scan3A_1201 : i32
          %broadcast_in_dim3A_1206 = arith.constant 0.000000e+00 : bf16
          %broadcast_in_dim3A_1207 = vector.broadcast %broadcast_in_dim3A_1206 : bf16 to vector<32xbf16>
          %get3A_1208 = arith.constant 0 : i32
          %get3A_1209 = arith.constant 0 : i32
          %get3A_1210 = tpu.memref_slice %arg13[%scan3A_1150, %get3A_1208, %get3A_1209] : memref<2x80x256xf8E4M3FN, #tpu.memory_space<vmem>> -> memref<1x80x256xf8E4M3FN, #tpu.memory_space<vmem>>
          %get3A_1211 = tpu.memref_squeeze %get3A_1210 : memref<1x80x256xf8E4M3FN, #tpu.memory_space<vmem>> -> memref<80x256xf8E4M3FN, #tpu.memory_space<vmem>>
          %get3A_1212 = arith.index_cast %add3A_1205 : i32 to index
          %get3A_1213 = arith.constant 0 : index
          %get3A_1214 = tpu.vector_load %get3A_1211[%get3A_1212, %get3A_1213] {strides = array<i32>} : memref<80x256xf8E4M3FN, #tpu.memory_space<vmem>>, vector<64xf8E4M3FN>,
          %unpack3A = tpu.unpack_subelements %get3A_1214, 0 {pack_format = #tpu.pack_format<interleaved>} : vector<64xf8E4M3FN> -> vector<32xbf16>
          %unpack3A_1215 = tpu.unpack_subelements %get3A_1214, 1 {pack_format = #tpu.pack_format<interleaved>} : vector<64xf8E4M3FN> -> vector<32xbf16>
          %get3A_1216 = arith.constant 0 : i32
          %get3A_1217 = arith.constant 0 : i32
          %get3A_1218 = tpu.memref_slice %arg14[%scan3A_1151, %get3A_1216, %get3A_1217] : memref<2x80x256xf8E4M3FN, #tpu.memory_space<vmem>> -> memref<1x80x256xf8E4M3FN, #tpu.memory_space<vmem>>
          %get3A_1219 = tpu.memref_squeeze %get3A_1218 : memref<1x80x256xf8E4M3FN, #tpu.memory_space<vmem>> -> memref<80x256xf8E4M3FN, #tpu.memory_space<vmem>>
          %get3A_1220 = arith.index_cast %add3A_1205 : i32 to index
          %get3A_1221 = arith.constant 0 : index
          %get3A_1222 = tpu.vector_load %get3A_1219[%get3A_1220, %get3A_1221] {strides = array<i32>} : memref<80x256xf8E4M3FN, #tpu.memory_space<vmem>>, vector<64xf8E4M3FN>,
          %unpack3A_1223 = tpu.unpack_subelements %get3A_1222, 0 {pack_format = #tpu.pack_format<interleaved>} : vector<64xf8E4M3FN> -> vector<32xbf16>
          %unpack3A_1224 = tpu.unpack_subelements %get3A_1222, 1 {pack_format = #tpu.pack_format<interleaved>} : vector<64xf8E4M3FN> -> vector<32xbf16>
          %mul3A_1225 = arith.mulf %unpack3A, %unpack3A_1223 : vector<32xbf16>
          %add3A_1226 = arith.addf %broadcast_in_dim3A_1207, %mul3A_1225 : vector<32xbf16>
          %mul3A_1227 = arith.mulf %unpack3A_1215, %unpack3A_1224 : vector<32xbf16>
          %add3A_1228 = arith.addf %add3A_1226, %mul3A_1227 : vector<32xbf16>
          %get3A_1229 = arith.constant 0 : i32
          %get3A_1230 = arith.constant 0 : i32
          %get3A_1231 = tpu.memref_slice %arg13[%scan3A_1150, %get3A_1229, %get3A_1230] : memref<2x80x256xf8E4M3FN, #tpu.memory_space<vmem>> -> memref<1x80x256xf8E4M3FN, #tpu.memory_space<vmem>>
          %get3A_1232 = tpu.memref_squeeze %get3A_1231 : memref<1x80x256xf8E4M3FN, #tpu.memory_space<vmem>> -> memref<80x256xf8E4M3FN, #tpu.memory_space<vmem>>
          %get3A_1233 = arith.index_cast %add3A_1205 : i32 to index
          %get3A_1234 = arith.constant 64 : index
          %get3A_1235 = tpu.vector_load %get3A_1232[%get3A_1233, %get3A_1234] {strides = array<i32>} : memref<80x256xf8E4M3FN, #tpu.memory_space<vmem>>, vector<64xf8E4M3FN>,
          %unpack3A_1236 = tpu.unpack_subelements %get3A_1235, 0 {pack_format = #tpu.pack_format<interleaved>} : vector<64xf8E4M3FN> -> vector<32xbf16>
          %unpack3A_1237 = tpu.unpack_subelements %get3A_1235, 1 {pack_format = #tpu.pack_format<interleaved>} : vector<64xf8E4M3FN> -> vector<32xbf16>
          %get3A_1238 = arith.constant 0 : i32
          %get3A_1239 = arith.constant 0 : i32
          %get3A_1240 = tpu.memref_slice %arg14[%scan3A_1151, %get3A_1238, %get3A_1239] : memref<2x80x256xf8E4M3FN, #tpu.memory_space<vmem>> -> memref<1x80x256xf8E4M3FN, #tpu.memory_space<vmem>>
          %get3A_1241 = tpu.memref_squeeze %get3A_1240 : memref<1x80x256xf8E4M3FN, #tpu.memory_space<vmem>> -> memref<80x256xf8E4M3FN, #tpu.memory_space<vmem>>
          %get3A_1242 = arith.index_cast %add3A_1205 : i32 to index
          %get3A_1243 = arith.constant 64 : index
          %get3A_1244 = tpu.vector_load %get3A_1241[%get3A_1242, %get3A_1243] {strides = array<i32>} : memref<80x256xf8E4M3FN, #tpu.memory_space<vmem>>, vector<64xf8E4M3FN>,
          %unpack3A_1245 = tpu.unpack_subelements %get3A_1244, 0 {pack_format = #tpu.pack_format<interleaved>} : vector<64xf8E4M3FN> -> vector<32xbf16>
          %unpack3A_1246 = tpu.unpack_subelements %get3A_1244, 1 {pack_format = #tpu.pack_format<interleaved>} : vector<64xf8E4M3FN> -> vector<32xbf16>
          %mul3A_1247 = arith.mulf %unpack3A_1236, %unpack3A_1245 : vector<32xbf16>
          %add3A_1248 = arith.addf %add3A_1228, %mul3A_1247 : vector<32xbf16>
          %mul3A_1249 = arith.mulf %unpack3A_1237, %unpack3A_1246 : vector<32xbf16>
          %add3A_1250 = arith.addf %add3A_1248, %mul3A_1249 : vector<32xbf16>
          %get3A_1251 = arith.constant 0 : i32
          %get3A_1252 = arith.constant 0 : i32
          %get3A_1253 = tpu.memref_slice %arg13[%scan3A_1150, %get3A_1251, %get3A_1252] : memref<2x80x256xf8E4M3FN, #tpu.memory_space<vmem>> -> memref<1x80x256xf8E4M3FN, #tpu.memory_space<vmem>>
          %get3A_1254 = tpu.memref_squeeze %get3A_1253 : memref<1x80x256xf8E4M3FN, #tpu.memory_space<vmem>> -> memref<80x256xf8E4M3FN, #tpu.memory_space<vmem>>
          %get3A_1255 = arith.index_cast %add3A_1205 : i32 to index
          %get3A_1256 = arith.constant 128 : index
          %get3A_1257 = tpu.vector_load %get3A_1254[%get3A_1255, %get3A_1256] {strides = array<i32>} : memref<80x256xf8E4M3FN, #tpu.memory_space<vmem>>, vector<64xf8E4M3FN>,
          %unpack3A_1258 = tpu.unpack_subelements %get3A_1257, 0 {pack_format = #tpu.pack_format<interleaved>} : vector<64xf8E4M3FN> -> vector<32xbf16>
          %unpack3A_1259 = tpu.unpack_subelements %get3A_1257, 1 {pack_format = #tpu.pack_format<interleaved>} : vector<64xf8E4M3FN> -> vector<32xbf16>
          %get3A_1260 = arith.constant 0 : i32
          %get3A_1261 = arith.constant 0 : i32
          %get3A_1262 = tpu.memref_slice %arg14[%scan3A_1151, %get3A_1260, %get3A_1261] : memref<2x80x256xf8E4M3FN, #tpu.memory_space<vmem>> -> memref<1x80x256xf8E4M3FN, #tpu.memory_space<vmem>>
          %get3A_1263 = tpu.memref_squeeze %get3A_1262 : memref<1x80x256xf8E4M3FN, #tpu.memory_space<vmem>> -> memref<80x256xf8E4M3FN, #tpu.memory_space<vmem>>
          %get3A_1264 = arith.index_cast %add3A_1205 : i32 to index
          %get3A_1265 = arith.constant 128 : index
          %get3A_1266 = tpu.vector_load %get3A_1263[%get3A_1264, %get3A_1265] {strides = array<i32>} : memref<80x256xf8E4M3FN, #tpu.memory_space<vmem>>, vector<64xf8E4M3FN>,
          %unpack3A_1267 = tpu.unpack_subelements %get3A_1266, 0 {pack_format = #tpu.pack_format<interleaved>} : vector<64xf8E4M3FN> -> vector<32xbf16>
          %unpack3A_1268 = tpu.unpack_subelements %get3A_1266, 1 {pack_format = #tpu.pack_format<interleaved>} : vector<64xf8E4M3FN> -> vector<32xbf16>
          %mul3A_1269 = arith.mulf %unpack3A_1258, %unpack3A_1267 : vector<32xbf16>
          %add3A_1270 = arith.addf %add3A_1250, %mul3A_1269 : vector<32xbf16>
          %mul3A_1271 = arith.mulf %unpack3A_1259, %unpack3A_1268 : vector<32xbf16>
          %add3A_1272 = arith.addf %add3A_1270, %mul3A_1271 : vector<32xbf16>
          %get3A_1273 = arith.constant 0 : i32
          %get3A_1274 = arith.constant 0 : i32
          %get3A_1275 = tpu.memref_slice %arg13[%scan3A_1150, %get3A_1273, %get3A_1274] : memref<2x80x256xf8E4M3FN, #tpu.memory_space<vmem>> -> memref<1x80x256xf8E4M3FN, #tpu.memory_space<vmem>>
          %get3A_1276 = tpu.memref_squeeze %get3A_1275 : memref<1x80x256xf8E4M3FN, #tpu.memory_space<vmem>> -> memref<80x256xf8E4M3FN, #tpu.memory_space<vmem>>
          %get3A_1277 = arith.index_cast %add3A_1205 : i32 to index
          %get3A_1278 = arith.constant 192 : index
          %get3A_1279 = tpu.vector_load %get3A_1276[%get3A_1277, %get3A_1278] {strides = array<i32>} : memref<80x256xf8E4M3FN, #tpu.memory_space<vmem>>, vector<64xf8E4M3FN>,
          %unpack3A_1280 = tpu.unpack_subelements %get3A_1279, 0 {pack_format = #tpu.pack_format<interleaved>} : vector<64xf8E4M3FN> -> vector<32xbf16>
          %unpack3A_1281 = tpu.unpack_subelements %get3A_1279, 1 {pack_format = #tpu.pack_format<interleaved>} : vector<64xf8E4M3FN> -> vector<32xbf16>
          %get3A_1282 = arith.constant 0 : i32
          %get3A_1283 = arith.constant 0 : i32
          %get3A_1284 = tpu.memref_slice %arg14[%scan3A_1151, %get3A_1282, %get3A_1283] : memref<2x80x256xf8E4M3FN, #tpu.memory_space<vmem>> -> memref<1x80x256xf8E4M3FN, #tpu.memory_space<vmem>>
          %get3A_1285 = tpu.memref_squeeze %get3A_1284 : memref<1x80x256xf8E4M3FN, #tpu.memory_space<vmem>> -> memref<80x256xf8E4M3FN, #tpu.memory_space<vmem>>
          %get3A_1286 = arith.index_cast %add3A_1205 : i32 to index
          %get3A_1287 = arith.constant 192 : index
          %get3A_1288 = tpu.vector_load %get3A_1285[%get3A_1286, %get3A_1287] {strides = array<i32>} : memref<80x256xf8E4M3FN, #tpu.memory_space<vmem>>, vector<64xf8E4M3FN>,
          %unpack3A_1289 = tpu.unpack_subelements %get3A_1288, 0 {pack_format = #tpu.pack_format<interleaved>} : vector<64xf8E4M3FN> -> vector<32xbf16>
          %unpack3A_1290 = tpu.unpack_subelements %get3A_1288, 1 {pack_format = #tpu.pack_format<interleaved>} : vector<64xf8E4M3FN> -> vector<32xbf16>
          %mul3A_1291 = arith.mulf %unpack3A_1280, %unpack3A_1289 : vector<32xbf16>
          %add3A_1292 = arith.addf %add3A_1272, %mul3A_1291 : vector<32xbf16>
          %mul3A_1293 = arith.mulf %unpack3A_1281, %unpack3A_1290 : vector<32xbf16>
          %add3A_1294 = arith.addf %add3A_1292, %mul3A_1293 : vector<32xbf16>
          %bitcast3A = vector.bitcast %add3A_1294 : vector<32xbf16> to vector<16xi32>
          %shift_left3A = arith.constant 16 : i32
          %shift_left3A_1295 = vector.broadcast %shift_left3A : i32 to vector<16xi32>
          %shift_left3A_1296 = arith.shli %bitcast3A, %shift_left3A_1295 : vector<16xi32>
          %bitcast3A_1297 = vector.bitcast %shift_left3A_1296 : vector<16xi32> to vector<16xf32>
          %and3A = arith.constant -65536 : i32
          %and3A_1298 = vector.broadcast %and3A : i32 to vector<16xi32>
          %and3A_1299 = arith.andi %bitcast3A, %and3A_1298 : vector<16xi32>
          %bitcast3A_1300 = vector.bitcast %and3A_1299 : vector<16xi32> to vector<16xf32>
          %add3A_1301 = arith.addf %bitcast3A_1297, %bitcast3A_1300 : vector<16xf32>
          %xor3A = arith.constant 1 : i32
          %xor3A_1302 = vector.broadcast %xor3A : i32 to vector<16xi32>
          %xor3A_1303 = arith.xori %iota3A, %xor3A_1302 : vector<16xi32>
          %broadcast_in_dim3A_1304 = vector.shape_cast %xor3A_1303 : vector<16xi32> to vector<16x1xi32>
          %gather3A = vector.shape_cast %broadcast_in_dim3A_1304 : vector<16x1xi32> to vector<16xi32>
          %gather3A_1305 = tpu.dynamic_gather %add3A_1301[%gather3A] in [0] : vector<16xf32>, vector<16xi32> -> vector<16xf32>
          %add3A_1306 = arith.addf %add3A_1301, %gather3A_1305 : vector<16xf32>
          %xor3A_1307 = arith.constant 2 : i32
          %xor3A_1308 = vector.broadcast %xor3A_1307 : i32 to vector<16xi32>
          %xor3A_1309 = arith.xori %iota3A, %xor3A_1308 : vector<16xi32>
          %broadcast_in_dim3A_1310 = vector.shape_cast %xor3A_1309 : vector<16xi32> to vector<16x1xi32>
          %gather3A_1311 = vector.shape_cast %broadcast_in_dim3A_1310 : vector<16x1xi32> to vector<16xi32>
          %gather3A_1312 = tpu.dynamic_gather %add3A_1306[%gather3A_1311] in [0] : vector<16xf32>, vector<16xi32> -> vector<16xf32>
          %add3A_1313 = arith.addf %add3A_1306, %gather3A_1312 : vector<16xf32>
          %xor3A_1314 = arith.constant 4 : i32
          %xor3A_1315 = vector.broadcast %xor3A_1314 : i32 to vector<16xi32>
          %xor3A_1316 = arith.xori %iota3A, %xor3A_1315 : vector<16xi32>
          %broadcast_in_dim3A_1317 = vector.shape_cast %xor3A_1316 : vector<16xi32> to vector<16x1xi32>
          %gather3A_1318 = vector.shape_cast %broadcast_in_dim3A_1317 : vector<16x1xi32> to vector<16xi32>
          %gather3A_1319 = tpu.dynamic_gather %add3A_1313[%gather3A_1318] in [0] : vector<16xf32>, vector<16xi32> -> vector<16xf32>
          %add3A_1320 = arith.addf %add3A_1313, %gather3A_1319 : vector<16xf32>
          %xor3A_1321 = arith.constant 8 : i32
          %xor3A_1322 = vector.broadcast %xor3A_1321 : i32 to vector<16xi32>
          %xor3A_1323 = arith.xori %iota3A, %xor3A_1322 : vector<16xi32>
          %broadcast_in_dim3A_1324 = vector.shape_cast %xor3A_1323 : vector<16xi32> to vector<16x1xi32>
          %gather3A_1325 = vector.shape_cast %broadcast_in_dim3A_1324 : vector<16x1xi32> to vector<16xi32>
          %gather3A_1326 = tpu.dynamic_gather %add3A_1320[%gather3A_1325] in [0] : vector<16xf32>, vector<16xi32> -> vector<16xf32>
          %add3A_1327 = arith.addf %add3A_1320, %gather3A_1326 : vector<16xf32>
          %eq3A = vector.broadcast %scan3A_1201 : i32 to vector<16xi32>
          %eq3A_1328 = arith.cmpi eq, %iota3A, %eq3A : vector<16xi32>
          %select_n3A = arith.select %eq3A_1328, %add3A_1327, %scan3A_1202 : vector<16xi1>, vector<16xf32>
          scf.yield %select_n3A : vector<16xf32>
        }
        %scan3A_1179 = arith.constant 16 : i32
        %mul3A_1180 = arith.constant 16 : i32
        %mul3A_1181 = arith.muli %scan3A_1172, %mul3A_1180 : i32
        %get3A_1182 = arith.constant 0 : i32
        %get3A_1183 = tpu.memref_slice %arg15[%scan3A_1152, %get3A_1182] : memref<2x80xf32, #tpu.memory_space<vmem>> -> memref<1x80xf32, #tpu.memory_space<vmem>>
        %get3A_1184 = tpu.memref_squeeze %get3A_1183 : memref<1x80xf32, #tpu.memory_space<vmem>> -> memref<80xf32, #tpu.memory_space<vmem>>
        %get3A_1185 = arith.index_cast %mul3A_1181 : i32 to index
        %get3A_1186 = tpu.vector_load %get3A_1184[%get3A_1185] {strides = array<i32>} : memref<80xf32, #tpu.memory_space<vmem>>, vector<16xf32>,
        %get3A_1187 = arith.constant 0 : i32
        %get3A_1188 = tpu.memref_slice %arg16[%scan3A_1153, %get3A_1187] : memref<2x80xf32, #tpu.memory_space<vmem>> -> memref<1x80xf32, #tpu.memory_space<vmem>>
        %get3A_1189 = tpu.memref_squeeze %get3A_1188 : memref<1x80xf32, #tpu.memory_space<vmem>> -> memref<80xf32, #tpu.memory_space<vmem>>
        %get3A_1190 = arith.index_cast %mul3A_1181 : i32 to index
        %get3A_1191 = tpu.vector_load %get3A_1189[%get3A_1190] {strides = array<i32>} : memref<80xf32, #tpu.memory_space<vmem>>, vector<16xf32>,
        %add3A_1192 = arith.addf %get3A_1186, %get3A_1191 : vector<16xf32>
        %mul3A_1193 = arith.constant 2.000000e+00 : f32
        %mul3A_1194 = vector.broadcast %mul3A_1193 : f32 to vector<16xf32>
        %mul3A_1195 = arith.mulf %mul3A_1194, %scan3A_1178 : vector<16xf32>
        %sub3A = arith.subf %add3A_1192, %mul3A_1195 : vector<16xf32>
        %swap3A_1196 = arith.constant 0 : i32
        %swap3A_1197 = tpu.memref_slice %arg17[%scan3A_1154, %swap3A_1196] : memref<2x80xf32, #tpu.memory_space<vmem>> -> memref<1x80xf32, #tpu.memory_space<vmem>>
        %swap3A_1198 = tpu.memref_squeeze %swap3A_1197 : memref<1x80xf32, #tpu.memory_space<vmem>> -> memref<80xf32, #tpu.memory_space<vmem>>
        %swap3A_1199 = arith.index_cast %mul3A_1181 : i32 to index
        %swap3A_1200 = tpu.vector_load %swap3A_1198[%swap3A_1199] {strides = array<i32>} : memref<80xf32, #tpu.memory_space<vmem>>, vector<16xf32>,
        tpu.vector_store %swap3A_1198[%swap3A_1199], %sub3A {strides = array<i32>} : memref<80xf32, #tpu.memory_space<vmem>>, vector<16xf32>,
      }
      %scan3A_1159 = arith.constant 5 : i32
      %mul3A_1160 = arith.constant 80 : i32
      %mul3A_1161 = arith.muli %add3A_809, %mul3A_1160 : i32
      %add3A_1162 = arith.addi %mul3A_2, %mul3A_1161 : i32
      %dma_start3A_1163 = arith.constant 1 : i32
      %dma_start3A_1164 = arith.constant 0 : i32
      %dma_start3A_1165 = tpu.memref_slice %arg17[%dma_start3A_1163, %dma_start3A_1164] : memref<2x80xf32, #tpu.memory_space<vmem>> -> memref<1x80xf32, #tpu.memory_space<vmem>>
      %dma_start3A_1166 = tpu.memref_squeeze %dma_start3A_1165 : memref<1x80xf32, #tpu.memory_space<vmem>> -> memref<80xf32, #tpu.memory_space<vmem>>
      %dma_start3A_1167 = tpu.memref_slice %arg7[%add3A_1162] : memref<320000xf32, #tpu.memory_space<hbm>> -> memref<80xf32, #tpu.memory_space<hbm>>
      %dma_start3A_1168 = tpu.memref_slice %arg7[%add3A_1162] : memref<320000xf32, #tpu.memory_space<hbm>> -> memref<80xf32, #tpu.memory_space<hbm>>
      %dma_start3A_1169 = arith.constant 0 : i32
      %dma_start3A_1170 = tpu.memref_slice %arg17[%dma_start3A_1163, %dma_start3A_1169] : memref<2x80xf32, #tpu.memory_space<vmem>> -> memref<1x80xf32, #tpu.memory_space<vmem>>
      %dma_start3A_1171 = tpu.memref_squeeze %dma_start3A_1170 : memref<1x80xf32, #tpu.memory_space<vmem>> -> memref<80xf32, #tpu.memory_space<vmem>>
      tpu.enqueue_dma source(%dma_start3A_1171 : memref<80xf32, #tpu.memory_space<vmem>>) target(%dma_start3A_1168 : memref<80xf32, #tpu.memory_space<hbm>>) target_semaphore(%arg23 : memref<!tpu.dma_semaphore, #tpu.memory_space<semaphore_mem>>)
    }
    %scan3A_343 = arith.constant 62 : i32
    %dma_wait3A_344 = arith.constant 0 : i32
    %dma_wait3A_345 = arith.constant 0 : i32
    %dma_wait3A_346 = arith.constant 0 : i32
    %dma_wait3A_347 = arith.constant 0 : i32
    %dma_wait3A_348 = tpu.memref_slice %arg13[%dma_wait3A_345, %dma_wait3A_346, %dma_wait3A_347] : memref<2x80x256xf8E4M3FN, #tpu.memory_space<vmem>> -> memref<1x80x256xf8E4M3FN, #tpu.memory_space<vmem>>
    %dma_wait3A_349 = tpu.memref_squeeze %dma_wait3A_348 : memref<1x80x256xf8E4M3FN, #tpu.memory_space<vmem>> -> memref<80x256xf8E4M3FN, #tpu.memory_space<vmem>>
    %dma_wait3A_350 = arith.constant 0 : i32
    %dma_wait3A_351 = tpu.memref_slice %arg8[%dma_wait3A_344, %dma_wait3A_350] : memref<2x80xi32, #tpu.memory_space<vmem>> -> memref<1x80xi32, #tpu.memory_space<vmem>>
    %dma_wait3A_352 = tpu.memref_squeeze %dma_wait3A_351 : memref<1x80xi32, #tpu.memory_space<vmem>> -> memref<80xi32, #tpu.memory_space<vmem>>
    %dma_wait3A_353 = arith.constant 0 : i32
    %dma_wait3A_354 = arith.constant 0 : i32
    %dma_wait3A_355 = tpu.memref_slice %arg2[%dma_wait3A_353, %dma_wait3A_354] : memref<10000x256xf8E4M3FN, #tpu.memory_space<hbm>> -> memref<10000x256xf8E4M3FN, #tpu.memory_space<hbm>>
    tpu.wait_indirect_dma semaphore(%arg20 : memref<!tpu.dma_semaphore, #tpu.memory_space<semaphore_mem>>) src(%dma_wait3A_355 : memref<10000x256xf8E4M3FN, #tpu.memory_space<hbm>>) dst(%dma_wait3A_349 : memref<80x256xf8E4M3FN, #tpu.memory_space<vmem>>)
    %dma_wait3A_356 = arith.constant 0 : i32
    %dma_wait3A_357 = arith.constant 0 : i32
    %dma_wait3A_358 = arith.constant 0 : i32
    %dma_wait3A_359 = arith.constant 0 : i32
    %dma_wait3A_360 = tpu.memref_slice %arg14[%dma_wait3A_357, %dma_wait3A_358, %dma_wait3A_359] : memref<2x80x256xf8E4M3FN, #tpu.memory_space<vmem>> -> memref<1x80x256xf8E4M3FN, #tpu.memory_space<vmem>>
    %dma_wait3A_361 = tpu.memref_squeeze %dma_wait3A_360 : memref<1x80x256xf8E4M3FN, #tpu.memory_space<vmem>> -> memref<80x256xf8E4M3FN, #tpu.memory_space<vmem>>
    %dma_wait3A_362 = arith.constant 0 : i32
    %dma_wait3A_363 = tpu.memref_slice %arg9[%dma_wait3A_356, %dma_wait3A_362] : memref<2x80xi32, #tpu.memory_space<vmem>> -> memref<1x80xi32, #tpu.memory_space<vmem>>
    %dma_wait3A_364 = tpu.memref_squeeze %dma_wait3A_363 : memref<1x80xi32, #tpu.memory_space<vmem>> -> memref<80xi32, #tpu.memory_space<vmem>>
    %dma_wait3A_365 = arith.constant 0 : i32
    %dma_wait3A_366 = arith.constant 0 : i32
    %dma_wait3A_367 = tpu.memref_slice %arg2[%dma_wait3A_365, %dma_wait3A_366] : memref<10000x256xf8E4M3FN, #tpu.memory_space<hbm>> -> memref<10000x256xf8E4M3FN, #tpu.memory_space<hbm>>
    tpu.wait_indirect_dma semaphore(%arg20 : memref<!tpu.dma_semaphore, #tpu.memory_space<semaphore_mem>>) src(%dma_wait3A_367 : memref<10000x256xf8E4M3FN, #tpu.memory_space<hbm>>) dst(%dma_wait3A_361 : memref<80x256xf8E4M3FN, #tpu.memory_space<vmem>>)
    %dma_wait3A_368 = arith.constant 0 : i32
    %dma_wait3A_369 = arith.constant 0 : i32
    %dma_wait3A_370 = arith.constant 0 : i32
    %dma_wait3A_371 = tpu.memref_slice %arg15[%dma_wait3A_369, %dma_wait3A_370] : memref<2x80xf32, #tpu.memory_space<vmem>> -> memref<1x80xf32, #tpu.memory_space<vmem>>
    %dma_wait3A_372 = tpu.memref_squeeze %dma_wait3A_371 : memref<1x80xf32, #tpu.memory_space<vmem>> -> memref<80xf32, #tpu.memory_space<vmem>>
    %dma_wait3A_373 = arith.constant 0 : i32
    %dma_wait3A_374 = tpu.memref_slice %arg11[%dma_wait3A_368, %dma_wait3A_373] : memref<2x80xi32, #tpu.memory_space<vmem>> -> memref<1x80xi32, #tpu.memory_space<vmem>>
    %dma_wait3A_375 = tpu.memref_squeeze %dma_wait3A_374 : memref<1x80xi32, #tpu.memory_space<vmem>> -> memref<80xi32, #tpu.memory_space<vmem>>
    %dma_wait3A_376 = arith.constant 0 : i32
    %dma_wait3A_377 = tpu.memref_slice %arg3[%dma_wait3A_376] : memref<160000xf32, #tpu.memory_space<hbm>> -> memref<160000xf32, #tpu.memory_space<hbm>>
    tpu.wait_indirect_dma semaphore(%arg20 : memref<!tpu.dma_semaphore, #tpu.memory_space<semaphore_mem>>) src(%dma_wait3A_377 : memref<160000xf32, #tpu.memory_space<hbm>>) dst(%dma_wait3A_372 : memref<80xf32, #tpu.memory_space<vmem>>)
    %dma_wait3A_378 = arith.constant 0 : i32
    %dma_wait3A_379 = arith.constant 0 : i32
    %dma_wait3A_380 = arith.constant 0 : i32
    %dma_wait3A_381 = tpu.memref_slice %arg16[%dma_wait3A_379, %dma_wait3A_380] : memref<2x80xf32, #tpu.memory_space<vmem>> -> memref<1x80xf32, #tpu.memory_space<vmem>>
    %dma_wait3A_382 = tpu.memref_squeeze %dma_wait3A_381 : memref<1x80xf32, #tpu.memory_space<vmem>> -> memref<80xf32, #tpu.memory_space<vmem>>
    %dma_wait3A_383 = arith.constant 0 : i32
    %dma_wait3A_384 = tpu.memref_slice %arg12[%dma_wait3A_378, %dma_wait3A_383] : memref<2x80xi32, #tpu.memory_space<vmem>> -> memref<1x80xi32, #tpu.memory_space<vmem>>
    %dma_wait3A_385 = tpu.memref_squeeze %dma_wait3A_384 : memref<1x80xi32, #tpu.memory_space<vmem>> -> memref<80xi32, #tpu.memory_space<vmem>>
    %dma_wait3A_386 = arith.constant 0 : i32
    %dma_wait3A_387 = tpu.memref_slice %arg3[%dma_wait3A_386] : memref<160000xf32, #tpu.memory_space<hbm>> -> memref<160000xf32, #tpu.memory_space<hbm>>
    tpu.wait_indirect_dma semaphore(%arg20 : memref<!tpu.dma_semaphore, #tpu.memory_space<semaphore_mem>>) src(%dma_wait3A_387 : memref<160000xf32, #tpu.memory_space<hbm>>) dst(%dma_wait3A_382 : memref<80xf32, #tpu.memory_space<vmem>>)
    %dma_wait3A_388 = arith.constant 0 : i32
    %dma_wait3A_389 = arith.constant 0 : i32
    %dma_wait3A_390 = tpu.memref_slice %arg17[%dma_wait3A_388, %dma_wait3A_389] : memref<2x80xf32, #tpu.memory_space<vmem>> -> memref<1x80xf32, #tpu.memory_space<vmem>>
    %dma_wait3A_391 = tpu.memref_squeeze %dma_wait3A_390 : memref<1x80xf32, #tpu.memory_space<vmem>> -> memref<80xf32, #tpu.memory_space<vmem>>
    %dma_wait3A_392 = arith.constant 0 : i32
    %dma_wait3A_393 = tpu.memref_slice %arg7[%dma_wait3A_392] : memref<320000xf32, #tpu.memory_space<hbm>> -> memref<80xf32, #tpu.memory_space<hbm>>
    %dma_wait3A_394 = arith.constant 0 : i32
    %dma_wait3A_395 = tpu.memref_slice %arg7[%dma_wait3A_394] : memref<320000xf32, #tpu.memory_space<hbm>> -> memref<80xf32, #tpu.memory_space<hbm>>
    %dma_wait3A_396 = arith.constant 0 : i32
    %dma_wait3A_397 = tpu.memref_slice %arg17[%dma_wait3A_388, %dma_wait3A_396] : memref<2x80xf32, #tpu.memory_space<vmem>> -> memref<1x80xf32, #tpu.memory_space<vmem>>
    %dma_wait3A_398 = tpu.memref_squeeze %dma_wait3A_397 : memref<1x80xf32, #tpu.memory_space<vmem>> -> memref<80xf32, #tpu.memory_space<vmem>>
    tpu.wait_dma2 semaphore(%arg22 : memref<!tpu.dma_semaphore, #tpu.memory_space<semaphore_mem>>) src(%dma_wait3A_398 : memref<80xf32, #tpu.memory_space<vmem>>) dst(%dma_wait3A_395 : memref<80xf32, #tpu.memory_space<hbm>>)
    %scan3A_399 = arith.constant 0 : i32
    %scan3A_400 = arith.constant 0 : i32
    %scan3A_401 = arith.constant 0 : i32
    %scan3A_402 = arith.constant 0 : i32
    %scan3A_403 = arith.constant 0 : i32
    %scan3A_404 = arith.constant 0 : i32
    %scan3A_405 = arith.constant 0 : i32
    %scan3A_406 = arith.constant 5 : i32
    %scan3A_407 = arith.addi %scan3A_405, %scan3A_406 : i32
    %scan3A_408 = arith.constant 1 : i32
    scf.for %scan3A_443 = %scan3A_405 to %scan3A_407 step %scan3A_408  : i32 {
      %iota3A = tpu.iota {dimensions = array<i32: 0>} : vector<16xi32>
      %broadcast_in_dim3A = arith.constant 0.000000e+00 : f32
      %broadcast_in_dim3A_444 = vector.broadcast %broadcast_in_dim3A : f32 to vector<16xf32>
      %scan3A_445 = arith.constant 0 : i32
      %scan3A_446 = arith.constant 16 : i32
      %scan3A_447 = arith.addi %scan3A_445, %scan3A_446 : i32
      %scan3A_448 = arith.constant 1 : i32
      %scan3A_449 = scf.for %scan3A_472 = %scan3A_445 to %scan3A_447 step %scan3A_448 iter_args(%scan3A_473 = %broadcast_in_dim3A_444) -> (vector<16xf32>)  : i32 {
        %mul3A_474 = arith.constant 16 : i32
        %mul3A_475 = arith.muli %scan3A_443, %mul3A_474 : i32
        %add3A_476 = arith.addi %mul3A_475, %scan3A_472 : i32
        %broadcast_in_dim3A_477 = arith.constant 0.000000e+00 : bf16
        %broadcast_in_dim3A_478 = vector.broadcast %broadcast_in_dim3A_477 : bf16 to vector<32xbf16>
        %get3A_479 = arith.constant 0 : i32
        %get3A_480 = arith.constant 0 : i32
        %get3A_481 = tpu.memref_slice %arg13[%scan3A_400, %get3A_479, %get3A_480] : memref<2x80x256xf8E4M3FN, #tpu.memory_space<vmem>> -> memref<1x80x256xf8E4M3FN, #tpu.memory_space<vmem>>
        %get3A_482 = tpu.memref_squeeze %get3A_481 : memref<1x80x256xf8E4M3FN, #tpu.memory_space<vmem>> -> memref<80x256xf8E4M3FN, #tpu.memory_space<vmem>>
        %get3A_483 = arith.index_cast %add3A_476 : i32 to index
        %get3A_484 = arith.constant 0 : index
        %get3A_485 = tpu.vector_load %get3A_482[%get3A_483, %get3A_484] {strides = array<i32>} : memref<80x256xf8E4M3FN, #tpu.memory_space<vmem>>, vector<64xf8E4M3FN>,
        %unpack3A = tpu.unpack_subelements %get3A_485, 0 {pack_format = #tpu.pack_format<interleaved>} : vector<64xf8E4M3FN> -> vector<32xbf16>
        %unpack3A_486 = tpu.unpack_subelements %get3A_485, 1 {pack_format = #tpu.pack_format<interleaved>} : vector<64xf8E4M3FN> -> vector<32xbf16>
        %get3A_487 = arith.constant 0 : i32
        %get3A_488 = arith.constant 0 : i32
        %get3A_489 = tpu.memref_slice %arg14[%scan3A_401, %get3A_487, %get3A_488] : memref<2x80x256xf8E4M3FN, #tpu.memory_space<vmem>> -> memref<1x80x256xf8E4M3FN, #tpu.memory_space<vmem>>
        %get3A_490 = tpu.memref_squeeze %get3A_489 : memref<1x80x256xf8E4M3FN, #tpu.memory_space<vmem>> -> memref<80x256xf8E4M3FN, #tpu.memory_space<vmem>>
        %get3A_491 = arith.index_cast %add3A_476 : i32 to index
        %get3A_492 = arith.constant 0 : index
        %get3A_493 = tpu.vector_load %get3A_490[%get3A_491, %get3A_492] {strides = array<i32>} : memref<80x256xf8E4M3FN, #tpu.memory_space<vmem>>, vector<64xf8E4M3FN>,
        %unpack3A_494 = tpu.unpack_subelements %get3A_493, 0 {pack_format = #tpu.pack_format<interleaved>} : vector<64xf8E4M3FN> -> vector<32xbf16>
        %unpack3A_495 = tpu.unpack_subelements %get3A_493, 1 {pack_format = #tpu.pack_format<interleaved>} : vector<64xf8E4M3FN> -> vector<32xbf16>
        %mul3A_496 = arith.mulf %unpack3A, %unpack3A_494 : vector<32xbf16>
        %add3A_497 = arith.addf %broadcast_in_dim3A_478, %mul3A_496 : vector<32xbf16>
        %mul3A_498 = arith.mulf %unpack3A_486, %unpack3A_495 : vector<32xbf16>
        %add3A_499 = arith.addf %add3A_497, %mul3A_498 : vector<32xbf16>
        %get3A_500 = arith.constant 0 : i32
        %get3A_501 = arith.constant 0 : i32
        %get3A_502 = tpu.memref_slice %arg13[%scan3A_400, %get3A_500, %get3A_501] : memref<2x80x256xf8E4M3FN, #tpu.memory_space<vmem>> -> memref<1x80x256xf8E4M3FN, #tpu.memory_space<vmem>>
        %get3A_503 = tpu.memref_squeeze %get3A_502 : memref<1x80x256xf8E4M3FN, #tpu.memory_space<vmem>> -> memref<80x256xf8E4M3FN, #tpu.memory_space<vmem>>
        %get3A_504 = arith.index_cast %add3A_476 : i32 to index
        %get3A_505 = arith.constant 64 : index
        %get3A_506 = tpu.vector_load %get3A_503[%get3A_504, %get3A_505] {strides = array<i32>} : memref<80x256xf8E4M3FN, #tpu.memory_space<vmem>>, vector<64xf8E4M3FN>,
        %unpack3A_507 = tpu.unpack_subelements %get3A_506, 0 {pack_format = #tpu.pack_format<interleaved>} : vector<64xf8E4M3FN> -> vector<32xbf16>
        %unpack3A_508 = tpu.unpack_subelements %get3A_506, 1 {pack_format = #tpu.pack_format<interleaved>} : vector<64xf8E4M3FN> -> vector<32xbf16>
        %get3A_509 = arith.constant 0 : i32
        %get3A_510 = arith.constant 0 : i32
        %get3A_511 = tpu.memref_slice %arg14[%scan3A_401, %get3A_509, %get3A_510] : memref<2x80x256xf8E4M3FN, #tpu.memory_space<vmem>> -> memref<1x80x256xf8E4M3FN, #tpu.memory_space<vmem>>
        %get3A_512 = tpu.memref_squeeze %get3A_511 : memref<1x80x256xf8E4M3FN, #tpu.memory_space<vmem>> -> memref<80x256xf8E4M3FN, #tpu.memory_space<vmem>>
        %get3A_513 = arith.index_cast %add3A_476 : i32 to index
        %get3A_514 = arith.constant 64 : index
        %get3A_515 = tpu.vector_load %get3A_512[%get3A_513, %get3A_514] {strides = array<i32>} : memref<80x256xf8E4M3FN, #tpu.memory_space<vmem>>, vector<64xf8E4M3FN>,
        %unpack3A_516 = tpu.unpack_subelements %get3A_515, 0 {pack_format = #tpu.pack_format<interleaved>} : vector<64xf8E4M3FN> -> vector<32xbf16>
        %unpack3A_517 = tpu.unpack_subelements %get3A_515, 1 {pack_format = #tpu.pack_format<interleaved>} : vector<64xf8E4M3FN> -> vector<32xbf16>
        %mul3A_518 = arith.mulf %unpack3A_507, %unpack3A_516 : vector<32xbf16>
        %add3A_519 = arith.addf %add3A_499, %mul3A_518 : vector<32xbf16>
        %mul3A_520 = arith.mulf %unpack3A_508, %unpack3A_517 : vector<32xbf16>
        %add3A_521 = arith.addf %add3A_519, %mul3A_520 : vector<32xbf16>
        %get3A_522 = arith.constant 0 : i32
        %get3A_523 = arith.constant 0 : i32
        %get3A_524 = tpu.memref_slice %arg13[%scan3A_400, %get3A_522, %get3A_523] : memref<2x80x256xf8E4M3FN, #tpu.memory_space<vmem>> -> memref<1x80x256xf8E4M3FN, #tpu.memory_space<vmem>>
        %get3A_525 = tpu.memref_squeeze %get3A_524 : memref<1x80x256xf8E4M3FN, #tpu.memory_space<vmem>> -> memref<80x256xf8E4M3FN, #tpu.memory_space<vmem>>
        %get3A_526 = arith.index_cast %add3A_476 : i32 to index
        %get3A_527 = arith.constant 128 : index
        %get3A_528 = tpu.vector_load %get3A_525[%get3A_526, %get3A_527] {strides = array<i32>} : memref<80x256xf8E4M3FN, #tpu.memory_space<vmem>>, vector<64xf8E4M3FN>,
        %unpack3A_529 = tpu.unpack_subelements %get3A_528, 0 {pack_format = #tpu.pack_format<interleaved>} : vector<64xf8E4M3FN> -> vector<32xbf16>
        %unpack3A_530 = tpu.unpack_subelements %get3A_528, 1 {pack_format = #tpu.pack_format<interleaved>} : vector<64xf8E4M3FN> -> vector<32xbf16>
        %get3A_531 = arith.constant 0 : i32
        %get3A_532 = arith.constant 0 : i32
        %get3A_533 = tpu.memref_slice %arg14[%scan3A_401, %get3A_531, %get3A_532] : memref<2x80x256xf8E4M3FN, #tpu.memory_space<vmem>> -> memref<1x80x256xf8E4M3FN, #tpu.memory_space<vmem>>
        %get3A_534 = tpu.memref_squeeze %get3A_533 : memref<1x80x256xf8E4M3FN, #tpu.memory_space<vmem>> -> memref<80x256xf8E4M3FN, #tpu.memory_space<vmem>>
        %get3A_535 = arith.index_cast %add3A_476 : i32 to index
        %get3A_536 = arith.constant 128 : index
        %get3A_537 = tpu.vector_load %get3A_534[%get3A_535, %get3A_536] {strides = array<i32>} : memref<80x256xf8E4M3FN, #tpu.memory_space<vmem>>, vector<64xf8E4M3FN>,
        %unpack3A_538 = tpu.unpack_subelements %get3A_537, 0 {pack_format = #tpu.pack_format<interleaved>} : vector<64xf8E4M3FN> -> vector<32xbf16>
        %unpack3A_539 = tpu.unpack_subelements %get3A_537, 1 {pack_format = #tpu.pack_format<interleaved>} : vector<64xf8E4M3FN> -> vector<32xbf16>
        %mul3A_540 = arith.mulf %unpack3A_529, %unpack3A_538 : vector<32xbf16>
        %add3A_541 = arith.addf %add3A_521, %mul3A_540 : vector<32xbf16>
        %mul3A_542 = arith.mulf %unpack3A_530, %unpack3A_539 : vector<32xbf16>
        %add3A_543 = arith.addf %add3A_541, %mul3A_542 : vector<32xbf16>
        %get3A_544 = arith.constant 0 : i32
        %get3A_545 = arith.constant 0 : i32
        %get3A_546 = tpu.memref_slice %arg13[%scan3A_400, %get3A_544, %get3A_545] : memref<2x80x256xf8E4M3FN, #tpu.memory_space<vmem>> -> memref<1x80x256xf8E4M3FN, #tpu.memory_space<vmem>>
        %get3A_547 = tpu.memref_squeeze %get3A_546 : memref<1x80x256xf8E4M3FN, #tpu.memory_space<vmem>> -> memref<80x256xf8E4M3FN, #tpu.memory_space<vmem>>
        %get3A_548 = arith.index_cast %add3A_476 : i32 to index
        %get3A_549 = arith.constant 192 : index
        %get3A_550 = tpu.vector_load %get3A_547[%get3A_548, %get3A_549] {strides = array<i32>} : memref<80x256xf8E4M3FN, #tpu.memory_space<vmem>>, vector<64xf8E4M3FN>,
        %unpack3A_551 = tpu.unpack_subelements %get3A_550, 0 {pack_format = #tpu.pack_format<interleaved>} : vector<64xf8E4M3FN> -> vector<32xbf16>
        %unpack3A_552 = tpu.unpack_subelements %get3A_550, 1 {pack_format = #tpu.pack_format<interleaved>} : vector<64xf8E4M3FN> -> vector<32xbf16>
        %get3A_553 = arith.constant 0 : i32
        %get3A_554 = arith.constant 0 : i32
        %get3A_555 = tpu.memref_slice %arg14[%scan3A_401, %get3A_553, %get3A_554] : memref<2x80x256xf8E4M3FN, #tpu.memory_space<vmem>> -> memref<1x80x256xf8E4M3FN, #tpu.memory_space<vmem>>
        %get3A_556 = tpu.memref_squeeze %get3A_555 : memref<1x80x256xf8E4M3FN, #tpu.memory_space<vmem>> -> memref<80x256xf8E4M3FN, #tpu.memory_space<vmem>>
        %get3A_557 = arith.index_cast %add3A_476 : i32 to index
        %get3A_558 = arith.constant 192 : index
        %get3A_559 = tpu.vector_load %get3A_556[%get3A_557, %get3A_558] {strides = array<i32>} : memref<80x256xf8E4M3FN, #tpu.memory_space<vmem>>, vector<64xf8E4M3FN>,
        %unpack3A_560 = tpu.unpack_subelements %get3A_559, 0 {pack_format = #tpu.pack_format<interleaved>} : vector<64xf8E4M3FN> -> vector<32xbf16>
        %unpack3A_561 = tpu.unpack_subelements %get3A_559, 1 {pack_format = #tpu.pack_format<interleaved>} : vector<64xf8E4M3FN> -> vector<32xbf16>
        %mul3A_562 = arith.mulf %unpack3A_551, %unpack3A_560 : vector<32xbf16>
        %add3A_563 = arith.addf %add3A_543, %mul3A_562 : vector<32xbf16>
        %mul3A_564 = arith.mulf %unpack3A_552, %unpack3A_561 : vector<32xbf16>
        %add3A_565 = arith.addf %add3A_563, %mul3A_564 : vector<32xbf16>
        %bitcast3A = vector.bitcast %add3A_565 : vector<32xbf16> to vector<16xi32>
        %shift_left3A = arith.constant 16 : i32
        %shift_left3A_566 = vector.broadcast %shift_left3A : i32 to vector<16xi32>
        %shift_left3A_567 = arith.shli %bitcast3A, %shift_left3A_566 : vector<16xi32>
        %bitcast3A_568 = vector.bitcast %shift_left3A_567 : vector<16xi32> to vector<16xf32>
        %and3A = arith.constant -65536 : i32
        %and3A_569 = vector.broadcast %and3A : i32 to vector<16xi32>
        %and3A_570 = arith.andi %bitcast3A, %and3A_569 : vector<16xi32>
        %bitcast3A_571 = vector.bitcast %and3A_570 : vector<16xi32> to vector<16xf32>
        %add3A_572 = arith.addf %bitcast3A_568, %bitcast3A_571 : vector<16xf32>
        %xor3A = arith.constant 1 : i32
        %xor3A_573 = vector.broadcast %xor3A : i32 to vector<16xi32>
        %xor3A_574 = arith.xori %iota3A, %xor3A_573 : vector<16xi32>
        %broadcast_in_dim3A_575 = vector.shape_cast %xor3A_574 : vector<16xi32> to vector<16x1xi32>
        %gather3A = vector.shape_cast %broadcast_in_dim3A_575 : vector<16x1xi32> to vector<16xi32>
        %gather3A_576 = tpu.dynamic_gather %add3A_572[%gather3A] in [0] : vector<16xf32>, vector<16xi32> -> vector<16xf32>
        %add3A_577 = arith.addf %add3A_572, %gather3A_576 : vector<16xf32>
        %xor3A_578 = arith.constant 2 : i32
        %xor3A_579 = vector.broadcast %xor3A_578 : i32 to vector<16xi32>
        %xor3A_580 = arith.xori %iota3A, %xor3A_579 : vector<16xi32>
        %broadcast_in_dim3A_581 = vector.shape_cast %xor3A_580 : vector<16xi32> to vector<16x1xi32>
        %gather3A_582 = vector.shape_cast %broadcast_in_dim3A_581 : vector<16x1xi32> to vector<16xi32>
        %gather3A_583 = tpu.dynamic_gather %add3A_577[%gather3A_582] in [0] : vector<16xf32>, vector<16xi32> -> vector<16xf32>
        %add3A_584 = arith.addf %add3A_577, %gather3A_583 : vector<16xf32>
        %xor3A_585 = arith.constant 4 : i32
        %xor3A_586 = vector.broadcast %xor3A_585 : i32 to vector<16xi32>
        %xor3A_587 = arith.xori %iota3A, %xor3A_586 : vector<16xi32>
        %broadcast_in_dim3A_588 = vector.shape_cast %xor3A_587 : vector<16xi32> to vector<16x1xi32>
        %gather3A_589 = vector.shape_cast %broadcast_in_dim3A_588 : vector<16x1xi32> to vector<16xi32>
        %gather3A_590 = tpu.dynamic_gather %add3A_584[%gather3A_589] in [0] : vector<16xf32>, vector<16xi32> -> vector<16xf32>
        %add3A_591 = arith.addf %add3A_584, %gather3A_590 : vector<16xf32>
        %xor3A_592 = arith.constant 8 : i32
        %xor3A_593 = vector.broadcast %xor3A_592 : i32 to vector<16xi32>
        %xor3A_594 = arith.xori %iota3A, %xor3A_593 : vector<16xi32>
        %broadcast_in_dim3A_595 = vector.shape_cast %xor3A_594 : vector<16xi32> to vector<16x1xi32>
        %gather3A_596 = vector.shape_cast %broadcast_in_dim3A_595 : vector<16x1xi32> to vector<16xi32>
        %gather3A_597 = tpu.dynamic_gather %add3A_591[%gather3A_596] in [0] : vector<16xf32>, vector<16xi32> -> vector<16xf32>
        %add3A_598 = arith.addf %add3A_591, %gather3A_597 : vector<16xf32>
        %eq3A = vector.broadcast %scan3A_472 : i32 to vector<16xi32>
        %eq3A_599 = arith.cmpi eq, %iota3A, %eq3A : vector<16xi32>
        %select_n3A = arith.select %eq3A_599, %add3A_598, %scan3A_473 : vector<16xi1>, vector<16xf32>
        scf.yield %select_n3A : vector<16xf32>
      }
      %scan3A_450 = arith.constant 16 : i32
      %mul3A_451 = arith.constant 16 : i32
      %mul3A_452 = arith.muli %scan3A_443, %mul3A_451 : i32
      %get3A_453 = arith.constant 0 : i32
      %get3A_454 = tpu.memref_slice %arg15[%scan3A_402, %get3A_453] : memref<2x80xf32, #tpu.memory_space<vmem>> -> memref<1x80xf32, #tpu.memory_space<vmem>>
      %get3A_455 = tpu.memref_squeeze %get3A_454 : memref<1x80xf32, #tpu.memory_space<vmem>> -> memref<80xf32, #tpu.memory_space<vmem>>
      %get3A_456 = arith.index_cast %mul3A_452 : i32 to index
      %get3A_457 = tpu.vector_load %get3A_455[%get3A_456] {strides = array<i32>} : memref<80xf32, #tpu.memory_space<vmem>>, vector<16xf32>,
      %get3A_458 = arith.constant 0 : i32
      %get3A_459 = tpu.memref_slice %arg16[%scan3A_403, %get3A_458] : memref<2x80xf32, #tpu.memory_space<vmem>> -> memref<1x80xf32, #tpu.memory_space<vmem>>
      %get3A_460 = tpu.memref_squeeze %get3A_459 : memref<1x80xf32, #tpu.memory_space<vmem>> -> memref<80xf32, #tpu.memory_space<vmem>>
      %get3A_461 = arith.index_cast %mul3A_452 : i32 to index
      %get3A_462 = tpu.vector_load %get3A_460[%get3A_461] {strides = array<i32>} : memref<80xf32, #tpu.memory_space<vmem>>, vector<16xf32>,
      %add3A_463 = arith.addf %get3A_457, %get3A_462 : vector<16xf32>
      %mul3A_464 = arith.constant 2.000000e+00 : f32
      %mul3A_465 = vector.broadcast %mul3A_464 : f32 to vector<16xf32>
      %mul3A_466 = arith.mulf %mul3A_465, %scan3A_449 : vector<16xf32>
      %sub3A = arith.subf %add3A_463, %mul3A_466 : vector<16xf32>
      %swap3A_467 = arith.constant 0 : i32
      %swap3A_468 = tpu.memref_slice %arg17[%scan3A_404, %swap3A_467] : memref<2x80xf32, #tpu.memory_space<vmem>> -> memref<1x80xf32, #tpu.memory_space<vmem>>
      %swap3A_469 = tpu.memref_squeeze %swap3A_468 : memref<1x80xf32, #tpu.memory_space<vmem>> -> memref<80xf32, #tpu.memory_space<vmem>>
      %swap3A_470 = arith.index_cast %mul3A_452 : i32 to index
      %swap3A_471 = tpu.vector_load %swap3A_469[%swap3A_470] {strides = array<i32>} : memref<80xf32, #tpu.memory_space<vmem>>, vector<16xf32>,
      tpu.vector_store %swap3A_469[%swap3A_470], %sub3A {strides = array<i32>} : memref<80xf32, #tpu.memory_space<vmem>>, vector<16xf32>,
    }
    %scan3A_409 = arith.constant 5 : i32
    %add3A_410 = arith.constant 9920 : i32
    %add3A_411 = arith.addi %mul3A_2, %add3A_410 : i32
    %dma_start3A_412 = arith.constant 0 : i32
    %dma_start3A_413 = arith.constant 0 : i32
    %dma_start3A_414 = tpu.memref_slice %arg17[%dma_start3A_412, %dma_start3A_413] : memref<2x80xf32, #tpu.memory_space<vmem>> -> memref<1x80xf32, #tpu.memory_space<vmem>>
    %dma_start3A_415 = tpu.memref_squeeze %dma_start3A_414 : memref<1x80xf32, #tpu.memory_space<vmem>> -> memref<80xf32, #tpu.memory_space<vmem>>
    %dma_start3A_416 = tpu.memref_slice %arg7[%add3A_411] : memref<320000xf32, #tpu.memory_space<hbm>> -> memref<80xf32, #tpu.memory_space<hbm>>
    %dma_start3A_417 = tpu.memref_slice %arg7[%add3A_411] : memref<320000xf32, #tpu.memory_space<hbm>> -> memref<80xf32, #tpu.memory_space<hbm>>
    %dma_start3A_418 = arith.constant 0 : i32
    %dma_start3A_419 = tpu.memref_slice %arg17[%dma_start3A_412, %dma_start3A_418] : memref<2x80xf32, #tpu.memory_space<vmem>> -> memref<1x80xf32, #tpu.memory_space<vmem>>
    %dma_start3A_420 = tpu.memref_squeeze %dma_start3A_419 : memref<1x80xf32, #tpu.memory_space<vmem>> -> memref<80xf32, #tpu.memory_space<vmem>>
    tpu.enqueue_dma source(%dma_start3A_420 : memref<80xf32, #tpu.memory_space<vmem>>) target(%dma_start3A_417 : memref<80xf32, #tpu.memory_space<hbm>>) target_semaphore(%arg22 : memref<!tpu.dma_semaphore, #tpu.memory_space<semaphore_mem>>)
    %dma_wait3A_421 = arith.constant 0 : i32
    %dma_wait3A_422 = arith.constant 0 : i32
    %dma_wait3A_423 = tpu.memref_slice %arg17[%dma_wait3A_421, %dma_wait3A_422] : memref<2x80xf32, #tpu.memory_space<vmem>> -> memref<1x80xf32, #tpu.memory_space<vmem>>
    %dma_wait3A_424 = tpu.memref_squeeze %dma_wait3A_423 : memref<1x80xf32, #tpu.memory_space<vmem>> -> memref<80xf32, #tpu.memory_space<vmem>>
    %dma_wait3A_425 = arith.constant 0 : i32
    %dma_wait3A_426 = tpu.memref_slice %arg7[%dma_wait3A_425] : memref<320000xf32, #tpu.memory_space<hbm>> -> memref<80xf32, #tpu.memory_space<hbm>>
    %dma_wait3A_427 = arith.constant 0 : i32
    %dma_wait3A_428 = tpu.memref_slice %arg7[%dma_wait3A_427] : memref<320000xf32, #tpu.memory_space<hbm>> -> memref<80xf32, #tpu.memory_space<hbm>>
    %dma_wait3A_429 = arith.constant 0 : i32
    %dma_wait3A_430 = tpu.memref_slice %arg17[%dma_wait3A_421, %dma_wait3A_429] : memref<2x80xf32, #tpu.memory_space<vmem>> -> memref<1x80xf32, #tpu.memory_space<vmem>>
    %dma_wait3A_431 = tpu.memref_squeeze %dma_wait3A_430 : memref<1x80xf32, #tpu.memory_space<vmem>> -> memref<80xf32, #tpu.memory_space<vmem>>
    tpu.wait_dma2 semaphore(%arg22 : memref<!tpu.dma_semaphore, #tpu.memory_space<semaphore_mem>>) src(%dma_wait3A_431 : memref<80xf32, #tpu.memory_space<vmem>>) dst(%dma_wait3A_428 : memref<80xf32, #tpu.memory_space<hbm>>)
    %dma_wait3A_432 = arith.constant 1 : i32
    %dma_wait3A_433 = arith.constant 0 : i32
    %dma_wait3A_434 = tpu.memref_slice %arg17[%dma_wait3A_432, %dma_wait3A_433] : memref<2x80xf32, #tpu.memory_space<vmem>> -> memref<1x80xf32, #tpu.memory_space<vmem>>
    %dma_wait3A_435 = tpu.memref_squeeze %dma_wait3A_434 : memref<1x80xf32, #tpu.memory_space<vmem>> -> memref<80xf32, #tpu.memory_space<vmem>>
    %dma_wait3A_436 = arith.constant 0 : i32
    %dma_wait3A_437 = tpu.memref_slice %arg7[%dma_wait3A_436] : memref<320000xf32, #tpu.memory_space<hbm>> -> memref<80xf32, #tpu.memory_space<hbm>>
    %dma_wait3A_438 = arith.constant 0 : i32
    %dma_wait3A_439 = tpu.memref_slice %arg7[%dma_wait3A_438] : memref<320000xf32, #tpu.memory_space<hbm>> -> memref<80xf32, #tpu.memory_space<hbm>>
    %dma_wait3A_440 = arith.constant 0 : i32
    %dma_wait3A_441 = tpu.memref_slice %arg17[%dma_wait3A_432, %dma_wait3A_440] : memref<2x80xf32, #tpu.memory_space<vmem>> -> memref<1x80xf32, #tpu.memory_space<vmem>>
    %dma_wait3A_442 = tpu.memref_squeeze %dma_wait3A_441 : memref<1x80xf32, #tpu.memory_space<vmem>> -> memref<80xf32, #tpu.memory_space<vmem>>
    tpu.wait_dma2 semaphore(%arg23 : memref<!tpu.dma_semaphore, #tpu.memory_space<semaphore_mem>>) src(%dma_wait3A_442 : memref<80xf32, #tpu.memory_space<vmem>>) dst(%dma_wait3A_439 : memref<80xf32, #tpu.memory_space<hbm>>)
    return
  }
}

module attributes {stable_mosaic.version = 14 : i64} {
  func.func @_prep_body(%arg0: i32, %arg1: memref<2000x256xf32, #tpu.memory_space<vmem>>, %arg2: memref<8x256xf32, #tpu.memory_space<vmem>>, %arg3: memref<2000x256xbf16, #tpu.memory_space<vmem>>, %arg4: memref<2000x128xf32, #tpu.memory_space<vmem>>) attributes {dimension_semantics = [#tpu.dimension_semantics<arbitrary>], iteration_bounds = array<i64: 5>, scalar_prefetch = 0 : i64, scratch_operands = 0 : i64, tpu.core_type = #tpu.core_type<tc>, window_params = [{transform_indices = @transform_0, window_bounds = array<i64: 2000, 256>}, {pipeline_mode = #tpu.pipeline_mode<synchronous>, transform_indices = @transform_1, window_bounds = array<i64: 8, 256>}, {transform_indices = @transform_2, window_bounds = array<i64: 2000, 256>}, {transform_indices = @transform_3, window_bounds = array<i64: 2000, 128>}]} {
    %get3A = arith.constant 0 : index
    %get3A_0 = arith.constant 0 : index
    %get3A_1 = vector.load %arg1[%get3A, %get3A_0] : memref<2000x256xf32, #tpu.memory_space<vmem>>, vector<2000x256xf32>
    %get3A_2 = arith.constant 0 : index
    %get3A_3 = arith.constant 0 : index
    %get3A_4 = vector.load %arg2[%get3A_2, %get3A_3] : memref<8x256xf32, #tpu.memory_space<vmem>>, vector<8x256xf32>
    %mul3A = arith.mulf %get3A_1, %get3A_1 : vector<2000x256xf32>
    %reduce_sum3A = arith.constant dense<0.000000e+00> : vector<2000xf32>
    %reduce_sum3A_5 = vector.multi_reduction <add>, %mul3A, %reduce_sum3A [1] : vector<2000x256xf32> to vector<2000xf32>
    %broadcast_in_dim3A = vector.shape_cast %reduce_sum3A_5 : vector<2000xf32> to vector<2000x1xf32>
    %sqrt3A = math.sqrt %broadcast_in_dim3A : vector<2000x1xf32>
    %max3A = arith.constant 9.99999996E-13 : f32
    %max3A_6 = vector.broadcast %max3A : f32 to vector<2000x1xf32>
    %max3A_7 = arith.maximumf %sqrt3A, %max3A_6 : vector<2000x1xf32>
    %div3A = arith.constant 1.000000e+00 : f32
    %div3A_8 = vector.broadcast %div3A : f32 to vector<2000x1xf32>
    %div3A_9 = arith.divf %div3A_8, %max3A_7 : vector<2000x1xf32>
    %mul3A_10 = vector.broadcast %div3A_9 : vector<2000x1xf32> to vector<2000x256xf32>
    %mul3A_11 = arith.mulf %get3A_1, %mul3A_10 : vector<2000x256xf32>
    %mul3A_12 = arith.mulf %broadcast_in_dim3A, %div3A_9 : vector<2000x1xf32>
    %mul3A_13 = arith.mulf %mul3A_12, %div3A_9 : vector<2000x1xf32>
    %dot_general3A = arith.constant dense<0.000000e+00> : vector<2000x8xf32>
    %dot_general3A_14 = tpu.matmul %mul3A_11, %get3A_4, %dot_general3A {dimension_numbers = #tpu.dot_dimension_numbers<[1], [1], [0], [0], [0, 0, 1, 0], [], []>, transpose_lhs_hint = false} : vector<2000x256xf32>, vector<8x256xf32>, vector<2000x8xf32> -> vector<2000x8xf32>
    %mul3A_15 = arith.mulf %get3A_4, %get3A_4 : vector<8x256xf32>
    %reduce_sum3A_16 = arith.constant dense<0.000000e+00> : vector<8xf32>
    %reduce_sum3A_17 = vector.multi_reduction <add>, %mul3A_15, %reduce_sum3A_16 [1] : vector<8x256xf32> to vector<8xf32>
    %broadcast_in_dim3A_18 = vector.shape_cast %reduce_sum3A_17 : vector<8xf32> to vector<1x8xf32>
    %mul3A_19 = arith.constant 5.000000e-01 : f32
    %mul3A_20 = vector.broadcast %mul3A_19 : f32 to vector<1x8xf32>
    %mul3A_21 = arith.mulf %mul3A_20, %broadcast_in_dim3A_18 : vector<1x8xf32>
    %add3A = vector.broadcast %mul3A_13 : vector<2000x1xf32> to vector<2000x8xf32>
    %add3A_22 = vector.broadcast %mul3A_21 : vector<1x8xf32> to vector<2000x8xf32>
    %add3A_23 = arith.addf %add3A, %add3A_22 : vector<2000x8xf32>
    %mul3A_24 = arith.constant 2.000000e+00 : f32
    %mul3A_25 = vector.broadcast %mul3A_24 : f32 to vector<2000x8xf32>
    %mul3A_26 = arith.mulf %mul3A_25, %dot_general3A_14 : vector<2000x8xf32>
    %add3A_27 = arith.addf %add3A_23, %mul3A_26 : vector<2000x8xf32>
    %mul3A_28 = arith.constant 5.000000e-01 : f32
    %mul3A_29 = vector.broadcast %mul3A_28 : f32 to vector<1x8xf32>
    %mul3A_30 = arith.mulf %mul3A_29, %broadcast_in_dim3A_18 : vector<1x8xf32>
    %add3A_31 = vector.broadcast %mul3A_13 : vector<2000x1xf32> to vector<2000x8xf32>
    %add3A_32 = vector.broadcast %mul3A_30 : vector<1x8xf32> to vector<2000x8xf32>
    %add3A_33 = arith.addf %add3A_31, %add3A_32 : vector<2000x8xf32>
    %mul3A_34 = arith.constant 2.000000e+00 : f32
    %mul3A_35 = vector.broadcast %mul3A_34 : f32 to vector<2000x8xf32>
    %mul3A_36 = arith.mulf %mul3A_35, %dot_general3A_14 : vector<2000x8xf32>
    %sub3A = arith.subf %add3A_33, %mul3A_36 : vector<2000x8xf32>
    %convert_element_type3A = arith.truncf %mul3A_11 : vector<2000x256xf32> to vector<2000x256xbf16>
    %swap3A = arith.constant 0 : index
    %swap3A_37 = arith.constant 0 : index
    %swap3A_38 = vector.load %arg3[%swap3A, %swap3A_37] : memref<2000x256xbf16, #tpu.memory_space<vmem>>, vector<2000x256xbf16>
    tpu.vector_store %arg3[%swap3A, %swap3A_37], %convert_element_type3A {strides = array<i32>} : memref<2000x256xbf16, #tpu.memory_space<vmem>>, vector<2000x256xbf16>,
    %broadcast_in_dim3A_39 = arith.constant 0.000000e+00 : f32
    %broadcast_in_dim3A_40 = vector.broadcast %broadcast_in_dim3A_39 : f32 to vector<2000x112xf32>
    %concatenate3A = tpu.concatenate %add3A_27, %sub3A, %broadcast_in_dim3A_40 in 1 : vector<2000x8xf32>, vector<2000x8xf32>, vector<2000x112xf32> -> vector<2000x128xf32>
    %swap3A_41 = arith.constant 0 : index
    %swap3A_42 = arith.constant 0 : index
    %swap3A_43 = vector.load %arg4[%swap3A_41, %swap3A_42] : memref<2000x128xf32, #tpu.memory_space<vmem>>, vector<2000x128xf32>
    tpu.vector_store %arg4[%swap3A_41, %swap3A_42], %concatenate3A {strides = array<i32>} : memref<2000x128xf32, #tpu.memory_space<vmem>>, vector<2000x128xf32>,
    return
  }
  func.func @transform_0(%arg0: i32) -> (i32, i32) {
    %c0_i32 = arith.constant 0 : i32
    %c0_i32_0 = arith.constant 0 : i32
    return %arg0, %c0_i32 : i32, i32
  }
  func.func @transform_1(%arg0: i32) -> (i32, i32) {
    %c0_i32 = arith.constant 0 : i32
    %c0_i32_0 = arith.constant 0 : i32
    %c0_i32_1 = arith.constant 0 : i32
    return %c0_i32, %c0_i32_0 : i32, i32
  }
  func.func @transform_2(%arg0: i32) -> (i32, i32) {
    %c0_i32 = arith.constant 0 : i32
    %c0_i32_0 = arith.constant 0 : i32
    return %arg0, %c0_i32 : i32, i32
  }
  func.func @transform_3(%arg0: i32) -> (i32, i32) {
    %c0_i32 = arith.constant 0 : i32
    %c0_i32_0 = arith.constant 0 : i32
    return %arg0, %c0_i32 : i32, i32
  }
}

module attributes {stable_mosaic.version = 14 : i64} {
  func.func @_reduce_body(%arg0: memref<2500x128xf32, #tpu.memory_space<vmem>>, %arg1: memref<1x1xf32, #tpu.memory_space<vmem>>) attributes {dimension_semantics = [], scalar_prefetch = 0 : i64, scratch_operands = 0 : i64, tpu.core_type = #tpu.core_type<tc>} {
    %get3A = arith.constant 0 : index
    %get3A_0 = arith.constant 0 : index
    %get3A_1 = vector.load %arg0[%get3A, %get3A_0] : memref<2500x128xf32, #tpu.memory_space<vmem>>, vector<2500x128xf32>
    %max3A = arith.constant 0.000000e+00 : f32
    %max3A_2 = vector.broadcast %max3A : f32 to vector<2500x128xf32>
    %max3A_3 = arith.maximumf %get3A_1, %max3A_2 : vector<2500x128xf32>
    %sqrt3A = math.sqrt %max3A_3 : vector<2500x128xf32>
    %neg3A = arith.constant 0.000000e+00 : f32
    %neg3A_4 = vector.broadcast %neg3A : f32 to vector<2500x128xf32>
    %neg3A_5 = arith.subf %neg3A_4, %sqrt3A : vector<2500x128xf32>
    %exp3A = math.exp %neg3A_5 : vector<2500x128xf32>
    %log1p3A = math.log1p %exp3A : vector<2500x128xf32>
    %iota3A = tpu.iota {dimensions = array<i32: 0>} : vector<2500x128xi32>
    %lt3A = arith.constant 1250 : i32
    %lt3A_6 = vector.broadcast %lt3A : i32 to vector<2500x128xi32>
    %lt3A_7 = arith.cmpi slt, %iota3A, %lt3A_6 : vector<2500x128xi32>
    %jit3A = arith.constant 0.000000e+00 : f32
    %broadcast_in_dim3A = vector.broadcast %jit3A : f32 to vector<2500x128xf32>
    %select_n3A = arith.select %lt3A_7, %sqrt3A, %broadcast_in_dim3A : vector<2500x128xi1>, vector<2500x128xf32>
    %reduce_sum3A = vector.shape_cast %log1p3A : vector<2500x128xf32> to vector<1x2500x128xf32>
    %reduce_sum3A_8 = arith.constant dense<0.000000e+00> : vector<1xf32>
    %reduce_sum3A_9 = vector.multi_reduction <add>, %reduce_sum3A, %reduce_sum3A_8 [1, 2] : vector<1x2500x128xf32> to vector<1xf32>
    %reduce_sum3A_10 = vector.shape_cast %reduce_sum3A_9 : vector<1xf32> to vector<1x1x1xf32>
    %reduce_sum3A_11 = vector.extract %reduce_sum3A_10[0, 0, 0] : f32 from vector<1x1x1xf32>
    %reduce_sum3A_12 = vector.shape_cast %select_n3A : vector<2500x128xf32> to vector<1x2500x128xf32>
    %reduce_sum3A_13 = arith.constant dense<0.000000e+00> : vector<1xf32>
    %reduce_sum3A_14 = vector.multi_reduction <add>, %reduce_sum3A_12, %reduce_sum3A_13 [1, 2] : vector<1x2500x128xf32> to vector<1xf32>
    %reduce_sum3A_15 = vector.shape_cast %reduce_sum3A_14 : vector<1xf32> to vector<1x1x1xf32>
    %reduce_sum3A_16 = vector.extract %reduce_sum3A_15[0, 0, 0] : f32 from vector<1x1x1xf32>
    %add3A = arith.addf %reduce_sum3A_11, %reduce_sum3A_16 : f32
    %mul3A = arith.constant 3.125000e-06 : f32
    %mul3A_17 = arith.mulf %add3A, %mul3A : f32
    %reshape3A = vector.broadcast %mul3A_17 : f32 to vector<1x1xf32>
    %swap3A = arith.constant 0 : index
    %swap3A_18 = arith.constant 0 : index
    %swap3A_19 = vector.load %arg1[%swap3A, %swap3A_18] : memref<1x1xf32, #tpu.memory_space<vmem>>, vector<1x1xf32>
    tpu.vector_store %arg1[%swap3A, %swap3A_18], %reshape3A {strides = array<i32>} : memref<1x1xf32, #tpu.memory_space<vmem>>, vector<1x1xf32>,
    return
  }
}

</mosaic_0001>

<sc_bundles>
// kernel: kernel.5.cloned.1.call-start
scs
__scs_entry_jumppad:
0x0: {  	(pc) =	sbr.rel $0x88, $3  }
0x1: {  	(tag) =	ssettag $0x0;
	lr =	simm.s32 $0x1  }
0x2: {  	[smem:$0x3F9B] =	sst lr;
	_ =	strace $0xD0000000  }
0x3: {  	_ = 	snop  }
0x4: {  	_ = 	snop  }
0x5: {  	_ = 	snop  }
0x6: {  	_ = 	snop  }
0x7: {  	_ = 	snop  }
__scs_overlays_trampoline_lowered:
0x8: {  	[smem:$0x3FAA] =	sst s0  }
0x9: {  	[smem:$0x3FAB] =	sst s1  }
0xa: {  	[smem:$0x3FAC] =	sst s2  }
0xb: {  	[smem:$0x3FAD] =	sst s3  }
0xc: {  	[smem:$0x3FAE] =	sst s4  }
0xd: {  	[smem:$0x3FAF] =	sst s5  }
0xe: {  	[smem:$0x3FB0] =	sst s6  }
0xf: {  	[smem:$0x3FB1] =	sst s7  }
0x10: {  	[smem:$0x3FB2] =	sst s8  }
0x11: {  	[smem:$0x3FB3] =	sst s9;
	s0 =	simm.s32 @!p0 $0x0  }
0x12: {  	s1 =	sld [smem:$0x3F99];
	s0 =	simm.s32 @p0 $0x1  }
0x13: {  	[smem:$0x3FB4] =	sst s0;
	s0 =	simm.s32 @!p1 $0x0  }
0x14: {  	s2 =	sld [smem:$0x3F98];
	s0 =	simm.s32 @p1 $0x1  }
0x15: {  	[smem:$0x3FB5] =	sst s0;
	s0 =	simm.s32 @!p2 $0x0  }
0x16: {  	s3 =	sld [smem:$0x3FDB];
	s0 =	simm.s32 @p2 $0x1  }
0x17: {  	s4 =	simm.s32 $0x1BF5;
	[smem:$0x3FB7] =	sst s0  }
0x18: {  	s0 =	sld [smem:$0x3F9A];
	_ =	swait.ge [sflag:s4], $0x0  }
0x19: {  	s7 =	sld [smem:$0x3F9B]  }
0x1a: {  	s8 =	sadd.s32 $0xFFFFE003, lr  }
0x1b: {  	s9 =	sadd.s32 $0xFFFFFEF7, lr;
	s5 =	simm.s32 $0xFFFFFFFF;
	p2 =	slt.u32 s8, $0xFFFFF086  }
0x1c: {  	p1 =	slt.u32 s9, $0xF7A;
	s5 =	simm.s32 @!p2 $0x0  }
0x1d: {  	s5 =	simm.s32 @p1 $0x1;
	p0 =	seq.s32 s7, s2  }
0x1e: {  	s7 =	smul.u32 @!p0 $0xF7A, s2;
	p2 =	seq.s32 @!p0 s5, $0x0  }
0x1f: {  	s9 =	smul.u32 $0xF7A, s1;
	s8 =	simm.s32 @!p0 $0x1BF5;
	p2 =	por !p2, p0  }
0x20: {  	[sflag:s8] =	ssyncset.s32 @!p0 $0xFFFFF086;
	s6 =	sadd.s32 @!p0 s3, s7;
	s7 =	simm.s32 @!p0 $0x108  }
0x21: {  	s3 =	sadd.s32 s3, s9;
	s6 =	sadd.s32 @!p0 $0x88, s6;
	s7 =	simm.s32 @p2 $0x1082  }
0x22: {  	[simem:s7], [sflag:s8] =	dma.local @!p0 [hbm:s6], $0xF7A  }
0x23: {  	s9 =	sor.u32 $0xD0000000, s2;
	s6 =	simm.s32 $0x108;
	_ =	swait.ge @!p0 [sflag:s8], $0x0  }
0x24: {  	s3 =	sadd.s32 $0x88, s3;
	s6 =	simm.s32 @!p1 $0x1082;
	[sflag:s4] =	ssyncset.s32 $0xFFFFF086  }
0x25: {  	[simem:s6], [sflag:s4] =	dma.local [hbm:s3], $0xF7A  }
0x26: {  	[smem:$0x3F9B] =	sst s1;
	(tag) =	ssettag s2;
	_ =	strace s9  }
0x27: {  	s1 =	sld [smem:$0x3FAB]  }
0x28: {  	s2 =	sld [smem:$0x3FAC]  }
0x29: {  	s4 =	sld [smem:$0x3FAE]  }
0x2a: {  	p0 =	seq.s32 s5, $0x0;
	s5 =	sld [smem:$0x3FAF]  }
0x2b: {  	s6 =	sld [smem:$0x3FB0]  }
0x2c: {  	s7 =	sld [smem:$0x3FB1]  }
0x2d: {  	s3 =	simm.s32 $0x108;
	s8 =	sld [smem:$0x3FB2]  }
0x2e: {  	s3 =	simm.s32 @!p0 $0x1082;
	s9 =	sld [smem:$0x3FB3]  }
0x2f: {  	lr =	sadd.s32 s0, s3;
	s0 =	sld [smem:$0x3FAA]  }
0x30: {  	s3 =	sld [smem:$0x3FAD]  }
0x31: {  	[smem:$0x3FB6] =	sst s10  }
0x32: {  	s10 =	sld [smem:$0x3FB4];
	_ =	sdelay $0x3  }
0x33: {  	p0 =	seq.s32 s10, $0x1;
	s10 =	sld [smem:$0x3FB6];
	_ =	sdelay $0x3  }
0x34: {  	[smem:$0x3FB6] =	sst s10  }
0x35: {  	s10 =	sld [smem:$0x3FB5];
	_ =	sdelay $0x3  }
0x36: {  	p1 =	seq.s32 s10, $0x1;
	s10 =	sld [smem:$0x3FB6];
	_ =	sdelay $0x3  }
0x37: {  	[smem:$0x3FB6] =	sst s10  }
0x38: {  	s10 =	sld [smem:$0x3FB7]  }
0x39: {  	_ = 	snop;
	(pc) =	sbr.ind lr, $3  }
0x3a: {  	_ = 	snop  }
0x3b: {  	_ = 	snop  }
0x3c: {  	p2 =	seq.s32 s10, $0x1;
	s10 =	sld [smem:$0x3FB6]  }
0x3d: {  	_ =	shalt  }
0x3e: {  	_ =	shalt  }
0x3f: {  	_ =	shalt  }
0x40: {  	_ =	shalt  }
0x41: {  	_ =	shalt  }
0x42: {  	_ =	shalt  }
0x43: {  	_ =	shalt  }
0x44: {  	_ =	shalt  }
0x45: {  	_ =	shalt  }
0x46: {  	_ =	shalt  }
0x47: {  	_ =	shalt  }
0x48: {  	_ =	shalt  }
0x49: {  	_ =	shalt  }
0x4a: {  	_ =	shalt  }
0x4b: {  	_ =	shalt  }
0x4c: {  	_ =	shalt  }
0x4d: {  	_ =	shalt  }
0x4e: {  	_ =	shalt  }
0x4f: {  	_ =	shalt  }
0x50: {  	_ =	shalt  }
0x51: {  	_ =	shalt  }
0x52: {  	_ =	shalt  }
0x53: {  	_ =	shalt  }
0x54: {  	_ =	shalt  }
0x55: {  	_ =	shalt  }
0x56: {  	_ =	shalt  }
0x57: {  	_ =	shalt  }
0x58: {  	_ =	shalt  }
0x59: {  	_ =	shalt  }
0x5a: {  	_ =	shalt  }
0x5b: {  	_ =	shalt  }
0x5c: {  	_ =	shalt  }
0x5d: {  	_ =	shalt  }
0x5e: {  	_ =	shalt  }
0x5f: {  	_ =	shalt  }
0x60: {  	_ =	shalt  }
0x61: {  	_ =	shalt  }
0x62: {  	_ =	shalt  }
0x63: {  	_ =	shalt  }
0x64: {  	_ =	shalt  }
0x65: {  	_ =	shalt  }
0x66: {  	_ =	shalt  }
0x67: {  	_ =	shalt  }
0x68: {  	_ =	shalt  }
0x69: {  	_ =	shalt  }
0x6a: {  	_ =	shalt  }
0x6b: {  	_ =	shalt  }
0x6c: {  	_ =	shalt  }
0x6d: {  	_ =	shalt  }
0x6e: {  	_ =	shalt  }
0x6f: {  	_ =	shalt  }
0x70: {  	_ =	shalt  }
0x71: {  	_ =	shalt  }
0x72: {  	_ =	shalt  }
0x73: {  	_ =	shalt  }
0x74: {  	_ =	shalt  }
0x75: {  	_ =	shalt  }
0x76: {  	_ =	shalt  }
0x77: {  	_ =	shalt  }
0x78: {  	_ =	shalt  }
0x79: {  	_ =	shalt  }
0x7a: {  	_ =	shalt  }
0x7b: {  	_ =	shalt  }
0x7c: {  	_ =	shalt  }
0x7d: {  	_ =	shalt  }
0x7e: {  	_ =	shalt  }
0x7f: {  	_ =	shalt  }
0x80: {  	_ =	shalt  }
0x81: {  	_ =	shalt  }
0x82: {  	_ =	shalt  }
0x83: {  	_ =	shalt  }
0x84: {  	_ =	shalt  }
0x85: {  	_ =	shalt  }
0x86: {  	_ =	shalt  }
0x87: {  	_ =	shalt  }
.Lfunc_end0:
.L_simem_size_0:
called_computation_lowered:
.L_overlay_start_0:
0x88: {  	s2 =	sld [smem:$0x3FD9]  }
0x89: {  	s3 =	sld [smem:$0x3FFE];
	_ =	sdelay $0x1  }
0x8a: {  	s1 =	srdreg.scid  }
0x8b: {  	s0 =	sand.u32 $0x1, s1  }
0x8c: {  	s16 =	sshll.u32 s0, $0xA;
	s2 =	sadd.s32 s3, s2  }
0x8d: {  	s2 =	sadd.s32 s2, s16  }
0x8e: {  	[smem:$0x3FC2] =	sst s2  }
0x8f: {  	_ = 	snop  }
0x90: {  	(tm) =	ssettm $0x1  }
0x91: {  	s17 =	sld [smem:$0x3FFB];
	_ =	sdelay $0x3  }
0x92: {  	_ =	strace s17  }
0x93: {  	s2 =	sld [smem:$0x3FFC];
	_ =	sdelay $0x3  }
0x94: {  	_ =	strace s2  }
0x95: {  	s2 =	sld [smem:$0x3FFD];
	_ =	sdelay $0x3  }
0x96: {  	_ =	strace s2  }
0x97: {  	_ =	strace $0x8FFFFFFF  }
0x98: {  	s18 =	sld [smem:$0x3FDB];
	_ =	sdelay $0x1  }
0x99: {  	s19 =	simm.s32 $_scs_section_size  }
0x9a: {  	s4 =	simm.s32 $_size__tile_overlayer_lowered;
	s5 =	simm.s32 $_tile_overlayer_lowered  }
0x9b: {  	s22 =	simm.s32 $0x1BFF;
	s21 =	sshll.u32 s5, $0x1;
	s2 =	sadd.s32 s19, s18  }
0x9c: {  	s6 =	simm.s32 $0x0;
	s20 =	sshll.u32 s4, $0x1;
	s4 =	sadd.s32 s21, s2  }
0x9d: {  	[timem:s6], [sflag:s22] =	dma.local [hbm:s4], s20  }
0x9e: {  	_ =	swait.ge [sflag:s22], s20  }
0x9f: {  	s3 =	ssub.s32 $0x0, s20;
	[sflag:s22] =	ssyncset.done $0x0  }
0xa0: {  	[sflag:s22] =	ssyncadd.s32 s3;
	_ =	sdelay $0x1  }
0xa1: {  	s23 =	simm.s32 $0x1B8B  }
0xa2: {  	_ =	swait.ge [sflag:s23], $0x1  }
0xa3: {  	[sflag:s23] =	ssyncset.done $0x0  }
0xa4: {  	s25 =	simm.s32 $0x1B8E;
	s24 =	sld [smem:$0x3FFE];
	[sflag:s23] =	ssyncadd.s32 $0xFFFFFFFF  }
0xa5: {  	s26 =	simm.s32 $execute0_lowered;
	[smem:$0x3FD2] =	sst s25  }
0xa6: {  	s4 =	sshll.u32 s26, $0x1;
	_ =	strace $0x80000046;
	[dreg:$0x1] =	wrdreg $0xFFFFFFFF  }
0xa7: {  	s28 =	simm.s32 $_size_execute0_lowered;
	s2 =	sadd.s32 s2, s4;
	[dreg:$0x0] =	wrdreg $0x0  }
0xa8: {  	s4 =	sshll.u32 s28, $0x1;
	[dreg:$0x2] =	wrdreg s2  }
0xa9: {  	[dreg:$0x3] =	wrdreg s4  }
0xaa: {  	[dreg:$0x4] =	wrdreg $0xC0  }
0xab: {  	_ =	task [dreg:s6], $0x5FFFF  }
0xac: {  	[dreg:$0x1] =	wrdreg $0xFFFFFFFF  }
0xad: {  	[dreg:$0x0] =	wrdreg $0x60  }
0xae: {  	[dreg:$0x2] =	wrdreg s24  }
0xaf: {  	[dreg:$0x3] =	wrdreg $0x9  }
0xb0: {  	_ =	task.clear_ibuf [dreg:s6], $0x4FFFF;
	_ =	strace $0x90000046  }
0xb1: {  	s29 =	simm.s32 $0x9;
	_ =	strace $0x80000048  }
0xb2: {  	_ =	swait.ge [sflag:s29], $0x1  }
0xb3: {  	[sflag:s29] =	ssyncadd.s32 $0xFFFFFFFF  }
0xb4: {  	_ =	strace $0x90000048  }
0xb5: {  	_ =	sfence  }
0xb6: {  	s30 =	sld [smem:$0x0];
	_ =	sdelay $0x2  }
0xb7: {  	s31 =	sshll.u32 s1, $0xD;
	s1 =	sshrl.u32 s1, $0x2  }
0xb8: {  	s3 =	sand.u32 $0x4000, s31;
	s1 =	sadd.s32 s1, s30  }
0xb9: {  	s0 =	sor.u32 s3, s0;
	s1 =	sshll.u32 s1, $0x11  }
0xba: {  	s0 =	sor.u32 s1, s0  }
0xbb: {  	s0 =	sadd.s32 $0x8F2B, s0  }
0xbc: {  	[sflag:s0] =	ssyncadd.remote.s32 $0x1  }
0xbd: {  	_ =	sfence.sel $0xFFFF  }
0xbe: {  	[dreg:$0x0] =	wrdreg $0xFFFFFFFF;
	(pc) =	sbr.abs _section_cstart, $3  }
0xbf: {  	[dreg:$0x1] =	wrdreg $0xFFFFFFFF  }
0xc0: {  	_ =	task.clear_ibuf [dreg:s6], $0x2FFFF;
	_ =	strace $0x9FFFFFFF  }
0xc1: {  	(tm) =	ssettm $0x7FFFFFFF  }
tec
execute0_lowered:
.L_overlay_start_1:
0x0: {  	(tag) =	ssettag $0x1  }
0x1: {  	s0 =	rddreg [dreg:$0x0];
	s2 =	simm.s32 $0x0;
	s1 =	srdreg.scid  }
0x2: {  	s3 =	stileid.u32;
	s21 =	simm.s32 $0xA0;
	s23 =	simm.s32 $0x50  }
0x3: {  	s19 =	simm.s32 $0x3;
	s20 =	simm.s32 $0x5460;
	s13 =	simm.s32 $0x6  }
0x4: {  	[smem:$0x7FF] =	sst s2;
	s1 =	sand.u32 $0x1, s1;
	s5 =	sshll.u32 s3, $0x1  }
0x5: {  	v0 =	vimm.s32 $0xEFCDAB89;
	s3 =	sadd.s32 $0x200, s0;
	s4 =	sadd.s32 $0x13C00, s0;
	s6 =	sadd.s32 $0x2C800, s0  }
0x6: {  	v1 =	vimm.s32 $0x67452301;
	v2 =	vimm.s32 $0xDCFE98BA;
	s8 =	sadd.s32 $0x18C00, s0;
	s7 =	sor.u32 s1, s5;
	s24 =	ssub.s32 $0x2, s1  }
0x7: {  	v3 =	vimm.s32 $0x54761032;
	v4 =	vimm.s32 $0xBA98FEDC;
	s9 =	sadd.s32 $0x36600, s0;
	s7 =	smul.u32 $0x2710, s7;
	s1 =	sshrl.u32 s24, $0x1  }
0x8: {  	v5 =	vimm.s32 $0x32107654;
	_ =	strace $0x80000047;
	s5 =	sadd.s32 $0x22A00, s0;
	s0 =	ssub.s32 s24, s1  }
0x9: {  	v6 =	vimm.s32 $0xFEDCBA98;
	v7 =	vimm.s32 $0x76543210;
	s11 =	sshrl.u32 s7, $0x3;
	s10 =	sadd.s32 $0x50, s7;
	s0 =	smax.u32 s0, $0x1  }
0xa: {  	v0 =	vunpack.c.l.s4.s8 v0;
	v1 =	vunpack.c.l.s4.s8 v1;
	v2 =	vunpack.c.l.s4.s8 v2;
	s17 =	sadd.s32 $0xA0, s7;
	s25 =	sadd.s32 s5, s11;
	[dreg:$0x9] =	wrdreg s0  }
0xb: {  	v3 =	vunpack.c.l.s4.s8 v3;
	v4 =	vunpack.c.l.s4.s8 v4;
	v5 =	vunpack.c.l.s4.s8 v5;
	s18 =	sadd.s32 $0xF0, s7;
	s12 =	sadd.s32 s6, s11;
	[dreg:$0x2] =	wrdreg s25  }
0xc: {  	v6 =	vunpack.c.l.s4.s8 v6;
	v7 =	vunpack.c.l.s4.s8 v7;
	v0 =	vunpack.c.0.s8.s32 v0;
	s26 =	sshrl.u32 s10, $0x3;
	s28 =	sadd.s32 s8, s11;
	[dreg:$0x3] =	wrdreg s12  }
0xd: {  	v1 =	vunpack.c.0.s8.s32 v1;
	v2 =	vunpack.c.0.s8.s32 v2;
	v3 =	vunpack.c.0.s8.s32 v3;
	s31 =	sadd.s32 s9, s11;
	[dreg:$0x4] =	wrdreg s28;
	s29 =	sadd.s32 s5, s26  }
0xe: {  	v4 =	vunpack.c.0.s8.s32 v4;
	v5 =	vunpack.c.0.s8.s32 v5;
	v6 =	vunpack.c.0.s8.s32 v6;
	s11 =	simm.s32 $0x4;
	s30 =	sadd.s32 s6, s26;
	[dreg:$0x5] =	wrdreg s29  }
0xf: {  	v7 =	vunpack.c.0.s8.s32 v7;
	v0 =	vcombine.low v1, v0;
	s1 =	sadd.s32 s8, s26;
	s26 =	simm.s32 $0x1;
	[dreg:$0x6] =	wrdreg s30  }
0x10: {  	v1 =	vcombine.low v3, v2;
	v2 =	vcombine.low v5, v4;
	v4 =	vand.u32 $0xF, v6;
	s25 =	simm.s32 $0x2;
	[dreg:$0x7] =	wrdreg s1;
	s1 =	sadd.s32 $0x4D8, s31  }
0x11: {  	v3 =	vimm.bf16 $0.0e+00;
	v5 =	vlaneseq.u32;
	v4 =	vcombine.low v4, v7;
	s12 =	simm.s32 $0x0;
	[dreg:$0x8] =	wrdreg s1;
	s1 =	simm.s32 $0x53C0  }
.LBB2_1:
0x12: {  	[dreg:$0xa] =	wrdreg s12  }
0x13: {  	s0 =	rddreg [dreg:$0x2]  }
0x14: {  	[tilespmem:s2], [sflag:$0x1] =	stream.linear.gather [hbm4b:s0+s2], $0x50, $0x38;
	[tilespmem:$0x5500] =	vst v63  }
0x15: {  	s29 =	rddreg [dreg:$0x3]  }
0x16: {  	[tilespmem:s21], [sflag:$0x1] =	stream.linear.gather [hbm4b:s29+s2], $0x50, $0x38;
	[tilespmem:$0x5500] =	vst v63  }
0x17: {  	s30 =	rddreg [dreg:$0x4];
	s31 =	simm.s32 $0x140  }
0x18: {  	[tilespmem:s31], [sflag:$0x1] =	stream.linear.gather [hbm4b:s30+s2], $0x50, $0x38;
	[tilespmem:$0x5500] =	vst v63  }
0x19: {  	s12 =	rddreg [dreg:$0x5]  }
0x1a: {  	[tilespmem:s23], [sflag:$0x2] =	stream.linear.gather [hbm4b:s12+s2], $0x50, $0x38;
	[tilespmem:$0x5500] =	vst v63  }
0x1b: {  	s14 =	rddreg [dreg:$0x6];
	s15 =	simm.s32 $0xF0  }
0x1c: {  	[tilespmem:s15], [sflag:$0x2] =	stream.linear.gather [hbm4b:s14+s2], $0x50, $0x38;
	[tilespmem:$0x5500] =	vst v63  }
0x1d: {  	s16 =	rddreg [dreg:$0x7];
	s22 =	simm.s32 $0x190  }
0x1e: {  	[tilespmem:s22], [sflag:$0x2] =	stream.linear.gather [hbm4b:s16+s2], $0x50, $0x38;
	[tilespmem:$0x5500] =	vst v63  }
0x1f: {  	_ =	swait.ge [sflag:s26], $0x50  }
0x20: {  	[sflag:s26] =	ssyncset.done $0x0  }
0x21: {  	[sflag:s26] =	ssyncadd.s32 $0xFFFFFFB0  }
0x22: {  	_ =	swait.ge [sflag:s26], $0x50  }
0x23: {  	[sflag:s26] =	ssyncset.done $0x0  }
0x24: {  	[sflag:s26] =	ssyncadd.s32 $0xFFFFFFB0  }
0x25: {  	_ =	swait.ge [sflag:s26], $0x50  }
0x26: {  	[sflag:s26] =	ssyncset.done $0x0  }
0x27: {  	[sflag:s26] =	ssyncadd.s32 $0xFFFFFFB0  }
0x28: {  	v6 =	vld [tilespmem:$0x0]  }
0x29: {  	v7 =	vld [tilespmem:$0xA0]  }
0x2a: {  	v8 =	vld [tilespmem:$0x140]  }
0x2b: {  	v9 =	vld [tilespmem:$0x10]  }
0x2c: {  	v10 =	vld [tilespmem:$0xB0]  }
0x2d: {  	v11 =	vld [tilespmem:$0x150]  }
0x2e: {  	v12 =	vld [tilespmem:$0x20]  }
0x2f: {  	v13 =	vld [tilespmem:$0xC0]  }
0x30: {  	v14 =	vld [tilespmem:$0x160]  }
0x31: {  	v15 =	vld [tilespmem:$0x30]  }
0x32: {  	v16 =	vld [tilespmem:$0xD0];
	v6 =	vshll.u32 v6, $0x4;
	v7 =	vshll.u32 v7, $0x4  }
0x33: {  	v56 =	vld [tilespmem:$0x170];
	v6 =	vadd.s32 v6, v8;
	v7 =	vadd.s32 v7, v8  }
0x34: {  	v58 =	vld [tilespmem:$0x40];
	v57 =	vshll.u32 v10, $0x4;
	[tilespmem:$0x1E0] =	vst v6;
	v6 =	vadd.s32 $0x8, v7;
	v7 =	vshll.u32 v9, $0x4  }
0x35: {  	v59 =	vld [tilespmem:$0xE0];
	[tilespmem:$0x280] =	vst v6;
	v6 =	vadd.s32 v7, v11;
	v7 =	vadd.s32 v57, v11  }
0x36: {  	v61 =	vld [tilespmem:$0x180];
	v60 =	vshll.u32 v13, $0x4;
	[tilespmem:$0x1F0] =	vst v6;
	v6 =	vadd.s32 $0x8, v7;
	v7 =	vshll.u32 v12, $0x4  }
0x37: {  	[tilespmem:$0x290] =	vst v6;
	v6 =	vadd.s32 v7, v14;
	v7 =	vadd.s32 v60, v14  }
0x38: {  	v62 =	vshll.u32 v16, $0x4;
	[tilespmem:$0x200] =	vst v6;
	v6 =	vadd.s32 $0x8, v7;
	v7 =	vshll.u32 v15, $0x4  }
0x39: {  	[tilespmem:$0x2A0] =	vst v6;
	v6 =	vadd.s32 v7, v56;
	v7 =	vadd.s32 v62, v56  }
0x3a: {  	v63 =	vshll.u32 v59, $0x4;
	[tilespmem:$0x210] =	vst v6;
	v6 =	vadd.s32 $0x8, v7;
	v7 =	vshll.u32 v58, $0x4  }
0x3b: {  	[tilespmem:$0x2B0] =	vst v6;
	v6 =	vadd.s32 v7, v61;
	v7 =	vadd.s32 v63, v61  }
0x3c: {  	[tilespmem:$0x220] =	vst v6;
	v6 =	vadd.s32 $0x8, v7  }
0x3d: {  	s24 =	simm.s32 $0x320;
	[tilespmem:$0x2C0] =	vst v6  }
0x3e: {  	[tilespmem:s24], [sflag:$0x3] =	stream.indirect.gather [hbm4b:s3+s23], $0x40, s2, s23, $0xb8;
	[tilespmem:$0x5500] =	vst v63  }
0x3f: {  	s28 =	simm.s32 $0x2B20  }
0x40: {  	[tilespmem:s28], [sflag:$0x3] =	stream.indirect.gather [hbm4b:s3+s23], $0x40, s21, s23, $0xb8;
	[tilespmem:$0x5500] =	vst v63  }
0x41: {  	s29 =	simm.s32 $0x1E0;
	s30 =	simm.s32 $0x5320  }
0x42: {  	[tilespmem:s30], [sflag:$0x3] =	stream.indirect.gather [hbm4b:s4+s23], $0x1, s29, s23, $0xb8;
	[tilespmem:$0x5500] =	vst v63  }
0x43: {  	s31 =	simm.s32 $0x280;
	s14 =	simm.s32 $0x0  }
0x44: {  	[tilespmem:s1], [sflag:$0x3] =	stream.indirect.gather [hbm4b:s4+s23], $0x1, s31, s23, $0xb8;
	[tilespmem:$0x5500] =	vst v63  }
.LBB2_2:
0x45: {  	_ =	swait.ge [sflag:s25], $0x50  }
0x46: {  	[sflag:s25] =	ssyncset.done $0x0  }
0x47: {  	[sflag:s25] =	ssyncadd.s32 $0xFFFFFFB0  }
0x48: {  	_ =	swait.ge [sflag:s25], $0x50  }
0x49: {  	[sflag:s25] =	ssyncset.done $0x0  }
0x4a: {  	[sflag:s25] =	ssyncadd.s32 $0xFFFFFFB0  }
0x4b: {  	_ =	swait.ge [sflag:s25], $0x50  }
0x4c: {  	[sflag:s25] =	ssyncset.done $0x0  }
0x4d: {  	[sflag:s25] =	ssyncadd.s32 $0xFFFFFFB0  }
0x4e: {  	v6 =	vld [tilespmem:$0x50]  }
0x4f: {  	v7 =	vld [tilespmem:$0xF0]  }
0x50: {  	v8 =	vld [tilespmem:$0x190]  }
0x51: {  	v9 =	vld [tilespmem:$0x60]  }
0x52: {  	v10 =	vld [tilespmem:$0x100]  }
0x53: {  	v11 =	vld [tilespmem:$0x1A0]  }
0x54: {  	v12 =	vld [tilespmem:$0x70]  }
0x55: {  	v13 =	vld [tilespmem:$0x110]  }
0x56: {  	v14 =	vld [tilespmem:$0x1B0]  }
0x57: {  	v15 =	vld [tilespmem:$0x80]  }
0x58: {  	v16 =	vld [tilespmem:$0x120];
	v6 =	vshll.u32 v6, $0x4;
	v7 =	vshll.u32 v7, $0x4  }
0x59: {  	v56 =	vld [tilespmem:$0x1C0];
	v6 =	vadd.s32 v6, v8;
	v7 =	vadd.s32 v7, v8  }
0x5a: {  	v58 =	vld [tilespmem:$0x90];
	v57 =	vshll.u32 v10, $0x4;
	[tilespmem:$0x230] =	vst v6;
	v6 =	vadd.s32 $0x8, v7;
	v7 =	vshll.u32 v9, $0x4  }
0x5b: {  	v59 =	vld [tilespmem:$0x130];
	[tilespmem:$0x2D0] =	vst v6;
	v6 =	vadd.s32 v7, v11;
	v7 =	vadd.s32 v57, v11  }
0x5c: {  	v61 =	vld [tilespmem:$0x1D0];
	v60 =	vshll.u32 v13, $0x4;
	[tilespmem:$0x240] =	vst v6;
	v6 =	vadd.s32 $0x8, v7;
	v7 =	vshll.u32 v12, $0x4  }
0x5d: {  	[tilespmem:$0x2E0] =	vst v6;
	v6 =	vadd.s32 v7, v14;
	v7 =	vadd.s32 v60, v14  }
0x5e: {  	v62 =	vshll.u32 v16, $0x4;
	[tilespmem:$0x250] =	vst v6;
	v6 =	vadd.s32 $0x8, v7;
	v7 =	vshll.u32 v15, $0x4  }
0x5f: {  	[tilespmem:$0x2F0] =	vst v6;
	v6 =	vadd.s32 v7, v56;
	v7 =	vadd.s32 v62, v56  }
0x60: {  	v63 =	vshll.u32 v59, $0x4;
	[tilespmem:$0x260] =	vst v6;
	v6 =	vadd.s32 $0x8, v7;
	v7 =	vshll.u32 v58, $0x4  }
0x61: {  	[tilespmem:$0x300] =	vst v6;
	v6 =	vadd.s32 v7, v61;
	v7 =	vadd.s32 v63, v61  }
0x62: {  	[tilespmem:$0x270] =	vst v6;
	v6 =	vadd.s32 $0x8, v7  }
0x63: {  	s0 =	simm.s32 $0x1720;
	[tilespmem:$0x310] =	vst v6  }
0x64: {  	[tilespmem:s0], [sflag:$0x4] =	stream.indirect.gather [hbm4b:s3+s23], $0x40, s23, s23, $0xb8;
	[tilespmem:$0x5500] =	vst v63  }
0x65: {  	s31 =	simm.s32 $0xF0;
	s12 =	simm.s32 $0x3F20  }
0x66: {  	[tilespmem:s12], [sflag:$0x4] =	stream.indirect.gather [hbm4b:s3+s23], $0x40, s31, s23, $0xb8;
	[tilespmem:$0x5500] =	vst v63  }
0x67: {  	s15 =	simm.s32 $0x230;
	s16 =	simm.s32 $0x5370  }
0x68: {  	[tilespmem:s16], [sflag:$0x4] =	stream.indirect.gather [hbm4b:s4+s23], $0x1, s15, s23, $0xb8;
	[tilespmem:$0x5500] =	vst v63  }
0x69: {  	s22 =	simm.s32 $0x2D0;
	s24 =	simm.s32 $0x5410  }
0x6a: {  	[tilespmem:s24], [sflag:$0x4] =	stream.indirect.gather [hbm4b:s4+s23], $0x1, s22, s23, $0xb8;
	[tilespmem:$0x5500] =	vst v63  }
0x6b: {  	_ =	swait.ge [sflag:s19], $0x1400  }
0x6c: {  	[sflag:s19] =	ssyncset.done $0x0  }
0x6d: {  	[sflag:s19] =	ssyncadd.s32 $0xFFFFEC00  }
0x6e: {  	_ =	swait.ge [sflag:s19], $0x1400  }
0x6f: {  	[sflag:s19] =	ssyncset.done $0x0  }
0x70: {  	[sflag:s19] =	ssyncadd.s32 $0xFFFFEC00  }
0x71: {  	_ =	swait.ge [sflag:s19], $0x50  }
0x72: {  	s22 =	smul.u32 $0xA0, s14;
	[sflag:s19] =	ssyncset.done $0x0  }
0x73: {  	[sflag:s19] =	ssyncadd.s32 $0xFFFFFFB0  }
0x74: {  	s28 =	sadd.s32 s22, s17;
	_ =	swait.ge [sflag:s19], $0x50  }
0x75: {  	s0 =	sshrl.u32 s28, $0x3;
	[sflag:s19] =	ssyncset.done $0x0  }
0x76: {  	s29 =	sadd.s32 s5, s0;
	[sflag:s19] =	ssyncadd.s32 $0xFFFFFFB0  }
0x77: {  	[tilespmem:s2], [sflag:$0x1] =	stream.linear.gather [hbm4b:s29+s2], $0x50, $0x38;
	[tilespmem:$0x5500] =	vst v63  }
0x78: {  	s30 =	sadd.s32 s6, s0  }
0x79: {  	[tilespmem:s21], [sflag:$0x1] =	stream.linear.gather [hbm4b:s30+s2], $0x50, $0x38;
	[tilespmem:$0x5500] =	vst v63  }
0x7a: {  	p0 =	seq.s32 s14, $0x0;
	s31 =	simm.s32 $0x140;
	s0 =	sadd.s32 s8, s0  }
0x7b: {  	[tilespmem:s31], [sflag:$0x1] =	stream.linear.gather [hbm4b:s0+s2], $0x50, $0x38;
	[tilespmem:$0x5500] =	vst v63  }
0x7c: {  	s0 =	simm.s32 @!p0 $0x5  }
0x7d: {  	_ =	swait.ge @!p0 [sflag:s0], $0x50  }
0x7e: {  	s12 =	simm.s32 $0x0;
	s15 =	simm.s32 $0x0;
	[sflag:s0] =	ssyncset.done @!p0 $0x0  }
0x7f: {  	s16 =	simm.s32 $0x340;
	s24 =	simm.s32 $0x2B40;
	[sflag:s0] =	ssyncadd.s32 @!p0 $0xFFFFFFB0  }
.LBB2_3:
0x80: {  	v6 =	vld [tilespmem:s16+$0xFFFFFFE0]  }
0x81: {  	v7 =	vld [tilespmem:s24+$0xFFFFFFE0];
	_ =	sdelay $0x2  }
0x82: {  	v8 =	vld [tilespmem:s16+$0xFFFFFFF0]  }
0x83: {  	v9 =	vld [tilespmem:s24+$0xFFFFFFF0]  }
0x84: {  	v10 =	vunpack.i.l.e4m3.bf16 v6;
	v11 =	vunpack.i.l.e4m3.bf16 v7  }
0x85: {  	v10 =	vmul.bf16 v11, v10  }
0x86: {  	v6 =	vunpack.i.u.e4m3.bf16 v6;
	v7 =	vunpack.i.u.e4m3.bf16 v7;
	v11 =	vld [tilespmem:s16+$0x0]  }
0x87: {  	v6 =	vmul.bf16 v7, v6;
	v7 =	vadd.bf16 v3, v10;
	v10 =	vld [tilespmem:s24+$0x0]  }
0x88: {  	v12 =	vunpack.i.l.e4m3.bf16 v8;
	v13 =	vunpack.i.l.e4m3.bf16 v9  }
0x89: {  	v6 =	vadd.bf16 v7, v6;
	v7 =	vmul.bf16 v13, v12  }
0x8a: {  	v8 =	vunpack.i.u.e4m3.bf16 v8;
	v9 =	vunpack.i.u.e4m3.bf16 v9;
	v12 =	vld [tilespmem:s16+$0x10]  }
0x8b: {  	v6 =	vadd.bf16 v7, v6;
	v7 =	vmul.bf16 v9, v8;
	v8 =	vld [tilespmem:s24+$0x10]  }
0x8c: {  	v9 =	vunpack.i.l.e4m3.bf16 v11;
	v13 =	vunpack.i.l.e4m3.bf16 v10  }
0x8d: {  	s0 =	sadd.s32 $0x40, s16;
	v6 =	vadd.bf16 v6, v7;
	v7 =	vmul.bf16 v13, v9  }
0x8e: {  	s28 =	sadd.s32 $0x40, s24;
	v11 =	vunpack.i.u.e4m3.bf16 v11;
	v10 =	vunpack.i.u.e4m3.bf16 v10;
	v9 =	vld [tilespmem:s0+$0xFFFFFFE0]  }
0x8f: {  	v13 =	vld [tilespmem:s28+$0xFFFFFFE0];
	v6 =	vadd.bf16 v7, v6;
	v7 =	vmul.bf16 v10, v11  }
0x90: {  	v10 =	vunpack.i.l.e4m3.bf16 v12;
	v11 =	vunpack.i.l.e4m3.bf16 v8  }
0x91: {  	v6 =	vadd.bf16 v6, v7;
	v7 =	vmul.bf16 v11, v10  }
0x92: {  	v8 =	vunpack.i.u.e4m3.bf16 v8;
	v11 =	vunpack.i.u.e4m3.bf16 v12  }
0x93: {  	v10 =	vld [tilespmem:s0+$0xFFFFFFF0];
	v6 =	vadd.bf16 v7, v6;
	v7 =	vmul.bf16 v8, v11  }
0x94: {  	v12 =	vld [tilespmem:s28+$0xFFFFFFF0];
	v8 =	vunpack.i.u.e4m3.bf16 v9;
	v9 =	vunpack.i.l.e4m3.bf16 v9;
	v11 =	vunpack.i.l.e4m3.bf16 v13  }
0x95: {  	v9 =	vmul.bf16 v11, v9  }
0x96: {  	v13 =	vunpack.i.u.e4m3.bf16 v13;
	v6 =	vadd.bf16 v6, v7  }
0x97: {  	v11 =	vld [tilespmem:s0+$0x0];
	v7 =	vmul.bf16 v13, v8;
	v8 =	vadd.bf16 v3, v9  }
0x98: {  	v13 =	vld [tilespmem:s28+$0x0];
	v14 =	vunpack.i.l.e4m3.bf16 v10;
	v9 =	vshll.u32 v6, $0x10;
	v6 =	vand.u32 $0xFFFF0000, v6  }
0x99: {  	v15 =	vunpack.i.l.e4m3.bf16 v12;
	v6 =	vadd.f32 v6, v9;
	v7 =	vadd.bf16 v8, v7  }
0x9a: {  	v8 =	vmul.bf16 v15, v14;
	v9 =	vunpack.i.u.e4m3.bf16 v10;
	v10 =	vunpack.i.u.e4m3.bf16 v12  }
0x9b: {  	v10 =	vmul.bf16 v10, v9;
	v9 =	vld [tilespmem:s28+$0x10];
	v12 =	vperm.xlane v6, v0  }
0x9c: {  	v14 =	vadd.bf16 v8, v7;
	v8 =	vld [tilespmem:s0+$0x10]  }
0x9d: {  	v15 =	vunpack.i.l.e4m3.bf16 v11;
	v16 =	vunpack.i.l.e4m3.bf16 v13;
	v7 =	vadd.f32 v6, v12  }
0x9e: {  	s30 =	sadd.s32 $0x40, s0;
	v6 =	vimm.f32 $0.0e+00;
	v10 =	vadd.bf16 v14, v10;
	v14 =	vmul.bf16 v16, v15  }
0x9f: {  	s31 =	sadd.s32 $0x40, s28;
	v12 =	vld [tilespmem:s30+$0xFFFFFFE0];
	v15 =	vunpack.i.u.e4m3.bf16 v11;
	v16 =	vunpack.i.u.e4m3.bf16 v13;
	v11 =	vperm.xlane v7, v1  }
0xa0: {  	s29 =	simm.s32 $0x1;
	s28 =	simm.s32 $0x2;
	s0 =	simm.s32 $0x3;
	v13 =	vld [tilespmem:s31+$0xFFFFFFE0];
	v15 =	vmul.bf16 v16, v15;
	v14 =	vadd.bf16 v14, v10;
	v10 =	vmov s15  }
.LBB2_4:
0xa1: {  	p0 =	sne.s32 s0, $0xF;
	v16 =	vunpack.i.l.e4m3.bf16 v8;
	v17 =	vunpack.i.l.e4m3.bf16 v9;
	v7 =	vadd.f32 v7, v11  }
0xa2: {  	vm0 =	veq.s32 v10, v5;
	v11 =	vld [tilespmem:s30+$0xFFFFFFF0];
	v14 =	vadd.bf16 v14, v15;
	v15 =	vmul.bf16 v17, v16  }
0xa3: {  	v8 =	vunpack.i.u.e4m3.bf16 v8;
	v9 =	vunpack.i.u.e4m3.bf16 v9;
	v10 =	vperm.xlane v7, v2  }
0xa4: {  	v8 =	vmul.bf16 v9, v8;
	v16 =	vunpack.i.u.e4m3.bf16 v12;
	v17 =	vld [tilespmem:s31+$0xFFFFFFF0];
	v14 =	vadd.bf16 v15, v14  }
0xa5: {  	v9 =	vunpack.i.l.e4m3.bf16 v12;
	v12 =	vunpack.i.l.e4m3.bf16 v13;
	v7 =	vadd.f32 v7, v10  }
0xa6: {  	v10 =	vunpack.i.u.e4m3.bf16 v13;
	v9 =	vmul.bf16 v12, v9;
	v8 =	vadd.bf16 v14, v8  }
0xa7: {  	v10 =	vmul.bf16 v10, v16;
	v12 =	vunpack.i.l.e4m3.bf16 v11;
	v13 =	vld [tilespmem:s30+$0x0];
	v14 =	vperm.xlane v7, v4  }
0xa8: {  	v9 =	vadd.bf16 v3, v9;
	v15 =	vld [tilespmem:s31+$0x0];
	v16 =	vshll.u32 v8, $0x10;
	v8 =	vand.u32 $0xFFFF0000, v8  }
0xa9: {  	v18 =	vunpack.i.l.e4m3.bf16 v17;
	v16 =	vadd.f32 v8, v16;
	v7 =	vadd.f32 v7, v14  }
0xaa: {  	v9 =	vadd.bf16 v9, v10;
	v10 =	vunpack.i.u.e4m3.bf16 v11;
	v11 =	vmul.bf16 v18, v12  }
0xab: {  	v12 =	vunpack.i.u.e4m3.bf16 v17;
	v8 =	vld [tilespmem:s30+$0x10];
	v14 =	vperm.xlane v16, v0;
	v6 =	vsel vm0, v7, v6  }
.Ltmp0:
0xac: {  	v10 =	vmul.bf16 v12, v10;
	v11 =	vadd.bf16 v11, v9;
	v9 =	vld [tilespmem:s31+$0x10];
	(pc) =	sbr.rel @p0 .LBB2_4-.Ltmp0, $4  }
0xad: {  	v12 =	vunpack.i.l.e4m3.bf16 v13;
	v17 =	vunpack.i.l.e4m3.bf16 v15;
	v7 =	vadd.f32 v16, v14  }
0xae: {  	s30 =	sadd.s32 $0x40, s30;
	v10 =	vadd.bf16 v11, v10;
	v14 =	vmul.bf16 v17, v12  }
0xaf: {  	s31 =	sadd.s32 $0x40, s31;
	v16 =	vunpack.i.u.e4m3.bf16 v13;
	v15 =	vunpack.i.u.e4m3.bf16 v15;
	v12 =	vld [tilespmem:s30+$0xFFFFFFE0];
	v11 =	vperm.xlane v7, v1  }
0xb0: {  	v15 =	vmul.bf16 v15, v16;
	v13 =	vld [tilespmem:s31+$0xFFFFFFE0];
	v14 =	vadd.bf16 v14, v10;
	v10 =	vmov s29;
	s29 =	smov.u32 s28;
	s28 =	smov.u32 s0;
	s0 =	sadd.s32 $0x1, s0  }
0xb1: {  	_ =	sdelay $0x1  }
0xb2: {  	v16 =	vld [tilespmem:s30+$0xFFFFFFF0]  }
0xb3: {  	v17 =	vld [tilespmem:s31+$0xFFFFFFF0]  }
0xb4: {  	v18 =	vunpack.i.l.e4m3.bf16 v12;
	v19 =	vunpack.i.l.e4m3.bf16 v13  }
0xb5: {  	v18 =	vmul.bf16 v19, v18  }
0xb6: {  	v38 =	vld [tilespmem:s30+$0x0];
	v36 =	vunpack.i.u.e4m3.bf16 v12;
	v37 =	vunpack.i.u.e4m3.bf16 v13  }
0xb7: {  	v20 =	vld [tilespmem:s31+$0x0];
	v12 =	vmul.bf16 v37, v36;
	v18 =	vadd.bf16 v3, v18  }
0xb8: {  	v39 =	vunpack.i.l.e4m3.bf16 v16;
	v21 =	vunpack.i.l.e4m3.bf16 v17  }
0xb9: {  	v40 =	vmul.bf16 v21, v39;
	v12 =	vadd.bf16 v18, v12  }
0xba: {  	v41 =	vld [tilespmem:s30+$0x10];
	v16 =	vunpack.i.u.e4m3.bf16 v16;
	v17 =	vunpack.i.u.e4m3.bf16 v17  }
0xbb: {  	v42 =	vld [tilespmem:s31+$0x10];
	v45 =	vunpack.i.l.e4m3.bf16 v8;
	v16 =	vmul.bf16 v17, v16;
	v12 =	vadd.bf16 v40, v12  }
0xbc: {  	v46 =	vunpack.i.l.e4m3.bf16 v9;
	v43 =	vunpack.i.l.e4m3.bf16 v38;
	v44 =	vunpack.i.l.e4m3.bf16 v20  }
0xbd: {  	v48 =	vunpack.i.u.e4m3.bf16 v8;
	v17 =	vmul.bf16 v44, v43;
	v12 =	vadd.bf16 v12, v16  }
0xbe: {  	v51 =	vunpack.i.u.e4m3.bf16 v9;
	v13 =	vunpack.i.u.e4m3.bf16 v38;
	v47 =	vunpack.i.u.e4m3.bf16 v20  }
0xbf: {  	v14 =	vadd.bf16 v14, v15;
	v13 =	vmul.bf16 v47, v13;
	v12 =	vadd.bf16 v17, v12  }
0xc0: {  	v49 =	vunpack.i.l.e4m3.bf16 v41;
	v50 =	vunpack.i.l.e4m3.bf16 v42;
	v16 =	vmul.bf16 v46, v45  }
0xc1: {  	v8 =	vmul.bf16 v51, v48;
	v52 =	vmul.bf16 v50, v49;
	v12 =	vadd.bf16 v12, v13  }
0xc2: {  	v53 =	vunpack.i.u.e4m3.bf16 v41;
	v15 =	vunpack.i.u.e4m3.bf16 v42;
	v14 =	vadd.bf16 v16, v14  }
0xc3: {  	v9 =	vmul.bf16 v15, v53;
	v12 =	vadd.bf16 v52, v12  }
0xc4: {  	v8 =	vadd.bf16 v14, v8  }
0xc5: {  	v9 =	vadd.bf16 v12, v9  }
0xc6: {  	v54 =	vshll.u32 v8, $0x10;
	v8 =	vand.u32 $0xFFFF0000, v8  }
0xc7: {  	v8 =	vadd.f32 v8, v54;
	v55 =	vshll.u32 v9, $0x10;
	v9 =	vand.u32 $0xFFFF0000, v9  }
0xc8: {  	v9 =	vadd.f32 v9, v55  }
0xc9: {  	v56 =	vperm.xlane v8, v0  }
0xca: {  	v57 =	vperm.xlane v9, v0  }
0xcb: {  	v8 =	vadd.f32 v8, v56  }
0xcc: {  	v9 =	vadd.f32 v9, v57  }
0xcd: {  	v7 =	vadd.f32 v7, v11;
	v58 =	vperm.xlane v8, v1  }
0xce: {  	v59 =	vperm.xlane v9, v1  }
0xcf: {  	v60 =	vperm.xlane v7, v2;
	v8 =	vadd.f32 v8, v58  }
0xd0: {  	v9 =	vadd.f32 v9, v59  }
0xd1: {  	v7 =	vadd.f32 v7, v60;
	v11 =	vperm.xlane v8, v2  }
0xd2: {  	v12 =	vperm.xlane v9, v2  }
0xd3: {  	v13 =	vperm.xlane v7, v4;
	v8 =	vadd.f32 v8, v11  }
0xd4: {  	s0 =	sshll.u32 s12, $0x4;
	v9 =	vadd.f32 v9, v12  }
0xd5: {  	v61 =	vld [tilespmem:s0+$0x5320];
	v7 =	vadd.f32 v7, v13;
	v11 =	vperm.xlane v8, v4  }
0xd6: {  	vm0 =	veq.s32 v10, v5;
	v63 =	vld [tilespmem:s0+$0x53C0];
	v62 =	vperm.xlane v9, v4  }
0xd7: {  	v6 =	vsel vm0, v7, v6;
	v7 =	vmov s29;
	v8 =	vadd.f32 v8, v11  }
0xd8: {  	vm14 =	veq.s32 v7, v5;
	v7 =	vmov s28;
	v9 =	vadd.f32 v9, v62  }
0xd9: {  	s12 =	sadd.s32 $0x1, s12;
	vm15 =	veq.s32 v7, v5;
	v6 =	vsel vm14, v8, v6  }
0xda: {  	p0 =	sne.s32 s12, $0x5;
	v6 =	vsel vm15, v9, v6  }
.Ltmp1:
0xdb: {  	v7 =	vadd.f32 v63, v61;
	v6 =	vadd.f32 v6, v6;
	(pc) =	sbr.rel @p0 .LBB2_3-.Ltmp1, $3  }
0xdc: {  	_ = 	snop  }
0xdd: {  	v6 =	vsub.f32 v7, v6;
	_ =	sdelay $0x1  }
0xde: {  	s16 =	sadd.s32 $0x400, s16;
	s24 =	sadd.s32 $0x400, s24;
	[tilespmem:s0+$0x5460] =	vst v6  }
0xdf: {  	s0 =	sadd.s32 s7, s22  }
0xe0: {  	s0 =	sshrl.u32 s0, $0x3  }
0xe1: {  	s0 =	sadd.s32 s9, s0  }
0xe2: {  	[hbm4b:s0+s2] =	stream.linear.scatter [tilespmem:s20], [sflag:$0x5], $0x50, $0x38;
	[tilespmem:$0x5500] =	vst v63  }
0xe3: {  	_ =	swait.ge [sflag:s26], $0x50  }
0xe4: {  	[sflag:s26] =	ssyncset.done $0x0  }
0xe5: {  	[sflag:s26] =	ssyncadd.s32 $0xFFFFFFB0  }
0xe6: {  	_ =	swait.ge [sflag:s26], $0x50  }
0xe7: {  	[sflag:s26] =	ssyncset.done $0x0  }
0xe8: {  	[sflag:s26] =	ssyncadd.s32 $0xFFFFFFB0  }
0xe9: {  	_ =	swait.ge [sflag:s26], $0x50  }
0xea: {  	[sflag:s26] =	ssyncset.done $0x0  }
0xeb: {  	[sflag:s26] =	ssyncadd.s32 $0xFFFFFFB0  }
0xec: {  	v6 =	vld [tilespmem:$0x0]  }
0xed: {  	v7 =	vld [tilespmem:$0xA0]  }
0xee: {  	v8 =	vld [tilespmem:$0x140]  }
0xef: {  	v9 =	vld [tilespmem:$0x10]  }
0xf0: {  	v10 =	vld [tilespmem:$0xB0]  }
0xf1: {  	v11 =	vld [tilespmem:$0x150]  }
0xf2: {  	v12 =	vld [tilespmem:$0x20]  }
0xf3: {  	v13 =	vld [tilespmem:$0xC0]  }
0xf4: {  	v14 =	vld [tilespmem:$0x160]  }
0xf5: {  	v15 =	vld [tilespmem:$0x30]  }
0xf6: {  	v16 =	vld [tilespmem:$0xD0];
	v6 =	vshll.u32 v6, $0x4;
	v7 =	vshll.u32 v7, $0x4  }
0xf7: {  	v56 =	vld [tilespmem:$0x170];
	v6 =	vadd.s32 v6, v8;
	v7 =	vadd.s32 v7, v8  }
0xf8: {  	v58 =	vld [tilespmem:$0x40];
	v57 =	vshll.u32 v10, $0x4;
	[tilespmem:$0x1E0] =	vst v6;
	v6 =	vadd.s32 $0x8, v7;
	v7 =	vshll.u32 v9, $0x4  }
0xf9: {  	v59 =	vld [tilespmem:$0xE0];
	[tilespmem:$0x280] =	vst v6;
	v6 =	vadd.s32 v7, v11;
	v7 =	vadd.s32 v57, v11  }
0xfa: {  	v61 =	vld [tilespmem:$0x180];
	v60 =	vshll.u32 v13, $0x4;
	[tilespmem:$0x1F0] =	vst v6;
	v6 =	vadd.s32 $0x8, v7;
	v7 =	vshll.u32 v12, $0x4  }
0xfb: {  	[tilespmem:$0x290] =	vst v6;
	v6 =	vadd.s32 v7, v14;
	v7 =	vadd.s32 v60, v14  }
0xfc: {  	v62 =	vshll.u32 v16, $0x4;
	[tilespmem:$0x200] =	vst v6;
	v6 =	vadd.s32 $0x8, v7;
	v7 =	vshll.u32 v15, $0x4  }
0xfd: {  	[tilespmem:$0x2A0] =	vst v6;
	v6 =	vadd.s32 v7, v56;
	v7 =	vadd.s32 v62, v56  }
0xfe: {  	v63 =	vshll.u32 v59, $0x4;
	[tilespmem:$0x210] =	vst v6;
	v6 =	vadd.s32 $0x8, v7;
	v7 =	vshll.u32 v58, $0x4  }
0xff: {  	[tilespmem:$0x2B0] =	vst v6;
	v6 =	vadd.s32 v7, v61;
	v7 =	vadd.s32 v63, v61  }
0x100: {  	[tilespmem:$0x220] =	vst v6;
	v6 =	vadd.s32 $0x8, v7  }
0x101: {  	s28 =	simm.s32 $0x320;
	[tilespmem:$0x2C0] =	vst v6  }
0x102: {  	[tilespmem:s28], [sflag:$0x3] =	stream.indirect.gather [hbm4b:s3+s23], $0x40, s2, s23, $0xb8;
	[tilespmem:$0x5500] =	vst v63  }
0x103: {  	s29 =	simm.s32 $0x2B20  }
0x104: {  	[tilespmem:s29], [sflag:$0x3] =	stream.indirect.gather [hbm4b:s3+s23], $0x40, s21, s23, $0xb8;
	[tilespmem:$0x5500] =	vst v63  }
0x105: {  	s30 =	simm.s32 $0x1E0;
	s12 =	simm.s32 $0x5320  }
0x106: {  	[tilespmem:s12], [sflag:$0x3] =	stream.indirect.gather [hbm4b:s4+s23], $0x1, s30, s23, $0xb8;
	[tilespmem:$0x5500] =	vst v63  }
0x107: {  	s31 =	simm.s32 $0x280  }
0x108: {  	[tilespmem:s1], [sflag:$0x3] =	stream.indirect.gather [hbm4b:s4+s23], $0x1, s31, s23, $0xb8;
	[tilespmem:$0x5500] =	vst v63  }
0x109: {  	_ =	swait.ge [sflag:s11], $0x1400  }
0x10a: {  	[sflag:s11] =	ssyncset.done $0x0  }
0x10b: {  	[sflag:s11] =	ssyncadd.s32 $0xFFFFEC00  }
0x10c: {  	_ =	swait.ge [sflag:s11], $0x1400  }
0x10d: {  	[sflag:s11] =	ssyncset.done $0x0  }
0x10e: {  	[sflag:s11] =	ssyncadd.s32 $0xFFFFEC00  }
0x10f: {  	_ =	swait.ge [sflag:s11], $0x50  }
0x110: {  	[sflag:s11] =	ssyncset.done $0x0  }
0x111: {  	p0 =	seq.s32 s14, $0x3D;
	[sflag:s11] =	ssyncadd.s32 $0xFFFFFFB0  }
0x112: {  	s0 =	sadd.s32 @!p0 s22, s18;
	_ =	swait.ge [sflag:s11], $0x50  }
0x113: {  	s15 =	simm.s32 @!p0 $0x0;
	s0 =	sshrl.u32 @!p0 s0, $0x3;
	[sflag:s11] =	ssyncset.done $0x0  }
0x114: {  	s16 =	simm.s32 @!p0 $0x50;
	s12 =	sadd.s32 @!p0 s5, s0;
	[sflag:s11] =	ssyncadd.s32 $0xFFFFFFB0  }
0x115: {  	[tilespmem:s16], [sflag:$0x2] =	stream.linear.gather @!p0 [hbm4b:s12+s15], $0x50, $0x38;
	[tilespmem:$0x5500] =	vst v63  }
0x116: {  	s12 =	sadd.s32 @!p0 s6, s0;
	s16 =	simm.s32 @!p0 $0xF0  }
0x117: {  	[tilespmem:s16], [sflag:$0x2] =	stream.linear.gather @!p0 [hbm4b:s12+s15], $0x50, $0x38;
	[tilespmem:$0x5500] =	vst v63  }
0x118: {  	p1 =	seq.s32 @!p0 s14, $0x0;
	s0 =	sadd.s32 @!p0 s8, s0;
	s12 =	simm.s32 @!p0 $0x190  }
0x119: {  	[tilespmem:s12], [sflag:$0x2] =	stream.linear.gather @!p0 [hbm4b:s0+s15], $0x50, $0x38;
	[tilespmem:$0x5500] =	vst v63  }
0x11a: {  	p0 =	por p0, !p1  }
0x11b: {  	_ =	swait.ge @p0 [sflag:s13], $0x50  }
0x11c: {  	s24 =	simm.s32 $0x3F50;
	s16 =	simm.s32 $0x1750;
	[sflag:s13] =	ssyncset.done @p0 $0x0  }
0x11d: {  	s15 =	simm.s32 $0x0;
	s12 =	simm.s32 $0x0;
	[sflag:s13] =	ssyncadd.s32 @p0 $0xFFFFFFB0  }
.LBB2_7:
0x11e: {  	v6 =	vld [tilespmem:s16+$0xFFFFFFD0]  }
0x11f: {  	v7 =	vld [tilespmem:s24+$0xFFFFFFD0];
	_ =	sdelay $0x2  }
0x120: {  	v8 =	vld [tilespmem:s16+$0xFFFFFFE0]  }
0x121: {  	v9 =	vld [tilespmem:s24+$0xFFFFFFE0]  }
0x122: {  	v10 =	vunpack.i.l.e4m3.bf16 v6;
	v11 =	vunpack.i.l.e4m3.bf16 v7  }
0x123: {  	v10 =	vmul.bf16 v11, v10  }
0x124: {  	v6 =	vunpack.i.u.e4m3.bf16 v6;
	v7 =	vunpack.i.u.e4m3.bf16 v7;
	v11 =	vld [tilespmem:s16+$0xFFFFFFF0]  }
0x125: {  	v6 =	vmul.bf16 v7, v6;
	v7 =	vadd.bf16 v3, v10;
	v10 =	vld [tilespmem:s24+$0xFFFFFFF0]  }
0x126: {  	v12 =	vunpack.i.l.e4m3.bf16 v8;
	v13 =	vunpack.i.l.e4m3.bf16 v9  }
0x127: {  	v6 =	vadd.bf16 v7, v6;
	v7 =	vmul.bf16 v13, v12  }
0x128: {  	v8 =	vunpack.i.u.e4m3.bf16 v8;
	v9 =	vunpack.i.u.e4m3.bf16 v9;
	v12 =	vld [tilespmem:s16+$0x0]  }
0x129: {  	v6 =	vadd.bf16 v7, v6;
	v7 =	vmul.bf16 v9, v8;
	v8 =	vld [tilespmem:s24+$0x0]  }
0x12a: {  	v9 =	vunpack.i.l.e4m3.bf16 v11;
	v13 =	vunpack.i.l.e4m3.bf16 v10  }
0x12b: {  	s0 =	sadd.s32 $0x40, s16;
	v6 =	vadd.bf16 v6, v7;
	v7 =	vmul.bf16 v13, v9  }
0x12c: {  	s28 =	sadd.s32 $0x40, s24;
	v11 =	vunpack.i.u.e4m3.bf16 v11;
	v10 =	vunpack.i.u.e4m3.bf16 v10;
	v9 =	vld [tilespmem:s0+$0xFFFFFFD0]  }
0x12d: {  	v13 =	vld [tilespmem:s28+$0xFFFFFFD0];
	v6 =	vadd.bf16 v7, v6;
	v7 =	vmul.bf16 v10, v11  }
0x12e: {  	v10 =	vunpack.i.l.e4m3.bf16 v12;
	v11 =	vunpack.i.l.e4m3.bf16 v8  }
0x12f: {  	v6 =	vadd.bf16 v6, v7;
	v7 =	vmul.bf16 v11, v10  }
0x130: {  	v8 =	vunpack.i.u.e4m3.bf16 v8;
	v11 =	vunpack.i.u.e4m3.bf16 v12  }
0x131: {  	v10 =	vld [tilespmem:s0+$0xFFFFFFE0];
	v6 =	vadd.bf16 v7, v6;
	v7 =	vmul.bf16 v8, v11  }
0x132: {  	v12 =	vld [tilespmem:s28+$0xFFFFFFE0];
	v8 =	vunpack.i.u.e4m3.bf16 v9;
	v9 =	vunpack.i.l.e4m3.bf16 v9;
	v11 =	vunpack.i.l.e4m3.bf16 v13  }
0x133: {  	v9 =	vmul.bf16 v11, v9  }
0x134: {  	v13 =	vunpack.i.u.e4m3.bf16 v13;
	v6 =	vadd.bf16 v6, v7  }
0x135: {  	v11 =	vld [tilespmem:s0+$0xFFFFFFF0];
	v7 =	vmul.bf16 v13, v8;
	v8 =	vadd.bf16 v3, v9  }
0x136: {  	v13 =	vld [tilespmem:s28+$0xFFFFFFF0];
	v14 =	vunpack.i.l.e4m3.bf16 v10;
	v9 =	vshll.u32 v6, $0x10;
	v6 =	vand.u32 $0xFFFF0000, v6  }
0x137: {  	v15 =	vunpack.i.l.e4m3.bf16 v12;
	v6 =	vadd.f32 v6, v9;
	v7 =	vadd.bf16 v8, v7  }
0x138: {  	v8 =	vmul.bf16 v15, v14;
	v9 =	vunpack.i.u.e4m3.bf16 v10;
	v10 =	vunpack.i.u.e4m3.bf16 v12  }
0x139: {  	v10 =	vmul.bf16 v10, v9;
	v9 =	vld [tilespmem:s28+$0x0];
	v12 =	vperm.xlane v6, v0  }
0x13a: {  	v14 =	vadd.bf16 v8, v7;
	v8 =	vld [tilespmem:s0+$0x0]  }
0x13b: {  	v15 =	vunpack.i.l.e4m3.bf16 v11;
	v16 =	vunpack.i.l.e4m3.bf16 v13;
	v7 =	vadd.f32 v6, v12  }
0x13c: {  	s30 =	sadd.s32 $0x40, s0;
	v6 =	vimm.f32 $0.0e+00;
	v10 =	vadd.bf16 v14, v10;
	v14 =	vmul.bf16 v16, v15  }
0x13d: {  	s31 =	sadd.s32 $0x40, s28;
	v12 =	vld [tilespmem:s30+$0xFFFFFFD0];
	v15 =	vunpack.i.u.e4m3.bf16 v11;
	v16 =	vunpack.i.u.e4m3.bf16 v13;
	v11 =	vperm.xlane v7, v1  }
0x13e: {  	s29 =	simm.s32 $0x1;
	s28 =	simm.s32 $0x2;
	s0 =	simm.s32 $0x3;
	v13 =	vld [tilespmem:s31+$0xFFFFFFD0];
	v15 =	vmul.bf16 v16, v15;
	v14 =	vadd.bf16 v14, v10;
	v10 =	vmov s15  }
.LBB2_8:
0x13f: {  	p0 =	sne.s32 s0, $0xF;
	v16 =	vunpack.i.l.e4m3.bf16 v8;
	v17 =	vunpack.i.l.e4m3.bf16 v9;
	v7 =	vadd.f32 v7, v11  }
0x140: {  	vm0 =	veq.s32 v10, v5;
	v11 =	vld [tilespmem:s30+$0xFFFFFFE0];
	v14 =	vadd.bf16 v14, v15;
	v15 =	vmul.bf16 v17, v16  }
0x141: {  	v8 =	vunpack.i.u.e4m3.bf16 v8;
	v9 =	vunpack.i.u.e4m3.bf16 v9;
	v10 =	vperm.xlane v7, v2  }
0x142: {  	v8 =	vmul.bf16 v9, v8;
	v16 =	vunpack.i.u.e4m3.bf16 v12;
	v17 =	vld [tilespmem:s31+$0xFFFFFFE0];
	v14 =	vadd.bf16 v15, v14  }
0x143: {  	v9 =	vunpack.i.l.e4m3.bf16 v12;
	v12 =	vunpack.i.l.e4m3.bf16 v13;
	v7 =	vadd.f32 v7, v10  }
0x144: {  	v10 =	vunpack.i.u.e4m3.bf16 v13;
	v9 =	vmul.bf16 v12, v9;
	v8 =	vadd.bf16 v14, v8  }
0x145: {  	v10 =	vmul.bf16 v10, v16;
	v12 =	vunpack.i.l.e4m3.bf16 v11;
	v13 =	vld [tilespmem:s30+$0xFFFFFFF0];
	v14 =	vperm.xlane v7, v4  }
0x146: {  	v9 =	vadd.bf16 v3, v9;
	v15 =	vld [tilespmem:s31+$0xFFFFFFF0];
	v16 =	vshll.u32 v8, $0x10;
	v8 =	vand.u32 $0xFFFF0000, v8  }
0x147: {  	v18 =	vunpack.i.l.e4m3.bf16 v17;
	v16 =	vadd.f32 v8, v16;
	v7 =	vadd.f32 v7, v14  }
0x148: {  	v9 =	vadd.bf16 v9, v10;
	v10 =	vunpack.i.u.e4m3.bf16 v11;
	v11 =	vmul.bf16 v18, v12  }
0x149: {  	v12 =	vunpack.i.u.e4m3.bf16 v17;
	v8 =	vld [tilespmem:s30+$0x0];
	v14 =	vperm.xlane v16, v0;
	v6 =	vsel vm0, v7, v6  }
.Ltmp2:
0x14a: {  	v10 =	vmul.bf16 v12, v10;
	v11 =	vadd.bf16 v11, v9;
	v9 =	vld [tilespmem:s31+$0x0];
	(pc) =	sbr.rel @p0 .LBB2_8-.Ltmp2, $4  }
0x14b: {  	v12 =	vunpack.i.l.e4m3.bf16 v13;
	v17 =	vunpack.i.l.e4m3.bf16 v15;
	v7 =	vadd.f32 v16, v14  }
0x14c: {  	s30 =	sadd.s32 $0x40, s30;
	v10 =	vadd.bf16 v11, v10;
	v14 =	vmul.bf16 v17, v12  }
0x14d: {  	s31 =	sadd.s32 $0x40, s31;
	v16 =	vunpack.i.u.e4m3.bf16 v13;
	v15 =	vunpack.i.u.e4m3.bf16 v15;
	v12 =	vld [tilespmem:s30+$0xFFFFFFD0];
	v11 =	vperm.xlane v7, v1  }
0x14e: {  	v15 =	vmul.bf16 v15, v16;
	v13 =	vld [tilespmem:s31+$0xFFFFFFD0];
	v14 =	vadd.bf16 v14, v10;
	v10 =	vmov s29;
	s29 =	smov.u32 s28;
	s28 =	smov.u32 s0;
	s0 =	sadd.s32 $0x1, s0  }
0x14f: {  	_ =	sdelay $0x1  }
0x150: {  	v16 =	vld [tilespmem:s30+$0xFFFFFFE0]  }
0x151: {  	v17 =	vld [tilespmem:s31+$0xFFFFFFE0]  }
0x152: {  	v18 =	vunpack.i.l.e4m3.bf16 v12;
	v19 =	vunpack.i.l.e4m3.bf16 v13  }
0x153: {  	v18 =	vmul.bf16 v19, v18  }
0x154: {  	v38 =	vld [tilespmem:s30+$0xFFFFFFF0];
	v36 =	vunpack.i.u.e4m3.bf16 v12;
	v37 =	vunpack.i.u.e4m3.bf16 v13  }
0x155: {  	v20 =	vld [tilespmem:s31+$0xFFFFFFF0];
	v12 =	vmul.bf16 v37, v36;
	v18 =	vadd.bf16 v3, v18  }
0x156: {  	v39 =	vunpack.i.l.e4m3.bf16 v16;
	v21 =	vunpack.i.l.e4m3.bf16 v17  }
0x157: {  	v40 =	vmul.bf16 v21, v39;
	v12 =	vadd.bf16 v18, v12  }
0x158: {  	v41 =	vld [tilespmem:s30+$0x0];
	v16 =	vunpack.i.u.e4m3.bf16 v16;
	v17 =	vunpack.i.u.e4m3.bf16 v17  }
0x159: {  	v42 =	vld [tilespmem:s31+$0x0];
	v45 =	vunpack.i.l.e4m3.bf16 v8;
	v16 =	vmul.bf16 v17, v16;
	v12 =	vadd.bf16 v40, v12  }
0x15a: {  	v46 =	vunpack.i.l.e4m3.bf16 v9;
	v43 =	vunpack.i.l.e4m3.bf16 v38;
	v44 =	vunpack.i.l.e4m3.bf16 v20  }
0x15b: {  	v48 =	vunpack.i.u.e4m3.bf16 v8;
	v17 =	vmul.bf16 v44, v43;
	v12 =	vadd.bf16 v12, v16  }
0x15c: {  	v51 =	vunpack.i.u.e4m3.bf16 v9;
	v13 =	vunpack.i.u.e4m3.bf16 v38;
	v47 =	vunpack.i.u.e4m3.bf16 v20  }
0x15d: {  	v14 =	vadd.bf16 v14, v15;
	v13 =	vmul.bf16 v47, v13;
	v12 =	vadd.bf16 v17, v12  }
0x15e: {  	v49 =	vunpack.i.l.e4m3.bf16 v41;
	v50 =	vunpack.i.l.e4m3.bf16 v42;
	v16 =	vmul.bf16 v46, v45  }
0x15f: {  	v8 =	vmul.bf16 v51, v48;
	v52 =	vmul.bf16 v50, v49;
	v12 =	vadd.bf16 v12, v13  }
0x160: {  	v53 =	vunpack.i.u.e4m3.bf16 v41;
	v15 =	vunpack.i.u.e4m3.bf16 v42;
	v14 =	vadd.bf16 v16, v14  }
0x161: {  	v9 =	vmul.bf16 v15, v53;
	v12 =	vadd.bf16 v52, v12  }
0x162: {  	v8 =	vadd.bf16 v14, v8  }
0x163: {  	v9 =	vadd.bf16 v12, v9  }
0x164: {  	v54 =	vshll.u32 v8, $0x10;
	v8 =	vand.u32 $0xFFFF0000, v8  }
0x165: {  	v8 =	vadd.f32 v8, v54;
	v55 =	vshll.u32 v9, $0x10;
	v9 =	vand.u32 $0xFFFF0000, v9  }
0x166: {  	v9 =	vadd.f32 v9, v55  }
0x167: {  	v56 =	vperm.xlane v8, v0  }
0x168: {  	v57 =	vperm.xlane v9, v0  }
0x169: {  	v8 =	vadd.f32 v8, v56  }
0x16a: {  	v9 =	vadd.f32 v9, v57  }
0x16b: {  	v7 =	vadd.f32 v7, v11;
	v58 =	vperm.xlane v8, v1  }
0x16c: {  	v59 =	vperm.xlane v9, v1  }
0x16d: {  	v60 =	vperm.xlane v7, v2;
	v8 =	vadd.f32 v8, v58  }
0x16e: {  	v9 =	vadd.f32 v9, v59  }
0x16f: {  	v7 =	vadd.f32 v7, v60;
	v11 =	vperm.xlane v8, v2  }
0x170: {  	v12 =	vperm.xlane v9, v2  }
0x171: {  	v13 =	vperm.xlane v7, v4;
	v8 =	vadd.f32 v8, v11  }
0x172: {  	s0 =	sshll.u32 s12, $0x4;
	v9 =	vadd.f32 v9, v12  }
0x173: {  	v61 =	vld [tilespmem:s0+$0x5370];
	v7 =	vadd.f32 v7, v13;
	v11 =	vperm.xlane v8, v4  }
0x174: {  	vm0 =	veq.s32 v10, v5;
	v63 =	vld [tilespmem:s0+$0x5410];
	v62 =	vperm.xlane v9, v4  }
0x175: {  	v6 =	vsel vm0, v7, v6;
	v7 =	vmov s29;
	v8 =	vadd.f32 v8, v11  }
0x176: {  	vm14 =	veq.s32 v7, v5;
	v7 =	vmov s28;
	v9 =	vadd.f32 v9, v62  }
0x177: {  	s12 =	sadd.s32 $0x1, s12;
	vm15 =	veq.s32 v7, v5;
	v6 =	vsel vm14, v8, v6  }
0x178: {  	p0 =	sne.s32 s12, $0x5;
	v6 =	vsel vm15, v9, v6  }
.Ltmp3:
0x179: {  	v7 =	vadd.f32 v63, v61;
	v6 =	vadd.f32 v6, v6;
	(pc) =	sbr.rel @p0 .LBB2_7-.Ltmp3, $3  }
0x17a: {  	_ = 	snop  }
0x17b: {  	v6 =	vsub.f32 v7, v6;
	_ =	sdelay $0x1  }
0x17c: {  	s16 =	sadd.s32 $0x400, s16;
	s24 =	sadd.s32 $0x400, s24;
	[tilespmem:s0+$0x54B0] =	vst v6  }
0x17d: {  	s14 =	sadd.s32 $0x1, s14  }
0x17e: {  	p0 =	sne.s32 s14, $0x3E  }
.Ltmp4:
0x17f: {  	_ = 	snop;
	(pc) =	sbr.rel @p0 .LBB2_2-.Ltmp4, $4  }
0x180: {  	s0 =	sadd.s32 s22, s10  }
0x181: {  	s0 =	sshrl.u32 s0, $0x3  }
0x182: {  	s12 =	simm.s32 $0x54B0;
	s0 =	sadd.s32 s9, s0  }
0x183: {  	[hbm4b:s0+s2] =	stream.linear.scatter [tilespmem:s12], [sflag:$0x6], $0x50, $0x38;
	[tilespmem:$0x5500] =	vst v63  }
0x184: {  	_ =	swait.ge [sflag:s19], $0x1400  }
0x185: {  	[sflag:s19] =	ssyncset.done $0x0  }
0x186: {  	[sflag:s19] =	ssyncadd.s32 $0xFFFFEC00  }
0x187: {  	_ =	swait.ge [sflag:s19], $0x1400  }
0x188: {  	[sflag:s19] =	ssyncset.done $0x0  }
0x189: {  	[sflag:s19] =	ssyncadd.s32 $0xFFFFEC00  }
0x18a: {  	_ =	swait.ge [sflag:s19], $0x50  }
0x18b: {  	[sflag:s19] =	ssyncset.done $0x0  }
0x18c: {  	[sflag:s19] =	ssyncadd.s32 $0xFFFFFFB0  }
0x18d: {  	_ =	swait.ge [sflag:s19], $0x50  }
0x18e: {  	[sflag:s19] =	ssyncset.done $0x0  }
0x18f: {  	s30 =	simm.s32 $0x5;
	[sflag:s19] =	ssyncadd.s32 $0xFFFFFFB0  }
0x190: {  	_ =	swait.ge [sflag:s30], $0x50  }
0x191: {  	s14 =	simm.s32 $0x0;
	s15 =	simm.s32 $0x340;
	[sflag:s30] =	ssyncset.done $0x0  }
0x192: {  	s16 =	simm.s32 $0x2B40;
	s12 =	simm.s32 $0x0;
	[sflag:s30] =	ssyncadd.s32 $0xFFFFFFB0  }
.LBB2_12:
0x193: {  	v6 =	vld [tilespmem:s15+$0xFFFFFFE0]  }
0x194: {  	v7 =	vld [tilespmem:s16+$0xFFFFFFE0];
	_ =	sdelay $0x2  }
0x195: {  	v8 =	vld [tilespmem:s15+$0xFFFFFFF0]  }
0x196: {  	v9 =	vld [tilespmem:s16+$0xFFFFFFF0]  }
0x197: {  	v10 =	vunpack.i.l.e4m3.bf16 v6;
	v11 =	vunpack.i.l.e4m3.bf16 v7  }
0x198: {  	v10 =	vmul.bf16 v11, v10  }
0x199: {  	v6 =	vunpack.i.u.e4m3.bf16 v6;
	v7 =	vunpack.i.u.e4m3.bf16 v7;
	v11 =	vld [tilespmem:s15+$0x0]  }
0x19a: {  	v6 =	vmul.bf16 v7, v6;
	v7 =	vadd.bf16 v3, v10;
	v10 =	vld [tilespmem:s16+$0x0]  }
0x19b: {  	v12 =	vunpack.i.l.e4m3.bf16 v8;
	v13 =	vunpack.i.l.e4m3.bf16 v9  }
0x19c: {  	v6 =	vadd.bf16 v7, v6;
	v7 =	vmul.bf16 v13, v12  }
0x19d: {  	v8 =	vunpack.i.u.e4m3.bf16 v8;
	v9 =	vunpack.i.u.e4m3.bf16 v9;
	v12 =	vld [tilespmem:s15+$0x10]  }
0x19e: {  	v6 =	vadd.bf16 v7, v6;
	v7 =	vmul.bf16 v9, v8;
	v8 =	vld [tilespmem:s16+$0x10]  }
0x19f: {  	v9 =	vunpack.i.l.e4m3.bf16 v11;
	v13 =	vunpack.i.l.e4m3.bf16 v10  }
0x1a0: {  	s0 =	sadd.s32 $0x40, s15;
	v6 =	vadd.bf16 v6, v7;
	v7 =	vmul.bf16 v13, v9  }
0x1a1: {  	s22 =	sadd.s32 $0x40, s16;
	v11 =	vunpack.i.u.e4m3.bf16 v11;
	v10 =	vunpack.i.u.e4m3.bf16 v10;
	v9 =	vld [tilespmem:s0+$0xFFFFFFE0]  }
0x1a2: {  	v13 =	vld [tilespmem:s22+$0xFFFFFFE0];
	v6 =	vadd.bf16 v7, v6;
	v7 =	vmul.bf16 v10, v11  }
0x1a3: {  	v10 =	vunpack.i.l.e4m3.bf16 v12;
	v11 =	vunpack.i.l.e4m3.bf16 v8  }
0x1a4: {  	v6 =	vadd.bf16 v6, v7;
	v7 =	vmul.bf16 v11, v10  }
0x1a5: {  	v8 =	vunpack.i.u.e4m3.bf16 v8;
	v11 =	vunpack.i.u.e4m3.bf16 v12  }
0x1a6: {  	v10 =	vld [tilespmem:s0+$0xFFFFFFF0];
	v6 =	vadd.bf16 v7, v6;
	v7 =	vmul.bf16 v8, v11  }
0x1a7: {  	v12 =	vld [tilespmem:s22+$0xFFFFFFF0];
	v8 =	vunpack.i.u.e4m3.bf16 v9;
	v9 =	vunpack.i.l.e4m3.bf16 v9;
	v11 =	vunpack.i.l.e4m3.bf16 v13  }
0x1a8: {  	v9 =	vmul.bf16 v11, v9  }
0x1a9: {  	v13 =	vunpack.i.u.e4m3.bf16 v13;
	v6 =	vadd.bf16 v6, v7  }
0x1aa: {  	v11 =	vld [tilespmem:s0+$0x0];
	v7 =	vmul.bf16 v13, v8;
	v8 =	vadd.bf16 v3, v9  }
0x1ab: {  	v13 =	vld [tilespmem:s22+$0x0];
	v14 =	vunpack.i.l.e4m3.bf16 v10;
	v9 =	vshll.u32 v6, $0x10;
	v6 =	vand.u32 $0xFFFF0000, v6  }
0x1ac: {  	v15 =	vunpack.i.l.e4m3.bf16 v12;
	v6 =	vadd.f32 v6, v9;
	v7 =	vadd.bf16 v8, v7  }
0x1ad: {  	v8 =	vmul.bf16 v15, v14;
	v9 =	vunpack.i.u.e4m3.bf16 v10;
	v10 =	vunpack.i.u.e4m3.bf16 v12  }
0x1ae: {  	v10 =	vmul.bf16 v10, v9;
	v9 =	vld [tilespmem:s22+$0x10];
	v12 =	vperm.xlane v6, v0  }
0x1af: {  	v14 =	vadd.bf16 v8, v7;
	v8 =	vld [tilespmem:s0+$0x10]  }
0x1b0: {  	v15 =	vunpack.i.l.e4m3.bf16 v11;
	v16 =	vunpack.i.l.e4m3.bf16 v13;
	v7 =	vadd.f32 v6, v12  }
0x1b1: {  	s28 =	sadd.s32 $0x40, s0;
	v6 =	vimm.f32 $0.0e+00;
	v10 =	vadd.bf16 v14, v10;
	v14 =	vmul.bf16 v16, v15  }
0x1b2: {  	s29 =	sadd.s32 $0x40, s22;
	v12 =	vld [tilespmem:s28+$0xFFFFFFE0];
	v15 =	vunpack.i.u.e4m3.bf16 v11;
	v16 =	vunpack.i.u.e4m3.bf16 v13;
	v11 =	vperm.xlane v7, v1  }
0x1b3: {  	s24 =	simm.s32 $0x1;
	s22 =	simm.s32 $0x2;
	s0 =	simm.s32 $0x3;
	v13 =	vld [tilespmem:s29+$0xFFFFFFE0];
	v15 =	vmul.bf16 v16, v15;
	v14 =	vadd.bf16 v14, v10;
	v10 =	vmov s14  }
.LBB2_13:
0x1b4: {  	p0 =	sne.s32 s0, $0xF;
	v16 =	vunpack.i.l.e4m3.bf16 v8;
	v17 =	vunpack.i.l.e4m3.bf16 v9;
	v7 =	vadd.f32 v7, v11  }
0x1b5: {  	vm0 =	veq.s32 v10, v5;
	v11 =	vld [tilespmem:s28+$0xFFFFFFF0];
	v14 =	vadd.bf16 v14, v15;
	v15 =	vmul.bf16 v17, v16  }
0x1b6: {  	v8 =	vunpack.i.u.e4m3.bf16 v8;
	v9 =	vunpack.i.u.e4m3.bf16 v9;
	v10 =	vperm.xlane v7, v2  }
0x1b7: {  	v8 =	vmul.bf16 v9, v8;
	v16 =	vunpack.i.u.e4m3.bf16 v12;
	v17 =	vld [tilespmem:s29+$0xFFFFFFF0];
	v14 =	vadd.bf16 v15, v14  }
0x1b8: {  	v9 =	vunpack.i.l.e4m3.bf16 v12;
	v12 =	vunpack.i.l.e4m3.bf16 v13;
	v7 =	vadd.f32 v7, v10  }
0x1b9: {  	v10 =	vunpack.i.u.e4m3.bf16 v13;
	v9 =	vmul.bf16 v12, v9;
	v8 =	vadd.bf16 v14, v8  }
0x1ba: {  	v10 =	vmul.bf16 v10, v16;
	v12 =	vunpack.i.l.e4m3.bf16 v11;
	v13 =	vld [tilespmem:s28+$0x0];
	v14 =	vperm.xlane v7, v4  }
0x1bb: {  	v9 =	vadd.bf16 v3, v9;
	v15 =	vld [tilespmem:s29+$0x0];
	v16 =	vshll.u32 v8, $0x10;
	v8 =	vand.u32 $0xFFFF0000, v8  }
0x1bc: {  	v18 =	vunpack.i.l.e4m3.bf16 v17;
	v16 =	vadd.f32 v8, v16;
	v7 =	vadd.f32 v7, v14  }
0x1bd: {  	v9 =	vadd.bf16 v9, v10;
	v10 =	vunpack.i.u.e4m3.bf16 v11;
	v11 =	vmul.bf16 v18, v12  }
0x1be: {  	v12 =	vunpack.i.u.e4m3.bf16 v17;
	v8 =	vld [tilespmem:s28+$0x10];
	v14 =	vperm.xlane v16, v0;
	v6 =	vsel vm0, v7, v6  }
.Ltmp5:
0x1bf: {  	v10 =	vmul.bf16 v12, v10;
	v11 =	vadd.bf16 v11, v9;
	v9 =	vld [tilespmem:s29+$0x10];
	(pc) =	sbr.rel @p0 .LBB2_13-.Ltmp5, $4  }
0x1c0: {  	v12 =	vunpack.i.l.e4m3.bf16 v13;
	v17 =	vunpack.i.l.e4m3.bf16 v15;
	v7 =	vadd.f32 v16, v14  }
0x1c1: {  	s28 =	sadd.s32 $0x40, s28;
	v10 =	vadd.bf16 v11, v10;
	v14 =	vmul.bf16 v17, v12  }
0x1c2: {  	s29 =	sadd.s32 $0x40, s29;
	v16 =	vunpack.i.u.e4m3.bf16 v13;
	v15 =	vunpack.i.u.e4m3.bf16 v15;
	v12 =	vld [tilespmem:s28+$0xFFFFFFE0];
	v11 =	vperm.xlane v7, v1  }
0x1c3: {  	v15 =	vmul.bf16 v15, v16;
	v13 =	vld [tilespmem:s29+$0xFFFFFFE0];
	v14 =	vadd.bf16 v14, v10;
	v10 =	vmov s24;
	s24 =	smov.u32 s22;
	s22 =	smov.u32 s0;
	s0 =	sadd.s32 $0x1, s0  }
0x1c4: {  	_ =	sdelay $0x1  }
0x1c5: {  	v16 =	vld [tilespmem:s28+$0xFFFFFFF0]  }
0x1c6: {  	v17 =	vld [tilespmem:s29+$0xFFFFFFF0]  }
0x1c7: {  	v18 =	vunpack.i.l.e4m3.bf16 v12;
	v19 =	vunpack.i.l.e4m3.bf16 v13  }
0x1c8: {  	v18 =	vmul.bf16 v19, v18  }
0x1c9: {  	v38 =	vld [tilespmem:s28+$0x0];
	v36 =	vunpack.i.u.e4m3.bf16 v12;
	v37 =	vunpack.i.u.e4m3.bf16 v13  }
0x1ca: {  	v20 =	vld [tilespmem:s29+$0x0];
	v12 =	vmul.bf16 v37, v36;
	v18 =	vadd.bf16 v3, v18  }
0x1cb: {  	v39 =	vunpack.i.l.e4m3.bf16 v16;
	v21 =	vunpack.i.l.e4m3.bf16 v17  }
0x1cc: {  	v40 =	vmul.bf16 v21, v39;
	v12 =	vadd.bf16 v18, v12  }
0x1cd: {  	v41 =	vld [tilespmem:s28+$0x10];
	v16 =	vunpack.i.u.e4m3.bf16 v16;
	v17 =	vunpack.i.u.e4m3.bf16 v17  }
0x1ce: {  	v42 =	vld [tilespmem:s29+$0x10];
	v45 =	vunpack.i.l.e4m3.bf16 v8;
	v16 =	vmul.bf16 v17, v16;
	v12 =	vadd.bf16 v40, v12  }
0x1cf: {  	v46 =	vunpack.i.l.e4m3.bf16 v9;
	v43 =	vunpack.i.l.e4m3.bf16 v38;
	v44 =	vunpack.i.l.e4m3.bf16 v20  }
0x1d0: {  	v48 =	vunpack.i.u.e4m3.bf16 v8;
	v17 =	vmul.bf16 v44, v43;
	v12 =	vadd.bf16 v12, v16  }
0x1d1: {  	v51 =	vunpack.i.u.e4m3.bf16 v9;
	v13 =	vunpack.i.u.e4m3.bf16 v38;
	v47 =	vunpack.i.u.e4m3.bf16 v20  }
0x1d2: {  	v14 =	vadd.bf16 v14, v15;
	v13 =	vmul.bf16 v47, v13;
	v12 =	vadd.bf16 v17, v12  }
0x1d3: {  	v49 =	vunpack.i.l.e4m3.bf16 v41;
	v50 =	vunpack.i.l.e4m3.bf16 v42;
	v16 =	vmul.bf16 v46, v45  }
0x1d4: {  	v8 =	vmul.bf16 v51, v48;
	v52 =	vmul.bf16 v50, v49;
	v12 =	vadd.bf16 v12, v13  }
0x1d5: {  	v53 =	vunpack.i.u.e4m3.bf16 v41;
	v15 =	vunpack.i.u.e4m3.bf16 v42;
	v14 =	vadd.bf16 v16, v14  }
0x1d6: {  	v9 =	vmul.bf16 v15, v53;
	v12 =	vadd.bf16 v52, v12  }
0x1d7: {  	v8 =	vadd.bf16 v14, v8  }
0x1d8: {  	v9 =	vadd.bf16 v12, v9  }
0x1d9: {  	v54 =	vshll.u32 v8, $0x10;
	v8 =	vand.u32 $0xFFFF0000, v8  }
0x1da: {  	v8 =	vadd.f32 v8, v54;
	v55 =	vshll.u32 v9, $0x10;
	v9 =	vand.u32 $0xFFFF0000, v9  }
0x1db: {  	v9 =	vadd.f32 v9, v55  }
0x1dc: {  	v56 =	vperm.xlane v8, v0  }
0x1dd: {  	v57 =	vperm.xlane v9, v0  }
0x1de: {  	v8 =	vadd.f32 v8, v56  }
0x1df: {  	v9 =	vadd.f32 v9, v57  }
0x1e0: {  	v7 =	vadd.f32 v7, v11;
	v58 =	vperm.xlane v8, v1  }
0x1e1: {  	v59 =	vperm.xlane v9, v1  }
0x1e2: {  	v60 =	vperm.xlane v7, v2;
	v8 =	vadd.f32 v8, v58  }
0x1e3: {  	v9 =	vadd.f32 v9, v59  }
0x1e4: {  	v7 =	vadd.f32 v7, v60;
	v11 =	vperm.xlane v8, v2  }
0x1e5: {  	v12 =	vperm.xlane v9, v2  }
0x1e6: {  	v13 =	vperm.xlane v7, v4;
	v8 =	vadd.f32 v8, v11  }
0x1e7: {  	s0 =	sshll.u32 s12, $0x4;
	v9 =	vadd.f32 v9, v12  }
0x1e8: {  	v61 =	vld [tilespmem:s0+$0x5320];
	v7 =	vadd.f32 v7, v13;
	v11 =	vperm.xlane v8, v4  }
0x1e9: {  	vm0 =	veq.s32 v10, v5;
	v63 =	vld [tilespmem:s0+$0x53C0];
	v62 =	vperm.xlane v9, v4  }
0x1ea: {  	v6 =	vsel vm0, v7, v6;
	v7 =	vmov s24;
	v8 =	vadd.f32 v8, v11  }
0x1eb: {  	vm14 =	veq.s32 v7, v5;
	v7 =	vmov s22;
	v9 =	vadd.f32 v9, v62  }
0x1ec: {  	s12 =	sadd.s32 $0x1, s12;
	vm15 =	veq.s32 v7, v5;
	v6 =	vsel vm14, v8, v6  }
0x1ed: {  	p0 =	sne.s32 s12, $0x5;
	v6 =	vsel vm15, v9, v6  }
.Ltmp6:
0x1ee: {  	v7 =	vadd.f32 v63, v61;
	v6 =	vadd.f32 v6, v6;
	(pc) =	sbr.rel @p0 .LBB2_12-.Ltmp6, $3  }
0x1ef: {  	_ = 	snop  }
0x1f0: {  	v6 =	vsub.f32 v7, v6;
	_ =	sdelay $0x1  }
0x1f1: {  	s15 =	sadd.s32 $0x400, s15;
	s16 =	sadd.s32 $0x400, s16;
	[tilespmem:s0+$0x5460] =	vst v6  }
0x1f2: {  	s0 =	rddreg [dreg:$0x8]  }
0x1f3: {  	[hbm4b:s0+s2] =	stream.linear.scatter [tilespmem:s20], [sflag:$0x5], $0x50, $0x38;
	[tilespmem:$0x5500] =	vst v63  }
0x1f4: {  	_ =	swait.ge [sflag:s30], $0x50  }
0x1f5: {  	[sflag:s30] =	ssyncset.done $0x0  }
0x1f6: {  	[sflag:s30] =	ssyncadd.s32 $0xFFFFFFB0  }
0x1f7: {  	_ =	swait.ge [sflag:s13], $0x50  }
0x1f8: {  	s12 =	rddreg [dreg:$0xa]  }
0x1f9: {  	s31 =	rddreg [dreg:$0x9];
	s12 =	sadd.s32 $0x1, s12  }
0x1fa: {  	p0 =	sne.s32 s12, s31  }
.Ltmp7:
0x1fb: {  	_ = 	snop;
	(pc) =	sbr.rel @p0 .LBB2_1-.Ltmp7, $3  }
0x1fc: {  	_ =	sdelay $0x1  }
0x1fd: {  	[sflag:s13] =	ssyncset.done $0x0  }
0x1fe: {  	[sflag:s13] =	ssyncadd.s32 $0xFFFFFFB0  }
0x1ff: {  	_ =	sfence.sel $0x180000  }
0x200: {  	[bflag:$0x0] =	sbarrier.arrive $0xFFFF  }
0x201: {  	_ =	strace $0x90000047  }
0x202: {  	s0 =	stileid.u32;
	[bflag:$0x2] =	sbarrier.arrive $0xFFFF  }
0x203: {  	p0 =	sne.s32 s0, $0x0;
	s0 =	rddreg [dreg:$0x1]  }
0x204: {  	s0 =	sadd.s32 @!p0 $0x100000, s0  }
0x205: {  	[sflag:s0] =	ssyncadd.tile.s32 @!p0 $0x1;
	_ =	shalt  }
.Lfunc_end2:
_tile_overlayer_lowered:
.L_overlay_start_2:
0x206: {  	(tag) =	ssettag $0x2  }
0x207: {  	s0 =	rddreg [dreg:$0x0];
	s2 =	stileid.u32  }
0x208: {  	s1 =	rddreg [dreg:$0x1];
	p0 =	sne.s32 s2, $0x0  }
0x209: {  	s3 =	rddreg [dreg:$0x2];
	[bflag:$0x3] =	sbarrier.arrive $0xFFFF;
	s2 =	simm.s32 @!p0 $0x1C07  }
0x20a: {  	[timem:s3], [sflag:s2] =	dma.local @!p0 [hbm:s0], s1  }
0x20b: {  	s0 =	simm.s32 @!p0 $0x7  }
0x20c: {  	_ =	swait.ge @!p0 [sflag:s0], s1  }
0x20d: {  	s1 =	ssub.s32 @!p0 $0x0, s1;
	[sflag:s0] =	ssyncset.done @!p0 $0x0  }
0x20e: {  	[sflag:s0] =	ssyncadd.s32 @!p0 s1  }
0x20f: {  	[bflag:$0x3] =	sbarrier.arrive $0xFFFF  }
0x210: {  	_ =	shalt  }

</sc_bundles>
